<compile_context>
chip_gen: v7x
topology: tpu7x:2x2x1
jax: 0.10.2.dev20260603
libtpu: 0.0.44.dev20260713+nightly
codegen_flags: <defaults>
</compile_context>

<pallas_src>
import jax
import jax.numpy as jnp
from jax import lax
from jax.experimental import pallas as pl
from jax.experimental.pallas import tpu as pltpu
from jax.experimental.pallas import tpu_sc as plsc

VOCAB = 1000
BATCH = 16384
HIST = 50
EMB_DIM = 50
TSTRIDE = 1024
NC = 2
NS = 16
NW = NC * NS
B_PER_W = BATCH // NW
HALF = B_PER_W // 2
L = 16


def _body(xt_hbm, tbl_hbm, out_hbm, tbl_v, xt_v, slab0, slab1,
          sem_x, sem_w0, sem_w1):
    wid = lax.axis_index("s") * NC + lax.axis_index("c")
    b0 = wid * B_PER_W

    pltpu.async_copy(xt_hbm.at[:, pl.ds(b0, B_PER_W)], xt_v, sem_x)
    pltpu.sync_copy(tbl_hbm, tbl_v)
    pltpu.make_async_copy(xt_hbm.at[:, pl.ds(b0, B_PER_W)], xt_v, sem_x).wait()

    def fill(h, off, slab):
        @plsc.parallel_loop(0, HALF // L)
        def group(bb):
            idx = xt_v[h, pl.ds(off + bb * L, L)]
            for d in range(EMB_DIM):
                v = plsc.load_gather(tbl_v, [idx + d * TSTRIDE])
                slab[d, pl.ds(bb * L, L)] = v

    def out_ref(h, off):
        return out_hbm.at[h, :, pl.ds(b0 + off, HALF)]

    def h_body(h, _):
        @pl.when(h > 0)
        def _():
            pltpu.make_async_copy(slab0, out_ref(h, 0), sem_w0).wait()

        fill(h, 0, slab0)
        pltpu.async_copy(slab0, out_ref(h, 0), sem_w0)

        @pl.when(h > 0)
        def _():
            pltpu.make_async_copy(slab1, out_ref(h, HALF), sem_w1).wait()

        fill(h, HALF, slab1)
        pltpu.async_copy(slab1, out_ref(h, HALF), sem_w1)
        return 0

    lax.fori_loop(0, HIST, h_body, 0)
    pltpu.make_async_copy(slab0, out_ref(HIST - 1, 0), sem_w0).wait()
    pltpu.make_async_copy(slab1, out_ref(HIST - 1, HALF), sem_w1).wait()


@jax.jit
def kernel(X, table):
    xt = X.T
    tbl1 = jnp.pad(table.T, ((0, 0), (0, TSTRIDE - VOCAB - 1))).reshape(
        EMB_DIM * TSTRIDE
    )
    mesh = plsc.VectorSubcoreMesh(core_axis_name="c", subcore_axis_name="s")
    out = pl.kernel(
        _body,
        out_type=jax.ShapeDtypeStruct((HIST, EMB_DIM, BATCH), jnp.float32),
        mesh=mesh,
        scratch_types=[
            pltpu.VMEM((EMB_DIM * TSTRIDE,), jnp.float32),
            pltpu.VMEM((HIST, B_PER_W), jnp.int32),
            pltpu.VMEM((EMB_DIM, HALF), jnp.float32),
            pltpu.VMEM((EMB_DIM, HALF), jnp.float32),
            pltpu.SemaphoreType.DMA,
            pltpu.SemaphoreType.DMA,
            pltpu.SemaphoreType.DMA,
        ],
        compiler_params=pltpu.CompilerParams(needs_layout_passes=False),
    )(xt, tbl1)
    return out.transpose(2, 0, 1)

# --- scband reference (transcript-rebuilt; emitter-appended) ---
"""Pipeline reference for scband-single-embedding-layer-6528350289948 (READ-ONLY COPY).

The authoritative reference and input builder live on the scoring server;
editing this copy changes nothing except your own understanding.
"""

import jax, jax.numpy as jnp
import numpy as np

VOCAB = 1000
N_OOV = 1
VOCAB_SIZE = VOCAB + N_OOV  # 1001
EMB_DIM = 50  # min(ceil(1001/2), 50)
BATCH = 16384
HIST = 50


def setup_inputs(seed: int = 0):
    key = jax.random.key(seed)
    k1, k2 = jax.random.split(key)
    # Input keys drawn from the vocabulary values (which are arange(VOCAB))
    X = jax.random.randint(k1, (BATCH, HIST), 0, VOCAB, dtype=jnp.int32)
    # Embedding table (keras Embedding default init is uniform(-0.05, 0.05))
    table = jax.random.uniform(k2, (VOCAB_SIZE, EMB_DIM), dtype=jnp.float32, minval=-0.05, maxval=0.05)
    return {"X": X, "table": table}


def reference(X, table):
    # StaticVocabularyTable with keys = arange(VOCAB) and values = arange(VOCAB):
    # in-vocab keys map to themselves; any OOV key hashes into the single OOV
    # bucket, i.e. index VOCAB (since nOov == 1).
    idx = jnp.where((X >= 0) & (X < VOCAB), X, VOCAB)
    # Embedding lookup
    return jnp.take(table, idx, axis=0)

if __name__ == "__main__":
    import jax
    _d = setup_inputs()
    print(jax.jit(kernel)(*tuple(_d.values())))

</pallas_src>

<mosaic_0001>
#map = affine_map<(d0, d1) -> (0, 0)>
#map1 = affine_map<(d0, d1) -> (0)>
#map2 = affine_map<(d0, d1) -> (0, 0, 0)>
module attributes {stable_mosaic.version = 14 : i64} {
  func.func @_body(%arg0: i32, %arg1: i32, %arg2: memref<50x16384xi32, #tpu.memory_space<hbm>>, %arg3: memref<51200xf32, #tpu.memory_space<hbm>>, %arg4: memref<50x50x16384xf32, #tpu.memory_space<hbm>>, %arg5: memref<51200xf32, #tpu.memory_space<vmem>>, %arg6: memref<50x512xi32, #tpu.memory_space<vmem>>, %arg7: memref<50x256xf32, #tpu.memory_space<vmem>>, %arg8: memref<50x256xf32, #tpu.memory_space<vmem>>, %arg9: memref<!tpu.dma_semaphore, #tpu.memory_space<semaphore_mem>>, %arg10: memref<!tpu.dma_semaphore, #tpu.memory_space<semaphore_mem>>, %arg11: memref<!tpu.dma_semaphore, #tpu.memory_space<semaphore_mem>>) attributes {dimension_semantics = [#tpu.dimension_semantics<core_parallel>, #tpu.dimension_semantics<subcore_parallel>], iteration_bounds = array<i64: 2, 16>, scalar_prefetch = 0 : i64, scratch_operands = 7 : i64, tpu.core_type = #tpu.core_type<sc_vector_subcore>, window_params = [{transform_indices = #map}, {transform_indices = #map1}, {transform_indices = #map2}]} {
    %mul3A = arith.constant 2 : i32
    %mul3A_0 = arith.muli %arg1, %mul3A : i32
    %add3A = arith.addi %mul3A_0, %arg0 : i32
    %mul3A_1 = arith.constant 512 : i32
    %mul3A_2 = arith.muli %add3A, %mul3A_1 : i32
    %dma_start3A = arith.constant 0 : i32
    %dma_start3A_3 = tpu.memref_slice %arg2[%dma_start3A, %mul3A_2] : memref<50x16384xi32, #tpu.memory_space<hbm>> -> memref<50x512xi32, #tpu.memory_space<hbm>>
    %dma_start3A_4 = arith.constant 0 : i32
    %dma_start3A_5 = tpu.memref_slice %arg2[%dma_start3A_4, %mul3A_2] : memref<50x16384xi32, #tpu.memory_space<hbm>> -> memref<50x512xi32, #tpu.memory_space<hbm>>
    tpu.enqueue_dma source(%dma_start3A_5 : memref<50x512xi32, #tpu.memory_space<hbm>>) target(%arg6 : memref<50x512xi32, #tpu.memory_space<vmem>>) target_semaphore(%arg9 : memref<!tpu.dma_semaphore, #tpu.memory_space<semaphore_mem>>)
    "tpu.region"() ({
      %run_scoped3A = tpu.sem_alloc : memref<!tpu.dma_semaphore, #tpu.memory_space<semaphore_mem>>
      tpu.enqueue_dma source(%arg3 : memref<51200xf32, #tpu.memory_space<hbm>>) target(%arg5 : memref<51200xf32, #tpu.memory_space<vmem>>) target_semaphore(%run_scoped3A : memref<!tpu.dma_semaphore, #tpu.memory_space<semaphore_mem>>)
      tpu.wait_dma2 semaphore(%run_scoped3A : memref<!tpu.dma_semaphore, #tpu.memory_space<semaphore_mem>>) src(%arg3 : memref<51200xf32, #tpu.memory_space<hbm>>) dst(%arg5 : memref<51200xf32, #tpu.memory_space<vmem>>)
      tpu.yield
    }) : () -> ()
    %dma_wait3A = arith.constant 0 : i32
    %dma_wait3A_6 = tpu.memref_slice %arg2[%dma_wait3A, %mul3A_2] : memref<50x16384xi32, #tpu.memory_space<hbm>> -> memref<50x512xi32, #tpu.memory_space<hbm>>
    %dma_wait3A_7 = arith.constant 0 : i32
    %dma_wait3A_8 = tpu.memref_slice %arg2[%dma_wait3A_7, %mul3A_2] : memref<50x16384xi32, #tpu.memory_space<hbm>> -> memref<50x512xi32, #tpu.memory_space<hbm>>
    tpu.wait_dma2 semaphore(%arg9 : memref<!tpu.dma_semaphore, #tpu.memory_space<semaphore_mem>>) src(%dma_wait3A_8 : memref<50x512xi32, #tpu.memory_space<hbm>>) dst(%arg6 : memref<50x512xi32, #tpu.memory_space<vmem>>)
    %scan3A = arith.constant 0 : i32
    %scan3A_9 = arith.constant 0 : i32
    %scan3A_10 = arith.constant 50 : i32
    %scan3A_11 = arith.addi %scan3A_9, %scan3A_10 : i32
    %scan3A_12 = arith.constant 1 : i32
    %scan3A_13 = scf.for %scan3A_33 = %scan3A_9 to %scan3A_11 step %scan3A_12 iter_args(%scan3A_34 = %scan3A) -> (i32)  : i32 {
      %gt3A = arith.constant 0 : i32
      %gt3A_35 = arith.cmpi sgt, %scan3A_33, %gt3A : i32
      %convert_element_type3A = arith.extui %gt3A_35 : i1 to i32
      %cond3A = arith.constant 0 : i32
      %cond3A_36 = arith.cmpi ne, %convert_element_type3A, %cond3A : i32
      scf.if %cond3A_36 {
        %add3A_64 = arith.constant 0 : i32
        %add3A_65 = arith.addi %mul3A_2, %add3A_64 : i32
        %dma_wait3A_66 = arith.constant 0 : i32
        %dma_wait3A_67 = tpu.memref_slice %arg4[%scan3A_33, %dma_wait3A_66, %add3A_65] : memref<50x50x16384xf32, #tpu.memory_space<hbm>> -> memref<1x50x256xf32, #tpu.memory_space<hbm>>
        %dma_wait3A_68 = tpu.memref_squeeze %dma_wait3A_67 : memref<1x50x256xf32, #tpu.memory_space<hbm>> -> memref<50x256xf32, #tpu.memory_space<hbm>>
        %dma_wait3A_69 = arith.constant 0 : i32
        %dma_wait3A_70 = tpu.memref_slice %arg4[%scan3A_33, %dma_wait3A_69, %add3A_65] : memref<50x50x16384xf32, #tpu.memory_space<hbm>> -> memref<1x50x256xf32, #tpu.memory_space<hbm>>
        %dma_wait3A_71 = tpu.memref_squeeze %dma_wait3A_70 : memref<1x50x256xf32, #tpu.memory_space<hbm>> -> memref<50x256xf32, #tpu.memory_space<hbm>>
        tpu.wait_dma2 semaphore(%arg10 : memref<!tpu.dma_semaphore, #tpu.memory_space<semaphore_mem>>) src(%arg7 : memref<50x256xf32, #tpu.memory_space<vmem>>) dst(%dma_wait3A_71 : memref<50x256xf32, #tpu.memory_space<hbm>>)
      } else {
      }
      %parallel_loop3A = arith.constant 0 : i32
      %parallel_loop3A_37 = arith.constant 16 : i32
      %parallel_loop3A_38 = arith.constant 1 : i32
      scf.for %parallel_loop3A_64 = %parallel_loop3A to %parallel_loop3A_37 step %parallel_loop3A_38  : i32 {
        %parallel_loop3A_65 = arith.constant 16 : i32
        %parallel_loop3A_66 = arith.muli %parallel_loop3A_64, %parallel_loop3A_65 : i32
        %parallel_loop3A_67 = arith.constant 0 : i32
        %parallel_loop3A_68 = arith.addi %parallel_loop3A_67, %parallel_loop3A_66 : i32
        %parallel_loop3A_69 = arith.index_cast %scan3A_33 : i32 to index
        %parallel_loop3A_70 = arith.index_cast %parallel_loop3A_68 : i32 to index
        %parallel_loop3A_71 = tpu.vector_load %arg6[%parallel_loop3A_69, %parallel_loop3A_70] {strides = array<i32>} : memref<50x512xi32, #tpu.memory_space<vmem>>, vector<16xi32>,
        %parallel_loop3A_72 = arith.constant 0 : i32
        %parallel_loop3A_73 = vector.broadcast %parallel_loop3A_72 : i32 to vector<16xi32>
        %parallel_loop3A_74 = arith.addi %parallel_loop3A_71, %parallel_loop3A_73 : vector<16xi32>
        %parallel_loop3A_75 = tpu.vector_load_idx %arg5[%parallel_loop3A_74] : memref<51200xf32, #tpu.memory_space<vmem>>[vector<16xi32>], vector<16xf32>,
        %parallel_loop3A_76 = arith.constant 16 : i32
        %parallel_loop3A_77 = arith.muli %parallel_loop3A_64, %parallel_loop3A_76 : i32
        %parallel_loop3A_78 = arith.constant 0 : i32
        %parallel_loop3A_79 = arith.index_cast %parallel_loop3A_78 : i32 to index
        %parallel_loop3A_80 = arith.index_cast %parallel_loop3A_77 : i32 to index
        %parallel_loop3A_81 = tpu.vector_load %arg7[%parallel_loop3A_79, %parallel_loop3A_80] {strides = array<i32>} : memref<50x256xf32, #tpu.memory_space<vmem>>, vector<16xf32>,
        tpu.vector_store %arg7[%parallel_loop3A_79, %parallel_loop3A_80], %parallel_loop3A_75 {strides = array<i32>} : memref<50x256xf32, #tpu.memory_space<vmem>>, vector<16xf32>,
        %parallel_loop3A_82 = arith.constant 1024 : i32
        %parallel_loop3A_83 = vector.broadcast %parallel_loop3A_82 : i32 to vector<16xi32>
        %parallel_loop3A_84 = arith.addi %parallel_loop3A_71, %parallel_loop3A_83 : vector<16xi32>
        %parallel_loop3A_85 = tpu.vector_load_idx %arg5[%parallel_loop3A_84] : memref<51200xf32, #tpu.memory_space<vmem>>[vector<16xi32>], vector<16xf32>,
        %parallel_loop3A_86 = arith.constant 16 : i32
        %parallel_loop3A_87 = arith.muli %parallel_loop3A_64, %parallel_loop3A_86 : i32
        %parallel_loop3A_88 = arith.constant 1 : i32
        %parallel_loop3A_89 = arith.index_cast %parallel_loop3A_88 : i32 to index
        %parallel_loop3A_90 = arith.index_cast %parallel_loop3A_87 : i32 to index
        %parallel_loop3A_91 = tpu.vector_load %arg7[%parallel_loop3A_89, %parallel_loop3A_90] {strides = array<i32>} : memref<50x256xf32, #tpu.memory_space<vmem>>, vector<16xf32>,
        tpu.vector_store %arg7[%parallel_loop3A_89, %parallel_loop3A_90], %parallel_loop3A_85 {strides = array<i32>} : memref<50x256xf32, #tpu.memory_space<vmem>>, vector<16xf32>,
        %parallel_loop3A_92 = arith.constant 2048 : i32
        %parallel_loop3A_93 = vector.broadcast %parallel_loop3A_92 : i32 to vector<16xi32>
        %parallel_loop3A_94 = arith.addi %parallel_loop3A_71, %parallel_loop3A_93 : vector<16xi32>
        %parallel_loop3A_95 = tpu.vector_load_idx %arg5[%parallel_loop3A_94] : memref<51200xf32, #tpu.memory_space<vmem>>[vector<16xi32>], vector<16xf32>,
        %parallel_loop3A_96 = arith.constant 16 : i32
        %parallel_loop3A_97 = arith.muli %parallel_loop3A_64, %parallel_loop3A_96 : i32
        %parallel_loop3A_98 = arith.constant 2 : i32
        %parallel_loop3A_99 = arith.index_cast %parallel_loop3A_98 : i32 to index
        %parallel_loop3A_100 = arith.index_cast %parallel_loop3A_97 : i32 to index
        %parallel_loop3A_101 = tpu.vector_load %arg7[%parallel_loop3A_99, %parallel_loop3A_100] {strides = array<i32>} : memref<50x256xf32, #tpu.memory_space<vmem>>, vector<16xf32>,
        tpu.vector_store %arg7[%parallel_loop3A_99, %parallel_loop3A_100], %parallel_loop3A_95 {strides = array<i32>} : memref<50x256xf32, #tpu.memory_space<vmem>>, vector<16xf32>,
        %parallel_loop3A_102 = arith.constant 3072 : i32
        %parallel_loop3A_103 = vector.broadcast %parallel_loop3A_102 : i32 to vector<16xi32>
        %parallel_loop3A_104 = arith.addi %parallel_loop3A_71, %parallel_loop3A_103 : vector<16xi32>
        %parallel_loop3A_105 = tpu.vector_load_idx %arg5[%parallel_loop3A_104] : memref<51200xf32, #tpu.memory_space<vmem>>[vector<16xi32>], vector<16xf32>,
        %parallel_loop3A_106 = arith.constant 16 : i32
        %parallel_loop3A_107 = arith.muli %parallel_loop3A_64, %parallel_loop3A_106 : i32
        %parallel_loop3A_108 = arith.constant 3 : i32
        %parallel_loop3A_109 = arith.index_cast %parallel_loop3A_108 : i32 to index
        %parallel_loop3A_110 = arith.index_cast %parallel_loop3A_107 : i32 to index
        %parallel_loop3A_111 = tpu.vector_load %arg7[%parallel_loop3A_109, %parallel_loop3A_110] {strides = array<i32>} : memref<50x256xf32, #tpu.memory_space<vmem>>, vector<16xf32>,
        tpu.vector_store %arg7[%parallel_loop3A_109, %parallel_loop3A_110], %parallel_loop3A_105 {strides = array<i32>} : memref<50x256xf32, #tpu.memory_space<vmem>>, vector<16xf32>,
        %parallel_loop3A_112 = arith.constant 4096 : i32
        %parallel_loop3A_113 = vector.broadcast %parallel_loop3A_112 : i32 to vector<16xi32>
        %parallel_loop3A_114 = arith.addi %parallel_loop3A_71, %parallel_loop3A_113 : vector<16xi32>
        %parallel_loop3A_115 = tpu.vector_load_idx %arg5[%parallel_loop3A_114] : memref<51200xf32, #tpu.memory_space<vmem>>[vector<16xi32>], vector<16xf32>,
        %parallel_loop3A_116 = arith.constant 16 : i32
        %parallel_loop3A_117 = arith.muli %parallel_loop3A_64, %parallel_loop3A_116 : i32
        %parallel_loop3A_118 = arith.constant 4 : i32
        %parallel_loop3A_119 = arith.index_cast %parallel_loop3A_118 : i32 to index
        %parallel_loop3A_120 = arith.index_cast %parallel_loop3A_117 : i32 to index
        %parallel_loop3A_121 = tpu.vector_load %arg7[%parallel_loop3A_119, %parallel_loop3A_120] {strides = array<i32>} : memref<50x256xf32, #tpu.memory_space<vmem>>, vector<16xf32>,
        tpu.vector_store %arg7[%parallel_loop3A_119, %parallel_loop3A_120], %parallel_loop3A_115 {strides = array<i32>} : memref<50x256xf32, #tpu.memory_space<vmem>>, vector<16xf32>,
        %parallel_loop3A_122 = arith.constant 5120 : i32
        %parallel_loop3A_123 = vector.broadcast %parallel_loop3A_122 : i32 to vector<16xi32>
        %parallel_loop3A_124 = arith.addi %parallel_loop3A_71, %parallel_loop3A_123 : vector<16xi32>
        %parallel_loop3A_125 = tpu.vector_load_idx %arg5[%parallel_loop3A_124] : memref<51200xf32, #tpu.memory_space<vmem>>[vector<16xi32>], vector<16xf32>,
        %parallel_loop3A_126 = arith.constant 16 : i32
        %parallel_loop3A_127 = arith.muli %parallel_loop3A_64, %parallel_loop3A_126 : i32
        %parallel_loop3A_128 = arith.constant 5 : i32
        %parallel_loop3A_129 = arith.index_cast %parallel_loop3A_128 : i32 to index
        %parallel_loop3A_130 = arith.index_cast %parallel_loop3A_127 : i32 to index
        %parallel_loop3A_131 = tpu.vector_load %arg7[%parallel_loop3A_129, %parallel_loop3A_130] {strides = array<i32>} : memref<50x256xf32, #tpu.memory_space<vmem>>, vector<16xf32>,
        tpu.vector_store %arg7[%parallel_loop3A_129, %parallel_loop3A_130], %parallel_loop3A_125 {strides = array<i32>} : memref<50x256xf32, #tpu.memory_space<vmem>>, vector<16xf32>,
        %parallel_loop3A_132 = arith.constant 6144 : i32
        %parallel_loop3A_133 = vector.broadcast %parallel_loop3A_132 : i32 to vector<16xi32>
        %parallel_loop3A_134 = arith.addi %parallel_loop3A_71, %parallel_loop3A_133 : vector<16xi32>
        %parallel_loop3A_135 = tpu.vector_load_idx %arg5[%parallel_loop3A_134] : memref<51200xf32, #tpu.memory_space<vmem>>[vector<16xi32>], vector<16xf32>,
        %parallel_loop3A_136 = arith.constant 16 : i32
        %parallel_loop3A_137 = arith.muli %parallel_loop3A_64, %parallel_loop3A_136 : i32
        %parallel_loop3A_138 = arith.constant 6 : i32
        %parallel_loop3A_139 = arith.index_cast %parallel_loop3A_138 : i32 to index
        %parallel_loop3A_140 = arith.index_cast %parallel_loop3A_137 : i32 to index
        %parallel_loop3A_141 = tpu.vector_load %arg7[%parallel_loop3A_139, %parallel_loop3A_140] {strides = array<i32>} : memref<50x256xf32, #tpu.memory_space<vmem>>, vector<16xf32>,
        tpu.vector_store %arg7[%parallel_loop3A_139, %parallel_loop3A_140], %parallel_loop3A_135 {strides = array<i32>} : memref<50x256xf32, #tpu.memory_space<vmem>>, vector<16xf32>,
        %parallel_loop3A_142 = arith.constant 7168 : i32
        %parallel_loop3A_143 = vector.broadcast %parallel_loop3A_142 : i32 to vector<16xi32>
        %parallel_loop3A_144 = arith.addi %parallel_loop3A_71, %parallel_loop3A_143 : vector<16xi32>
        %parallel_loop3A_145 = tpu.vector_load_idx %arg5[%parallel_loop3A_144] : memref<51200xf32, #tpu.memory_space<vmem>>[vector<16xi32>], vector<16xf32>,
        %parallel_loop3A_146 = arith.constant 16 : i32
        %parallel_loop3A_147 = arith.muli %parallel_loop3A_64, %parallel_loop3A_146 : i32
        %parallel_loop3A_148 = arith.constant 7 : i32
        %parallel_loop3A_149 = arith.index_cast %parallel_loop3A_148 : i32 to index
        %parallel_loop3A_150 = arith.index_cast %parallel_loop3A_147 : i32 to index
        %parallel_loop3A_151 = tpu.vector_load %arg7[%parallel_loop3A_149, %parallel_loop3A_150] {strides = array<i32>} : memref<50x256xf32, #tpu.memory_space<vmem>>, vector<16xf32>,
        tpu.vector_store %arg7[%parallel_loop3A_149, %parallel_loop3A_150], %parallel_loop3A_145 {strides = array<i32>} : memref<50x256xf32, #tpu.memory_space<vmem>>, vector<16xf32>,
        %parallel_loop3A_152 = arith.constant 8192 : i32
        %parallel_loop3A_153 = vector.broadcast %parallel_loop3A_152 : i32 to vector<16xi32>
        %parallel_loop3A_154 = arith.addi %parallel_loop3A_71, %parallel_loop3A_153 : vector<16xi32>
        %parallel_loop3A_155 = tpu.vector_load_idx %arg5[%parallel_loop3A_154] : memref<51200xf32, #tpu.memory_space<vmem>>[vector<16xi32>], vector<16xf32>,
        %parallel_loop3A_156 = arith.constant 16 : i32
        %parallel_loop3A_157 = arith.muli %parallel_loop3A_64, %parallel_loop3A_156 : i32
        %parallel_loop3A_158 = arith.constant 8 : i32
        %parallel_loop3A_159 = arith.index_cast %parallel_loop3A_158 : i32 to index
        %parallel_loop3A_160 = arith.index_cast %parallel_loop3A_157 : i32 to index
        %parallel_loop3A_161 = tpu.vector_load %arg7[%parallel_loop3A_159, %parallel_loop3A_160] {strides = array<i32>} : memref<50x256xf32, #tpu.memory_space<vmem>>, vector<16xf32>,
        tpu.vector_store %arg7[%parallel_loop3A_159, %parallel_loop3A_160], %parallel_loop3A_155 {strides = array<i32>} : memref<50x256xf32, #tpu.memory_space<vmem>>, vector<16xf32>,
        %parallel_loop3A_162 = arith.constant 9216 : i32
        %parallel_loop3A_163 = vector.broadcast %parallel_loop3A_162 : i32 to vector<16xi32>
        %parallel_loop3A_164 = arith.addi %parallel_loop3A_71, %parallel_loop3A_163 : vector<16xi32>
        %parallel_loop3A_165 = tpu.vector_load_idx %arg5[%parallel_loop3A_164] : memref<51200xf32, #tpu.memory_space<vmem>>[vector<16xi32>], vector<16xf32>,
        %parallel_loop3A_166 = arith.constant 16 : i32
        %parallel_loop3A_167 = arith.muli %parallel_loop3A_64, %parallel_loop3A_166 : i32
        %parallel_loop3A_168 = arith.constant 9 : i32
        %parallel_loop3A_169 = arith.index_cast %parallel_loop3A_168 : i32 to index
        %parallel_loop3A_170 = arith.index_cast %parallel_loop3A_167 : i32 to index
        %parallel_loop3A_171 = tpu.vector_load %arg7[%parallel_loop3A_169, %parallel_loop3A_170] {strides = array<i32>} : memref<50x256xf32, #tpu.memory_space<vmem>>, vector<16xf32>,
        tpu.vector_store %arg7[%parallel_loop3A_169, %parallel_loop3A_170], %parallel_loop3A_165 {strides = array<i32>} : memref<50x256xf32, #tpu.memory_space<vmem>>, vector<16xf32>,
        %parallel_loop3A_172 = arith.constant 10240 : i32
        %parallel_loop3A_173 = vector.broadcast %parallel_loop3A_172 : i32 to vector<16xi32>
        %parallel_loop3A_174 = arith.addi %parallel_loop3A_71, %parallel_loop3A_173 : vector<16xi32>
        %parallel_loop3A_175 = tpu.vector_load_idx %arg5[%parallel_loop3A_174] : memref<51200xf32, #tpu.memory_space<vmem>>[vector<16xi32>], vector<16xf32>,
        %parallel_loop3A_176 = arith.constant 16 : i32
        %parallel_loop3A_177 = arith.muli %parallel_loop3A_64, %parallel_loop3A_176 : i32
        %parallel_loop3A_178 = arith.constant 10 : i32
        %parallel_loop3A_179 = arith.index_cast %parallel_loop3A_178 : i32 to index
        %parallel_loop3A_180 = arith.index_cast %parallel_loop3A_177 : i32 to index
        %parallel_loop3A_181 = tpu.vector_load %arg7[%parallel_loop3A_179, %parallel_loop3A_180] {strides = array<i32>} : memref<50x256xf32, #tpu.memory_space<vmem>>, vector<16xf32>,
        tpu.vector_store %arg7[%parallel_loop3A_179, %parallel_loop3A_180], %parallel_loop3A_175 {strides = array<i32>} : memref<50x256xf32, #tpu.memory_space<vmem>>, vector<16xf32>,
        %parallel_loop3A_182 = arith.constant 11264 : i32
        %parallel_loop3A_183 = vector.broadcast %parallel_loop3A_182 : i32 to vector<16xi32>
        %parallel_loop3A_184 = arith.addi %parallel_loop3A_71, %parallel_loop3A_183 : vector<16xi32>
        %parallel_loop3A_185 = tpu.vector_load_idx %arg5[%parallel_loop3A_184] : memref<51200xf32, #tpu.memory_space<vmem>>[vector<16xi32>], vector<16xf32>,
        %parallel_loop3A_186 = arith.constant 16 : i32
        %parallel_loop3A_187 = arith.muli %parallel_loop3A_64, %parallel_loop3A_186 : i32
        %parallel_loop3A_188 = arith.constant 11 : i32
        %parallel_loop3A_189 = arith.index_cast %parallel_loop3A_188 : i32 to index
        %parallel_loop3A_190 = arith.index_cast %parallel_loop3A_187 : i32 to index
        %parallel_loop3A_191 = tpu.vector_load %arg7[%parallel_loop3A_189, %parallel_loop3A_190] {strides = array<i32>} : memref<50x256xf32, #tpu.memory_space<vmem>>, vector<16xf32>,
        tpu.vector_store %arg7[%parallel_loop3A_189, %parallel_loop3A_190], %parallel_loop3A_185 {strides = array<i32>} : memref<50x256xf32, #tpu.memory_space<vmem>>, vector<16xf32>,
        %parallel_loop3A_192 = arith.constant 12288 : i32
        %parallel_loop3A_193 = vector.broadcast %parallel_loop3A_192 : i32 to vector<16xi32>
        %parallel_loop3A_194 = arith.addi %parallel_loop3A_71, %parallel_loop3A_193 : vector<16xi32>
        %parallel_loop3A_195 = tpu.vector_load_idx %arg5[%parallel_loop3A_194] : memref<51200xf32, #tpu.memory_space<vmem>>[vector<16xi32>], vector<16xf32>,
        %parallel_loop3A_196 = arith.constant 16 : i32
        %parallel_loop3A_197 = arith.muli %parallel_loop3A_64, %parallel_loop3A_196 : i32
        %parallel_loop3A_198 = arith.constant 12 : i32
        %parallel_loop3A_199 = arith.index_cast %parallel_loop3A_198 : i32 to index
        %parallel_loop3A_200 = arith.index_cast %parallel_loop3A_197 : i32 to index
        %parallel_loop3A_201 = tpu.vector_load %arg7[%parallel_loop3A_199, %parallel_loop3A_200] {strides = array<i32>} : memref<50x256xf32, #tpu.memory_space<vmem>>, vector<16xf32>,
        tpu.vector_store %arg7[%parallel_loop3A_199, %parallel_loop3A_200], %parallel_loop3A_195 {strides = array<i32>} : memref<50x256xf32, #tpu.memory_space<vmem>>, vector<16xf32>,
        %parallel_loop3A_202 = arith.constant 13312 : i32
        %parallel_loop3A_203 = vector.broadcast %parallel_loop3A_202 : i32 to vector<16xi32>
        %parallel_loop3A_204 = arith.addi %parallel_loop3A_71, %parallel_loop3A_203 : vector<16xi32>
        %parallel_loop3A_205 = tpu.vector_load_idx %arg5[%parallel_loop3A_204] : memref<51200xf32, #tpu.memory_space<vmem>>[vector<16xi32>], vector<16xf32>,
        %parallel_loop3A_206 = arith.constant 16 : i32
        %parallel_loop3A_207 = arith.muli %parallel_loop3A_64, %parallel_loop3A_206 : i32
        %parallel_loop3A_208 = arith.constant 13 : i32
        %parallel_loop3A_209 = arith.index_cast %parallel_loop3A_208 : i32 to index
        %parallel_loop3A_210 = arith.index_cast %parallel_loop3A_207 : i32 to index
        %parallel_loop3A_211 = tpu.vector_load %arg7[%parallel_loop3A_209, %parallel_loop3A_210] {strides = array<i32>} : memref<50x256xf32, #tpu.memory_space<vmem>>, vector<16xf32>,
        tpu.vector_store %arg7[%parallel_loop3A_209, %parallel_loop3A_210], %parallel_loop3A_205 {strides = array<i32>} : memref<50x256xf32, #tpu.memory_space<vmem>>, vector<16xf32>,
        %parallel_loop3A_212 = arith.constant 14336 : i32
        %parallel_loop3A_213 = vector.broadcast %parallel_loop3A_212 : i32 to vector<16xi32>
        %parallel_loop3A_214 = arith.addi %parallel_loop3A_71, %parallel_loop3A_213 : vector<16xi32>
        %parallel_loop3A_215 = tpu.vector_load_idx %arg5[%parallel_loop3A_214] : memref<51200xf32, #tpu.memory_space<vmem>>[vector<16xi32>], vector<16xf32>,
        %parallel_loop3A_216 = arith.constant 16 : i32
        %parallel_loop3A_217 = arith.muli %parallel_loop3A_64, %parallel_loop3A_216 : i32
        %parallel_loop3A_218 = arith.constant 14 : i32
        %parallel_loop3A_219 = arith.index_cast %parallel_loop3A_218 : i32 to index
        %parallel_loop3A_220 = arith.index_cast %parallel_loop3A_217 : i32 to index
        %parallel_loop3A_221 = tpu.vector_load %arg7[%parallel_loop3A_219, %parallel_loop3A_220] {strides = array<i32>} : memref<50x256xf32, #tpu.memory_space<vmem>>, vector<16xf32>,
        tpu.vector_store %arg7[%parallel_loop3A_219, %parallel_loop3A_220], %parallel_loop3A_215 {strides = array<i32>} : memref<50x256xf32, #tpu.memory_space<vmem>>, vector<16xf32>,
        %parallel_loop3A_222 = arith.constant 15360 : i32
        %parallel_loop3A_223 = vector.broadcast %parallel_loop3A_222 : i32 to vector<16xi32>
        %parallel_loop3A_224 = arith.addi %parallel_loop3A_71, %parallel_loop3A_223 : vector<16xi32>
        %parallel_loop3A_225 = tpu.vector_load_idx %arg5[%parallel_loop3A_224] : memref<51200xf32, #tpu.memory_space<vmem>>[vector<16xi32>], vector<16xf32>,
        %parallel_loop3A_226 = arith.constant 16 : i32
        %parallel_loop3A_227 = arith.muli %parallel_loop3A_64, %parallel_loop3A_226 : i32
        %parallel_loop3A_228 = arith.constant 15 : i32
        %parallel_loop3A_229 = arith.index_cast %parallel_loop3A_228 : i32 to index
        %parallel_loop3A_230 = arith.index_cast %parallel_loop3A_227 : i32 to index
        %parallel_loop3A_231 = tpu.vector_load %arg7[%parallel_loop3A_229, %parallel_loop3A_230] {strides = array<i32>} : memref<50x256xf32, #tpu.memory_space<vmem>>, vector<16xf32>,
        tpu.vector_store %arg7[%parallel_loop3A_229, %parallel_loop3A_230], %parallel_loop3A_225 {strides = array<i32>} : memref<50x256xf32, #tpu.memory_space<vmem>>, vector<16xf32>,
        %parallel_loop3A_232 = arith.constant 16384 : i32
        %parallel_loop3A_233 = vector.broadcast %parallel_loop3A_232 : i32 to vector<16xi32>
        %parallel_loop3A_234 = arith.addi %parallel_loop3A_71, %parallel_loop3A_233 : vector<16xi32>
        %parallel_loop3A_235 = tpu.vector_load_idx %arg5[%parallel_loop3A_234] : memref<51200xf32, #tpu.memory_space<vmem>>[vector<16xi32>], vector<16xf32>,
        %parallel_loop3A_236 = arith.constant 16 : i32
        %parallel_loop3A_237 = arith.muli %parallel_loop3A_64, %parallel_loop3A_236 : i32
        %parallel_loop3A_238 = arith.constant 16 : i32
        %parallel_loop3A_239 = arith.index_cast %parallel_loop3A_238 : i32 to index
        %parallel_loop3A_240 = arith.index_cast %parallel_loop3A_237 : i32 to index
        %parallel_loop3A_241 = tpu.vector_load %arg7[%parallel_loop3A_239, %parallel_loop3A_240] {strides = array<i32>} : memref<50x256xf32, #tpu.memory_space<vmem>>, vector<16xf32>,
        tpu.vector_store %arg7[%parallel_loop3A_239, %parallel_loop3A_240], %parallel_loop3A_235 {strides = array<i32>} : memref<50x256xf32, #tpu.memory_space<vmem>>, vector<16xf32>,
        %parallel_loop3A_242 = arith.constant 17408 : i32
        %parallel_loop3A_243 = vector.broadcast %parallel_loop3A_242 : i32 to vector<16xi32>
        %parallel_loop3A_244 = arith.addi %parallel_loop3A_71, %parallel_loop3A_243 : vector<16xi32>
        %parallel_loop3A_245 = tpu.vector_load_idx %arg5[%parallel_loop3A_244] : memref<51200xf32, #tpu.memory_space<vmem>>[vector<16xi32>], vector<16xf32>,
        %parallel_loop3A_246 = arith.constant 16 : i32
        %parallel_loop3A_247 = arith.muli %parallel_loop3A_64, %parallel_loop3A_246 : i32
        %parallel_loop3A_248 = arith.constant 17 : i32
        %parallel_loop3A_249 = arith.index_cast %parallel_loop3A_248 : i32 to index
        %parallel_loop3A_250 = arith.index_cast %parallel_loop3A_247 : i32 to index
        %parallel_loop3A_251 = tpu.vector_load %arg7[%parallel_loop3A_249, %parallel_loop3A_250] {strides = array<i32>} : memref<50x256xf32, #tpu.memory_space<vmem>>, vector<16xf32>,
        tpu.vector_store %arg7[%parallel_loop3A_249, %parallel_loop3A_250], %parallel_loop3A_245 {strides = array<i32>} : memref<50x256xf32, #tpu.memory_space<vmem>>, vector<16xf32>,
        %parallel_loop3A_252 = arith.constant 18432 : i32
        %parallel_loop3A_253 = vector.broadcast %parallel_loop3A_252 : i32 to vector<16xi32>
        %parallel_loop3A_254 = arith.addi %parallel_loop3A_71, %parallel_loop3A_253 : vector<16xi32>
        %parallel_loop3A_255 = tpu.vector_load_idx %arg5[%parallel_loop3A_254] : memref<51200xf32, #tpu.memory_space<vmem>>[vector<16xi32>], vector<16xf32>,
        %parallel_loop3A_256 = arith.constant 16 : i32
        %parallel_loop3A_257 = arith.muli %parallel_loop3A_64, %parallel_loop3A_256 : i32
        %parallel_loop3A_258 = arith.constant 18 : i32
        %parallel_loop3A_259 = arith.index_cast %parallel_loop3A_258 : i32 to index
        %parallel_loop3A_260 = arith.index_cast %parallel_loop3A_257 : i32 to index
        %parallel_loop3A_261 = tpu.vector_load %arg7[%parallel_loop3A_259, %parallel_loop3A_260] {strides = array<i32>} : memref<50x256xf32, #tpu.memory_space<vmem>>, vector<16xf32>,
        tpu.vector_store %arg7[%parallel_loop3A_259, %parallel_loop3A_260], %parallel_loop3A_255 {strides = array<i32>} : memref<50x256xf32, #tpu.memory_space<vmem>>, vector<16xf32>,
        %parallel_loop3A_262 = arith.constant 19456 : i32
        %parallel_loop3A_263 = vector.broadcast %parallel_loop3A_262 : i32 to vector<16xi32>
        %parallel_loop3A_264 = arith.addi %parallel_loop3A_71, %parallel_loop3A_263 : vector<16xi32>
        %parallel_loop3A_265 = tpu.vector_load_idx %arg5[%parallel_loop3A_264] : memref<51200xf32, #tpu.memory_space<vmem>>[vector<16xi32>], vector<16xf32>,
        %parallel_loop3A_266 = arith.constant 16 : i32
        %parallel_loop3A_267 = arith.muli %parallel_loop3A_64, %parallel_loop3A_266 : i32
        %parallel_loop3A_268 = arith.constant 19 : i32
        %parallel_loop3A_269 = arith.index_cast %parallel_loop3A_268 : i32 to index
        %parallel_loop3A_270 = arith.index_cast %parallel_loop3A_267 : i32 to index
        %parallel_loop3A_271 = tpu.vector_load %arg7[%parallel_loop3A_269, %parallel_loop3A_270] {strides = array<i32>} : memref<50x256xf32, #tpu.memory_space<vmem>>, vector<16xf32>,
        tpu.vector_store %arg7[%parallel_loop3A_269, %parallel_loop3A_270], %parallel_loop3A_265 {strides = array<i32>} : memref<50x256xf32, #tpu.memory_space<vmem>>, vector<16xf32>,
        %parallel_loop3A_272 = arith.constant 20480 : i32
        %parallel_loop3A_273 = vector.broadcast %parallel_loop3A_272 : i32 to vector<16xi32>
        %parallel_loop3A_274 = arith.addi %parallel_loop3A_71, %parallel_loop3A_273 : vector<16xi32>
        %parallel_loop3A_275 = tpu.vector_load_idx %arg5[%parallel_loop3A_274] : memref<51200xf32, #tpu.memory_space<vmem>>[vector<16xi32>], vector<16xf32>,
        %parallel_loop3A_276 = arith.constant 16 : i32
        %parallel_loop3A_277 = arith.muli %parallel_loop3A_64, %parallel_loop3A_276 : i32
        %parallel_loop3A_278 = arith.constant 20 : i32
        %parallel_loop3A_279 = arith.index_cast %parallel_loop3A_278 : i32 to index
        %parallel_loop3A_280 = arith.index_cast %parallel_loop3A_277 : i32 to index
        %parallel_loop3A_281 = tpu.vector_load %arg7[%parallel_loop3A_279, %parallel_loop3A_280] {strides = array<i32>} : memref<50x256xf32, #tpu.memory_space<vmem>>, vector<16xf32>,
        tpu.vector_store %arg7[%parallel_loop3A_279, %parallel_loop3A_280], %parallel_loop3A_275 {strides = array<i32>} : memref<50x256xf32, #tpu.memory_space<vmem>>, vector<16xf32>,
        %parallel_loop3A_282 = arith.constant 21504 : i32
        %parallel_loop3A_283 = vector.broadcast %parallel_loop3A_282 : i32 to vector<16xi32>
        %parallel_loop3A_284 = arith.addi %parallel_loop3A_71, %parallel_loop3A_283 : vector<16xi32>
        %parallel_loop3A_285 = tpu.vector_load_idx %arg5[%parallel_loop3A_284] : memref<51200xf32, #tpu.memory_space<vmem>>[vector<16xi32>], vector<16xf32>,
        %parallel_loop3A_286 = arith.constant 16 : i32
        %parallel_loop3A_287 = arith.muli %parallel_loop3A_64, %parallel_loop3A_286 : i32
        %parallel_loop3A_288 = arith.constant 21 : i32
        %parallel_loop3A_289 = arith.index_cast %parallel_loop3A_288 : i32 to index
        %parallel_loop3A_290 = arith.index_cast %parallel_loop3A_287 : i32 to index
        %parallel_loop3A_291 = tpu.vector_load %arg7[%parallel_loop3A_289, %parallel_loop3A_290] {strides = array<i32>} : memref<50x256xf32, #tpu.memory_space<vmem>>, vector<16xf32>,
        tpu.vector_store %arg7[%parallel_loop3A_289, %parallel_loop3A_290], %parallel_loop3A_285 {strides = array<i32>} : memref<50x256xf32, #tpu.memory_space<vmem>>, vector<16xf32>,
        %parallel_loop3A_292 = arith.constant 22528 : i32
        %parallel_loop3A_293 = vector.broadcast %parallel_loop3A_292 : i32 to vector<16xi32>
        %parallel_loop3A_294 = arith.addi %parallel_loop3A_71, %parallel_loop3A_293 : vector<16xi32>
        %parallel_loop3A_295 = tpu.vector_load_idx %arg5[%parallel_loop3A_294] : memref<51200xf32, #tpu.memory_space<vmem>>[vector<16xi32>], vector<16xf32>,
        %parallel_loop3A_296 = arith.constant 16 : i32
        %parallel_loop3A_297 = arith.muli %parallel_loop3A_64, %parallel_loop3A_296 : i32
        %parallel_loop3A_298 = arith.constant 22 : i32
        %parallel_loop3A_299 = arith.index_cast %parallel_loop3A_298 : i32 to index
        %parallel_loop3A_300 = arith.index_cast %parallel_loop3A_297 : i32 to index
        %parallel_loop3A_301 = tpu.vector_load %arg7[%parallel_loop3A_299, %parallel_loop3A_300] {strides = array<i32>} : memref<50x256xf32, #tpu.memory_space<vmem>>, vector<16xf32>,
        tpu.vector_store %arg7[%parallel_loop3A_299, %parallel_loop3A_300], %parallel_loop3A_295 {strides = array<i32>} : memref<50x256xf32, #tpu.memory_space<vmem>>, vector<16xf32>,
        %parallel_loop3A_302 = arith.constant 23552 : i32
        %parallel_loop3A_303 = vector.broadcast %parallel_loop3A_302 : i32 to vector<16xi32>
        %parallel_loop3A_304 = arith.addi %parallel_loop3A_71, %parallel_loop3A_303 : vector<16xi32>
        %parallel_loop3A_305 = tpu.vector_load_idx %arg5[%parallel_loop3A_304] : memref<51200xf32, #tpu.memory_space<vmem>>[vector<16xi32>], vector<16xf32>,
        %parallel_loop3A_306 = arith.constant 16 : i32
        %parallel_loop3A_307 = arith.muli %parallel_loop3A_64, %parallel_loop3A_306 : i32
        %parallel_loop3A_308 = arith.constant 23 : i32
        %parallel_loop3A_309 = arith.index_cast %parallel_loop3A_308 : i32 to index
        %parallel_loop3A_310 = arith.index_cast %parallel_loop3A_307 : i32 to index
        %parallel_loop3A_311 = tpu.vector_load %arg7[%parallel_loop3A_309, %parallel_loop3A_310] {strides = array<i32>} : memref<50x256xf32, #tpu.memory_space<vmem>>, vector<16xf32>,
        tpu.vector_store %arg7[%parallel_loop3A_309, %parallel_loop3A_310], %parallel_loop3A_305 {strides = array<i32>} : memref<50x256xf32, #tpu.memory_space<vmem>>, vector<16xf32>,
        %parallel_loop3A_312 = arith.constant 24576 : i32
        %parallel_loop3A_313 = vector.broadcast %parallel_loop3A_312 : i32 to vector<16xi32>
        %parallel_loop3A_314 = arith.addi %parallel_loop3A_71, %parallel_loop3A_313 : vector<16xi32>
        %parallel_loop3A_315 = tpu.vector_load_idx %arg5[%parallel_loop3A_314] : memref<51200xf32, #tpu.memory_space<vmem>>[vector<16xi32>], vector<16xf32>,
        %parallel_loop3A_316 = arith.constant 16 : i32
        %parallel_loop3A_317 = arith.muli %parallel_loop3A_64, %parallel_loop3A_316 : i32
        %parallel_loop3A_318 = arith.constant 24 : i32
        %parallel_loop3A_319 = arith.index_cast %parallel_loop3A_318 : i32 to index
        %parallel_loop3A_320 = arith.index_cast %parallel_loop3A_317 : i32 to index
        %parallel_loop3A_321 = tpu.vector_load %arg7[%parallel_loop3A_319, %parallel_loop3A_320] {strides = array<i32>} : memref<50x256xf32, #tpu.memory_space<vmem>>, vector<16xf32>,
        tpu.vector_store %arg7[%parallel_loop3A_319, %parallel_loop3A_320], %parallel_loop3A_315 {strides = array<i32>} : memref<50x256xf32, #tpu.memory_space<vmem>>, vector<16xf32>,
        %parallel_loop3A_322 = arith.constant 25600 : i32
        %parallel_loop3A_323 = vector.broadcast %parallel_loop3A_322 : i32 to vector<16xi32>
        %parallel_loop3A_324 = arith.addi %parallel_loop3A_71, %parallel_loop3A_323 : vector<16xi32>
        %parallel_loop3A_325 = tpu.vector_load_idx %arg5[%parallel_loop3A_324] : memref<51200xf32, #tpu.memory_space<vmem>>[vector<16xi32>], vector<16xf32>,
        %parallel_loop3A_326 = arith.constant 16 : i32
        %parallel_loop3A_327 = arith.muli %parallel_loop3A_64, %parallel_loop3A_326 : i32
        %parallel_loop3A_328 = arith.constant 25 : i32
        %parallel_loop3A_329 = arith.index_cast %parallel_loop3A_328 : i32 to index
        %parallel_loop3A_330 = arith.index_cast %parallel_loop3A_327 : i32 to index
        %parallel_loop3A_331 = tpu.vector_load %arg7[%parallel_loop3A_329, %parallel_loop3A_330] {strides = array<i32>} : memref<50x256xf32, #tpu.memory_space<vmem>>, vector<16xf32>,
        tpu.vector_store %arg7[%parallel_loop3A_329, %parallel_loop3A_330], %parallel_loop3A_325 {strides = array<i32>} : memref<50x256xf32, #tpu.memory_space<vmem>>, vector<16xf32>,
        %parallel_loop3A_332 = arith.constant 26624 : i32
        %parallel_loop3A_333 = vector.broadcast %parallel_loop3A_332 : i32 to vector<16xi32>
        %parallel_loop3A_334 = arith.addi %parallel_loop3A_71, %parallel_loop3A_333 : vector<16xi32>
        %parallel_loop3A_335 = tpu.vector_load_idx %arg5[%parallel_loop3A_334] : memref<51200xf32, #tpu.memory_space<vmem>>[vector<16xi32>], vector<16xf32>,
        %parallel_loop3A_336 = arith.constant 16 : i32
        %parallel_loop3A_337 = arith.muli %parallel_loop3A_64, %parallel_loop3A_336 : i32
        %parallel_loop3A_338 = arith.constant 26 : i32
        %parallel_loop3A_339 = arith.index_cast %parallel_loop3A_338 : i32 to index
        %parallel_loop3A_340 = arith.index_cast %parallel_loop3A_337 : i32 to index
        %parallel_loop3A_341 = tpu.vector_load %arg7[%parallel_loop3A_339, %parallel_loop3A_340] {strides = array<i32>} : memref<50x256xf32, #tpu.memory_space<vmem>>, vector<16xf32>,
        tpu.vector_store %arg7[%parallel_loop3A_339, %parallel_loop3A_340], %parallel_loop3A_335 {strides = array<i32>} : memref<50x256xf32, #tpu.memory_space<vmem>>, vector<16xf32>,
        %parallel_loop3A_342 = arith.constant 27648 : i32
        %parallel_loop3A_343 = vector.broadcast %parallel_loop3A_342 : i32 to vector<16xi32>
        %parallel_loop3A_344 = arith.addi %parallel_loop3A_71, %parallel_loop3A_343 : vector<16xi32>
        %parallel_loop3A_345 = tpu.vector_load_idx %arg5[%parallel_loop3A_344] : memref<51200xf32, #tpu.memory_space<vmem>>[vector<16xi32>], vector<16xf32>,
        %parallel_loop3A_346 = arith.constant 16 : i32
        %parallel_loop3A_347 = arith.muli %parallel_loop3A_64, %parallel_loop3A_346 : i32
        %parallel_loop3A_348 = arith.constant 27 : i32
        %parallel_loop3A_349 = arith.index_cast %parallel_loop3A_348 : i32 to index
        %parallel_loop3A_350 = arith.index_cast %parallel_loop3A_347 : i32 to index
        %parallel_loop3A_351 = tpu.vector_load %arg7[%parallel_loop3A_349, %parallel_loop3A_350] {strides = array<i32>} : memref<50x256xf32, #tpu.memory_space<vmem>>, vector<16xf32>,
        tpu.vector_store %arg7[%parallel_loop3A_349, %parallel_loop3A_350], %parallel_loop3A_345 {strides = array<i32>} : memref<50x256xf32, #tpu.memory_space<vmem>>, vector<16xf32>,
        %parallel_loop3A_352 = arith.constant 28672 : i32
        %parallel_loop3A_353 = vector.broadcast %parallel_loop3A_352 : i32 to vector<16xi32>
        %parallel_loop3A_354 = arith.addi %parallel_loop3A_71, %parallel_loop3A_353 : vector<16xi32>
        %parallel_loop3A_355 = tpu.vector_load_idx %arg5[%parallel_loop3A_354] : memref<51200xf32, #tpu.memory_space<vmem>>[vector<16xi32>], vector<16xf32>,
        %parallel_loop3A_356 = arith.constant 16 : i32
        %parallel_loop3A_357 = arith.muli %parallel_loop3A_64, %parallel_loop3A_356 : i32
        %parallel_loop3A_358 = arith.constant 28 : i32
        %parallel_loop3A_359 = arith.index_cast %parallel_loop3A_358 : i32 to index
        %parallel_loop3A_360 = arith.index_cast %parallel_loop3A_357 : i32 to index
        %parallel_loop3A_361 = tpu.vector_load %arg7[%parallel_loop3A_359, %parallel_loop3A_360] {strides = array<i32>} : memref<50x256xf32, #tpu.memory_space<vmem>>, vector<16xf32>,
        tpu.vector_store %arg7[%parallel_loop3A_359, %parallel_loop3A_360], %parallel_loop3A_355 {strides = array<i32>} : memref<50x256xf32, #tpu.memory_space<vmem>>, vector<16xf32>,
        %parallel_loop3A_362 = arith.constant 29696 : i32
        %parallel_loop3A_363 = vector.broadcast %parallel_loop3A_362 : i32 to vector<16xi32>
        %parallel_loop3A_364 = arith.addi %parallel_loop3A_71, %parallel_loop3A_363 : vector<16xi32>
        %parallel_loop3A_365 = tpu.vector_load_idx %arg5[%parallel_loop3A_364] : memref<51200xf32, #tpu.memory_space<vmem>>[vector<16xi32>], vector<16xf32>,
        %parallel_loop3A_366 = arith.constant 16 : i32
        %parallel_loop3A_367 = arith.muli %parallel_loop3A_64, %parallel_loop3A_366 : i32
        %parallel_loop3A_368 = arith.constant 29 : i32
        %parallel_loop3A_369 = arith.index_cast %parallel_loop3A_368 : i32 to index
        %parallel_loop3A_370 = arith.index_cast %parallel_loop3A_367 : i32 to index
        %parallel_loop3A_371 = tpu.vector_load %arg7[%parallel_loop3A_369, %parallel_loop3A_370] {strides = array<i32>} : memref<50x256xf32, #tpu.memory_space<vmem>>, vector<16xf32>,
        tpu.vector_store %arg7[%parallel_loop3A_369, %parallel_loop3A_370], %parallel_loop3A_365 {strides = array<i32>} : memref<50x256xf32, #tpu.memory_space<vmem>>, vector<16xf32>,
        %parallel_loop3A_372 = arith.constant 30720 : i32
        %parallel_loop3A_373 = vector.broadcast %parallel_loop3A_372 : i32 to vector<16xi32>
        %parallel_loop3A_374 = arith.addi %parallel_loop3A_71, %parallel_loop3A_373 : vector<16xi32>
        %parallel_loop3A_375 = tpu.vector_load_idx %arg5[%parallel_loop3A_374] : memref<51200xf32, #tpu.memory_space<vmem>>[vector<16xi32>], vector<16xf32>,
        %parallel_loop3A_376 = arith.constant 16 : i32
        %parallel_loop3A_377 = arith.muli %parallel_loop3A_64, %parallel_loop3A_376 : i32
        %parallel_loop3A_378 = arith.constant 30 : i32
        %parallel_loop3A_379 = arith.index_cast %parallel_loop3A_378 : i32 to index
        %parallel_loop3A_380 = arith.index_cast %parallel_loop3A_377 : i32 to index
        %parallel_loop3A_381 = tpu.vector_load %arg7[%parallel_loop3A_379, %parallel_loop3A_380] {strides = array<i32>} : memref<50x256xf32, #tpu.memory_space<vmem>>, vector<16xf32>,
        tpu.vector_store %arg7[%parallel_loop3A_379, %parallel_loop3A_380], %parallel_loop3A_375 {strides = array<i32>} : memref<50x256xf32, #tpu.memory_space<vmem>>, vector<16xf32>,
        %parallel_loop3A_382 = arith.constant 31744 : i32
        %parallel_loop3A_383 = vector.broadcast %parallel_loop3A_382 : i32 to vector<16xi32>
        %parallel_loop3A_384 = arith.addi %parallel_loop3A_71, %parallel_loop3A_383 : vector<16xi32>
        %parallel_loop3A_385 = tpu.vector_load_idx %arg5[%parallel_loop3A_384] : memref<51200xf32, #tpu.memory_space<vmem>>[vector<16xi32>], vector<16xf32>,
        %parallel_loop3A_386 = arith.constant 16 : i32
        %parallel_loop3A_387 = arith.muli %parallel_loop3A_64, %parallel_loop3A_386 : i32
        %parallel_loop3A_388 = arith.constant 31 : i32
        %parallel_loop3A_389 = arith.index_cast %parallel_loop3A_388 : i32 to index
        %parallel_loop3A_390 = arith.index_cast %parallel_loop3A_387 : i32 to index
        %parallel_loop3A_391 = tpu.vector_load %arg7[%parallel_loop3A_389, %parallel_loop3A_390] {strides = array<i32>} : memref<50x256xf32, #tpu.memory_space<vmem>>, vector<16xf32>,
        tpu.vector_store %arg7[%parallel_loop3A_389, %parallel_loop3A_390], %parallel_loop3A_385 {strides = array<i32>} : memref<50x256xf32, #tpu.memory_space<vmem>>, vector<16xf32>,
        %parallel_loop3A_392 = arith.constant 32768 : i32
        %parallel_loop3A_393 = vector.broadcast %parallel_loop3A_392 : i32 to vector<16xi32>
        %parallel_loop3A_394 = arith.addi %parallel_loop3A_71, %parallel_loop3A_393 : vector<16xi32>
        %parallel_loop3A_395 = tpu.vector_load_idx %arg5[%parallel_loop3A_394] : memref<51200xf32, #tpu.memory_space<vmem>>[vector<16xi32>], vector<16xf32>,
        %parallel_loop3A_396 = arith.constant 16 : i32
        %parallel_loop3A_397 = arith.muli %parallel_loop3A_64, %parallel_loop3A_396 : i32
        %parallel_loop3A_398 = arith.constant 32 : i32
        %parallel_loop3A_399 = arith.index_cast %parallel_loop3A_398 : i32 to index
        %parallel_loop3A_400 = arith.index_cast %parallel_loop3A_397 : i32 to index
        %parallel_loop3A_401 = tpu.vector_load %arg7[%parallel_loop3A_399, %parallel_loop3A_400] {strides = array<i32>} : memref<50x256xf32, #tpu.memory_space<vmem>>, vector<16xf32>,
        tpu.vector_store %arg7[%parallel_loop3A_399, %parallel_loop3A_400], %parallel_loop3A_395 {strides = array<i32>} : memref<50x256xf32, #tpu.memory_space<vmem>>, vector<16xf32>,
        %parallel_loop3A_402 = arith.constant 33792 : i32
        %parallel_loop3A_403 = vector.broadcast %parallel_loop3A_402 : i32 to vector<16xi32>
        %parallel_loop3A_404 = arith.addi %parallel_loop3A_71, %parallel_loop3A_403 : vector<16xi32>
        %parallel_loop3A_405 = tpu.vector_load_idx %arg5[%parallel_loop3A_404] : memref<51200xf32, #tpu.memory_space<vmem>>[vector<16xi32>], vector<16xf32>,
        %parallel_loop3A_406 = arith.constant 16 : i32
        %parallel_loop3A_407 = arith.muli %parallel_loop3A_64, %parallel_loop3A_406 : i32
        %parallel_loop3A_408 = arith.constant 33 : i32
        %parallel_loop3A_409 = arith.index_cast %parallel_loop3A_408 : i32 to index
        %parallel_loop3A_410 = arith.index_cast %parallel_loop3A_407 : i32 to index
        %parallel_loop3A_411 = tpu.vector_load %arg7[%parallel_loop3A_409, %parallel_loop3A_410] {strides = array<i32>} : memref<50x256xf32, #tpu.memory_space<vmem>>, vector<16xf32>,
        tpu.vector_store %arg7[%parallel_loop3A_409, %parallel_loop3A_410], %parallel_loop3A_405 {strides = array<i32>} : memref<50x256xf32, #tpu.memory_space<vmem>>, vector<16xf32>,
        %parallel_loop3A_412 = arith.constant 34816 : i32
        %parallel_loop3A_413 = vector.broadcast %parallel_loop3A_412 : i32 to vector<16xi32>
        %parallel_loop3A_414 = arith.addi %parallel_loop3A_71, %parallel_loop3A_413 : vector<16xi32>
        %parallel_loop3A_415 = tpu.vector_load_idx %arg5[%parallel_loop3A_414] : memref<51200xf32, #tpu.memory_space<vmem>>[vector<16xi32>], vector<16xf32>,
        %parallel_loop3A_416 = arith.constant 16 : i32
        %parallel_loop3A_417 = arith.muli %parallel_loop3A_64, %parallel_loop3A_416 : i32
        %parallel_loop3A_418 = arith.constant 34 : i32
        %parallel_loop3A_419 = arith.index_cast %parallel_loop3A_418 : i32 to index
        %parallel_loop3A_420 = arith.index_cast %parallel_loop3A_417 : i32 to index
        %parallel_loop3A_421 = tpu.vector_load %arg7[%parallel_loop3A_419, %parallel_loop3A_420] {strides = array<i32>} : memref<50x256xf32, #tpu.memory_space<vmem>>, vector<16xf32>,
        tpu.vector_store %arg7[%parallel_loop3A_419, %parallel_loop3A_420], %parallel_loop3A_415 {strides = array<i32>} : memref<50x256xf32, #tpu.memory_space<vmem>>, vector<16xf32>,
        %parallel_loop3A_422 = arith.constant 35840 : i32
        %parallel_loop3A_423 = vector.broadcast %parallel_loop3A_422 : i32 to vector<16xi32>
        %parallel_loop3A_424 = arith.addi %parallel_loop3A_71, %parallel_loop3A_423 : vector<16xi32>
        %parallel_loop3A_425 = tpu.vector_load_idx %arg5[%parallel_loop3A_424] : memref<51200xf32, #tpu.memory_space<vmem>>[vector<16xi32>], vector<16xf32>,
        %parallel_loop3A_426 = arith.constant 16 : i32
        %parallel_loop3A_427 = arith.muli %parallel_loop3A_64, %parallel_loop3A_426 : i32
        %parallel_loop3A_428 = arith.constant 35 : i32
        %parallel_loop3A_429 = arith.index_cast %parallel_loop3A_428 : i32 to index
        %parallel_loop3A_430 = arith.index_cast %parallel_loop3A_427 : i32 to index
        %parallel_loop3A_431 = tpu.vector_load %arg7[%parallel_loop3A_429, %parallel_loop3A_430] {strides = array<i32>} : memref<50x256xf32, #tpu.memory_space<vmem>>, vector<16xf32>,
        tpu.vector_store %arg7[%parallel_loop3A_429, %parallel_loop3A_430], %parallel_loop3A_425 {strides = array<i32>} : memref<50x256xf32, #tpu.memory_space<vmem>>, vector<16xf32>,
        %parallel_loop3A_432 = arith.constant 36864 : i32
        %parallel_loop3A_433 = vector.broadcast %parallel_loop3A_432 : i32 to vector<16xi32>
        %parallel_loop3A_434 = arith.addi %parallel_loop3A_71, %parallel_loop3A_433 : vector<16xi32>
        %parallel_loop3A_435 = tpu.vector_load_idx %arg5[%parallel_loop3A_434] : memref<51200xf32, #tpu.memory_space<vmem>>[vector<16xi32>], vector<16xf32>,
        %parallel_loop3A_436 = arith.constant 16 : i32
        %parallel_loop3A_437 = arith.muli %parallel_loop3A_64, %parallel_loop3A_436 : i32
        %parallel_loop3A_438 = arith.constant 36 : i32
        %parallel_loop3A_439 = arith.index_cast %parallel_loop3A_438 : i32 to index
        %parallel_loop3A_440 = arith.index_cast %parallel_loop3A_437 : i32 to index
        %parallel_loop3A_441 = tpu.vector_load %arg7[%parallel_loop3A_439, %parallel_loop3A_440] {strides = array<i32>} : memref<50x256xf32, #tpu.memory_space<vmem>>, vector<16xf32>,
        tpu.vector_store %arg7[%parallel_loop3A_439, %parallel_loop3A_440], %parallel_loop3A_435 {strides = array<i32>} : memref<50x256xf32, #tpu.memory_space<vmem>>, vector<16xf32>,
        %parallel_loop3A_442 = arith.constant 37888 : i32
        %parallel_loop3A_443 = vector.broadcast %parallel_loop3A_442 : i32 to vector<16xi32>
        %parallel_loop3A_444 = arith.addi %parallel_loop3A_71, %parallel_loop3A_443 : vector<16xi32>
        %parallel_loop3A_445 = tpu.vector_load_idx %arg5[%parallel_loop3A_444] : memref<51200xf32, #tpu.memory_space<vmem>>[vector<16xi32>], vector<16xf32>,
        %parallel_loop3A_446 = arith.constant 16 : i32
        %parallel_loop3A_447 = arith.muli %parallel_loop3A_64, %parallel_loop3A_446 : i32
        %parallel_loop3A_448 = arith.constant 37 : i32
        %parallel_loop3A_449 = arith.index_cast %parallel_loop3A_448 : i32 to index
        %parallel_loop3A_450 = arith.index_cast %parallel_loop3A_447 : i32 to index
        %parallel_loop3A_451 = tpu.vector_load %arg7[%parallel_loop3A_449, %parallel_loop3A_450] {strides = array<i32>} : memref<50x256xf32, #tpu.memory_space<vmem>>, vector<16xf32>,
        tpu.vector_store %arg7[%parallel_loop3A_449, %parallel_loop3A_450], %parallel_loop3A_445 {strides = array<i32>} : memref<50x256xf32, #tpu.memory_space<vmem>>, vector<16xf32>,
        %parallel_loop3A_452 = arith.constant 38912 : i32
        %parallel_loop3A_453 = vector.broadcast %parallel_loop3A_452 : i32 to vector<16xi32>
        %parallel_loop3A_454 = arith.addi %parallel_loop3A_71, %parallel_loop3A_453 : vector<16xi32>
        %parallel_loop3A_455 = tpu.vector_load_idx %arg5[%parallel_loop3A_454] : memref<51200xf32, #tpu.memory_space<vmem>>[vector<16xi32>], vector<16xf32>,
        %parallel_loop3A_456 = arith.constant 16 : i32
        %parallel_loop3A_457 = arith.muli %parallel_loop3A_64, %parallel_loop3A_456 : i32
        %parallel_loop3A_458 = arith.constant 38 : i32
        %parallel_loop3A_459 = arith.index_cast %parallel_loop3A_458 : i32 to index
        %parallel_loop3A_460 = arith.index_cast %parallel_loop3A_457 : i32 to index
        %parallel_loop3A_461 = tpu.vector_load %arg7[%parallel_loop3A_459, %parallel_loop3A_460] {strides = array<i32>} : memref<50x256xf32, #tpu.memory_space<vmem>>, vector<16xf32>,
        tpu.vector_store %arg7[%parallel_loop3A_459, %parallel_loop3A_460], %parallel_loop3A_455 {strides = array<i32>} : memref<50x256xf32, #tpu.memory_space<vmem>>, vector<16xf32>,
        %parallel_loop3A_462 = arith.constant 39936 : i32
        %parallel_loop3A_463 = vector.broadcast %parallel_loop3A_462 : i32 to vector<16xi32>
        %parallel_loop3A_464 = arith.addi %parallel_loop3A_71, %parallel_loop3A_463 : vector<16xi32>
        %parallel_loop3A_465 = tpu.vector_load_idx %arg5[%parallel_loop3A_464] : memref<51200xf32, #tpu.memory_space<vmem>>[vector<16xi32>], vector<16xf32>,
        %parallel_loop3A_466 = arith.constant 16 : i32
        %parallel_loop3A_467 = arith.muli %parallel_loop3A_64, %parallel_loop3A_466 : i32
        %parallel_loop3A_468 = arith.constant 39 : i32
        %parallel_loop3A_469 = arith.index_cast %parallel_loop3A_468 : i32 to index
        %parallel_loop3A_470 = arith.index_cast %parallel_loop3A_467 : i32 to index
        %parallel_loop3A_471 = tpu.vector_load %arg7[%parallel_loop3A_469, %parallel_loop3A_470] {strides = array<i32>} : memref<50x256xf32, #tpu.memory_space<vmem>>, vector<16xf32>,
        tpu.vector_store %arg7[%parallel_loop3A_469, %parallel_loop3A_470], %parallel_loop3A_465 {strides = array<i32>} : memref<50x256xf32, #tpu.memory_space<vmem>>, vector<16xf32>,
        %parallel_loop3A_472 = arith.constant 40960 : i32
        %parallel_loop3A_473 = vector.broadcast %parallel_loop3A_472 : i32 to vector<16xi32>
        %parallel_loop3A_474 = arith.addi %parallel_loop3A_71, %parallel_loop3A_473 : vector<16xi32>
        %parallel_loop3A_475 = tpu.vector_load_idx %arg5[%parallel_loop3A_474] : memref<51200xf32, #tpu.memory_space<vmem>>[vector<16xi32>], vector<16xf32>,
        %parallel_loop3A_476 = arith.constant 16 : i32
        %parallel_loop3A_477 = arith.muli %parallel_loop3A_64, %parallel_loop3A_476 : i32
        %parallel_loop3A_478 = arith.constant 40 : i32
        %parallel_loop3A_479 = arith.index_cast %parallel_loop3A_478 : i32 to index
        %parallel_loop3A_480 = arith.index_cast %parallel_loop3A_477 : i32 to index
        %parallel_loop3A_481 = tpu.vector_load %arg7[%parallel_loop3A_479, %parallel_loop3A_480] {strides = array<i32>} : memref<50x256xf32, #tpu.memory_space<vmem>>, vector<16xf32>,
        tpu.vector_store %arg7[%parallel_loop3A_479, %parallel_loop3A_480], %parallel_loop3A_475 {strides = array<i32>} : memref<50x256xf32, #tpu.memory_space<vmem>>, vector<16xf32>,
        %parallel_loop3A_482 = arith.constant 41984 : i32
        %parallel_loop3A_483 = vector.broadcast %parallel_loop3A_482 : i32 to vector<16xi32>
        %parallel_loop3A_484 = arith.addi %parallel_loop3A_71, %parallel_loop3A_483 : vector<16xi32>
        %parallel_loop3A_485 = tpu.vector_load_idx %arg5[%parallel_loop3A_484] : memref<51200xf32, #tpu.memory_space<vmem>>[vector<16xi32>], vector<16xf32>,
        %parallel_loop3A_486 = arith.constant 16 : i32
        %parallel_loop3A_487 = arith.muli %parallel_loop3A_64, %parallel_loop3A_486 : i32
        %parallel_loop3A_488 = arith.constant 41 : i32
        %parallel_loop3A_489 = arith.index_cast %parallel_loop3A_488 : i32 to index
        %parallel_loop3A_490 = arith.index_cast %parallel_loop3A_487 : i32 to index
        %parallel_loop3A_491 = tpu.vector_load %arg7[%parallel_loop3A_489, %parallel_loop3A_490] {strides = array<i32>} : memref<50x256xf32, #tpu.memory_space<vmem>>, vector<16xf32>,
        tpu.vector_store %arg7[%parallel_loop3A_489, %parallel_loop3A_490], %parallel_loop3A_485 {strides = array<i32>} : memref<50x256xf32, #tpu.memory_space<vmem>>, vector<16xf32>,
        %parallel_loop3A_492 = arith.constant 43008 : i32
        %parallel_loop3A_493 = vector.broadcast %parallel_loop3A_492 : i32 to vector<16xi32>
        %parallel_loop3A_494 = arith.addi %parallel_loop3A_71, %parallel_loop3A_493 : vector<16xi32>
        %parallel_loop3A_495 = tpu.vector_load_idx %arg5[%parallel_loop3A_494] : memref<51200xf32, #tpu.memory_space<vmem>>[vector<16xi32>], vector<16xf32>,
        %parallel_loop3A_496 = arith.constant 16 : i32
        %parallel_loop3A_497 = arith.muli %parallel_loop3A_64, %parallel_loop3A_496 : i32
        %parallel_loop3A_498 = arith.constant 42 : i32
        %parallel_loop3A_499 = arith.index_cast %parallel_loop3A_498 : i32 to index
        %parallel_loop3A_500 = arith.index_cast %parallel_loop3A_497 : i32 to index
        %parallel_loop3A_501 = tpu.vector_load %arg7[%parallel_loop3A_499, %parallel_loop3A_500] {strides = array<i32>} : memref<50x256xf32, #tpu.memory_space<vmem>>, vector<16xf32>,
        tpu.vector_store %arg7[%parallel_loop3A_499, %parallel_loop3A_500], %parallel_loop3A_495 {strides = array<i32>} : memref<50x256xf32, #tpu.memory_space<vmem>>, vector<16xf32>,
        %parallel_loop3A_502 = arith.constant 44032 : i32
        %parallel_loop3A_503 = vector.broadcast %parallel_loop3A_502 : i32 to vector<16xi32>
        %parallel_loop3A_504 = arith.addi %parallel_loop3A_71, %parallel_loop3A_503 : vector<16xi32>
        %parallel_loop3A_505 = tpu.vector_load_idx %arg5[%parallel_loop3A_504] : memref<51200xf32, #tpu.memory_space<vmem>>[vector<16xi32>], vector<16xf32>,
        %parallel_loop3A_506 = arith.constant 16 : i32
        %parallel_loop3A_507 = arith.muli %parallel_loop3A_64, %parallel_loop3A_506 : i32
        %parallel_loop3A_508 = arith.constant 43 : i32
        %parallel_loop3A_509 = arith.index_cast %parallel_loop3A_508 : i32 to index
        %parallel_loop3A_510 = arith.index_cast %parallel_loop3A_507 : i32 to index
        %parallel_loop3A_511 = tpu.vector_load %arg7[%parallel_loop3A_509, %parallel_loop3A_510] {strides = array<i32>} : memref<50x256xf32, #tpu.memory_space<vmem>>, vector<16xf32>,
        tpu.vector_store %arg7[%parallel_loop3A_509, %parallel_loop3A_510], %parallel_loop3A_505 {strides = array<i32>} : memref<50x256xf32, #tpu.memory_space<vmem>>, vector<16xf32>,
        %parallel_loop3A_512 = arith.constant 45056 : i32
        %parallel_loop3A_513 = vector.broadcast %parallel_loop3A_512 : i32 to vector<16xi32>
        %parallel_loop3A_514 = arith.addi %parallel_loop3A_71, %parallel_loop3A_513 : vector<16xi32>
        %parallel_loop3A_515 = tpu.vector_load_idx %arg5[%parallel_loop3A_514] : memref<51200xf32, #tpu.memory_space<vmem>>[vector<16xi32>], vector<16xf32>,
        %parallel_loop3A_516 = arith.constant 16 : i32
        %parallel_loop3A_517 = arith.muli %parallel_loop3A_64, %parallel_loop3A_516 : i32
        %parallel_loop3A_518 = arith.constant 44 : i32
        %parallel_loop3A_519 = arith.index_cast %parallel_loop3A_518 : i32 to index
        %parallel_loop3A_520 = arith.index_cast %parallel_loop3A_517 : i32 to index
        %parallel_loop3A_521 = tpu.vector_load %arg7[%parallel_loop3A_519, %parallel_loop3A_520] {strides = array<i32>} : memref<50x256xf32, #tpu.memory_space<vmem>>, vector<16xf32>,
        tpu.vector_store %arg7[%parallel_loop3A_519, %parallel_loop3A_520], %parallel_loop3A_515 {strides = array<i32>} : memref<50x256xf32, #tpu.memory_space<vmem>>, vector<16xf32>,
        %parallel_loop3A_522 = arith.constant 46080 : i32
        %parallel_loop3A_523 = vector.broadcast %parallel_loop3A_522 : i32 to vector<16xi32>
        %parallel_loop3A_524 = arith.addi %parallel_loop3A_71, %parallel_loop3A_523 : vector<16xi32>
        %parallel_loop3A_525 = tpu.vector_load_idx %arg5[%parallel_loop3A_524] : memref<51200xf32, #tpu.memory_space<vmem>>[vector<16xi32>], vector<16xf32>,
        %parallel_loop3A_526 = arith.constant 16 : i32
        %parallel_loop3A_527 = arith.muli %parallel_loop3A_64, %parallel_loop3A_526 : i32
        %parallel_loop3A_528 = arith.constant 45 : i32
        %parallel_loop3A_529 = arith.index_cast %parallel_loop3A_528 : i32 to index
        %parallel_loop3A_530 = arith.index_cast %parallel_loop3A_527 : i32 to index
        %parallel_loop3A_531 = tpu.vector_load %arg7[%parallel_loop3A_529, %parallel_loop3A_530] {strides = array<i32>} : memref<50x256xf32, #tpu.memory_space<vmem>>, vector<16xf32>,
        tpu.vector_store %arg7[%parallel_loop3A_529, %parallel_loop3A_530], %parallel_loop3A_525 {strides = array<i32>} : memref<50x256xf32, #tpu.memory_space<vmem>>, vector<16xf32>,
        %parallel_loop3A_532 = arith.constant 47104 : i32
        %parallel_loop3A_533 = vector.broadcast %parallel_loop3A_532 : i32 to vector<16xi32>
        %parallel_loop3A_534 = arith.addi %parallel_loop3A_71, %parallel_loop3A_533 : vector<16xi32>
        %parallel_loop3A_535 = tpu.vector_load_idx %arg5[%parallel_loop3A_534] : memref<51200xf32, #tpu.memory_space<vmem>>[vector<16xi32>], vector<16xf32>,
        %parallel_loop3A_536 = arith.constant 16 : i32
        %parallel_loop3A_537 = arith.muli %parallel_loop3A_64, %parallel_loop3A_536 : i32
        %parallel_loop3A_538 = arith.constant 46 : i32
        %parallel_loop3A_539 = arith.index_cast %parallel_loop3A_538 : i32 to index
        %parallel_loop3A_540 = arith.index_cast %parallel_loop3A_537 : i32 to index
        %parallel_loop3A_541 = tpu.vector_load %arg7[%parallel_loop3A_539, %parallel_loop3A_540] {strides = array<i32>} : memref<50x256xf32, #tpu.memory_space<vmem>>, vector<16xf32>,
        tpu.vector_store %arg7[%parallel_loop3A_539, %parallel_loop3A_540], %parallel_loop3A_535 {strides = array<i32>} : memref<50x256xf32, #tpu.memory_space<vmem>>, vector<16xf32>,
        %parallel_loop3A_542 = arith.constant 48128 : i32
        %parallel_loop3A_543 = vector.broadcast %parallel_loop3A_542 : i32 to vector<16xi32>
        %parallel_loop3A_544 = arith.addi %parallel_loop3A_71, %parallel_loop3A_543 : vector<16xi32>
        %parallel_loop3A_545 = tpu.vector_load_idx %arg5[%parallel_loop3A_544] : memref<51200xf32, #tpu.memory_space<vmem>>[vector<16xi32>], vector<16xf32>,
        %parallel_loop3A_546 = arith.constant 16 : i32
        %parallel_loop3A_547 = arith.muli %parallel_loop3A_64, %parallel_loop3A_546 : i32
        %parallel_loop3A_548 = arith.constant 47 : i32
        %parallel_loop3A_549 = arith.index_cast %parallel_loop3A_548 : i32 to index
        %parallel_loop3A_550 = arith.index_cast %parallel_loop3A_547 : i32 to index
        %parallel_loop3A_551 = tpu.vector_load %arg7[%parallel_loop3A_549, %parallel_loop3A_550] {strides = array<i32>} : memref<50x256xf32, #tpu.memory_space<vmem>>, vector<16xf32>,
        tpu.vector_store %arg7[%parallel_loop3A_549, %parallel_loop3A_550], %parallel_loop3A_545 {strides = array<i32>} : memref<50x256xf32, #tpu.memory_space<vmem>>, vector<16xf32>,
        %parallel_loop3A_552 = arith.constant 49152 : i32
        %parallel_loop3A_553 = vector.broadcast %parallel_loop3A_552 : i32 to vector<16xi32>
        %parallel_loop3A_554 = arith.addi %parallel_loop3A_71, %parallel_loop3A_553 : vector<16xi32>
        %parallel_loop3A_555 = tpu.vector_load_idx %arg5[%parallel_loop3A_554] : memref<51200xf32, #tpu.memory_space<vmem>>[vector<16xi32>], vector<16xf32>,
        %parallel_loop3A_556 = arith.constant 16 : i32
        %parallel_loop3A_557 = arith.muli %parallel_loop3A_64, %parallel_loop3A_556 : i32
        %parallel_loop3A_558 = arith.constant 48 : i32
        %parallel_loop3A_559 = arith.index_cast %parallel_loop3A_558 : i32 to index
        %parallel_loop3A_560 = arith.index_cast %parallel_loop3A_557 : i32 to index
        %parallel_loop3A_561 = tpu.vector_load %arg7[%parallel_loop3A_559, %parallel_loop3A_560] {strides = array<i32>} : memref<50x256xf32, #tpu.memory_space<vmem>>, vector<16xf32>,
        tpu.vector_store %arg7[%parallel_loop3A_559, %parallel_loop3A_560], %parallel_loop3A_555 {strides = array<i32>} : memref<50x256xf32, #tpu.memory_space<vmem>>, vector<16xf32>,
        %parallel_loop3A_562 = arith.constant 50176 : i32
        %parallel_loop3A_563 = vector.broadcast %parallel_loop3A_562 : i32 to vector<16xi32>
        %parallel_loop3A_564 = arith.addi %parallel_loop3A_71, %parallel_loop3A_563 : vector<16xi32>
        %parallel_loop3A_565 = tpu.vector_load_idx %arg5[%parallel_loop3A_564] : memref<51200xf32, #tpu.memory_space<vmem>>[vector<16xi32>], vector<16xf32>,
        %parallel_loop3A_566 = arith.constant 16 : i32
        %parallel_loop3A_567 = arith.muli %parallel_loop3A_64, %parallel_loop3A_566 : i32
        %parallel_loop3A_568 = arith.constant 49 : i32
        %parallel_loop3A_569 = arith.index_cast %parallel_loop3A_568 : i32 to index
        %parallel_loop3A_570 = arith.index_cast %parallel_loop3A_567 : i32 to index
        %parallel_loop3A_571 = tpu.vector_load %arg7[%parallel_loop3A_569, %parallel_loop3A_570] {strides = array<i32>} : memref<50x256xf32, #tpu.memory_space<vmem>>, vector<16xf32>,
        tpu.vector_store %arg7[%parallel_loop3A_569, %parallel_loop3A_570], %parallel_loop3A_565 {strides = array<i32>} : memref<50x256xf32, #tpu.memory_space<vmem>>, vector<16xf32>,
      } {sc.loop_unroll_factor = 1 : i64, sc.parallel_access}
      %add3A_39 = arith.constant 0 : i32
      %add3A_40 = arith.addi %mul3A_2, %add3A_39 : i32
      %dma_start3A_41 = arith.constant 0 : i32
      %dma_start3A_42 = tpu.memref_slice %arg4[%scan3A_33, %dma_start3A_41, %add3A_40] : memref<50x50x16384xf32, #tpu.memory_space<hbm>> -> memref<1x50x256xf32, #tpu.memory_space<hbm>>
      %dma_start3A_43 = tpu.memref_squeeze %dma_start3A_42 : memref<1x50x256xf32, #tpu.memory_space<hbm>> -> memref<50x256xf32, #tpu.memory_space<hbm>>
      %dma_start3A_44 = arith.constant 0 : i32
      %dma_start3A_45 = tpu.memref_slice %arg4[%scan3A_33, %dma_start3A_44, %add3A_40] : memref<50x50x16384xf32, #tpu.memory_space<hbm>> -> memref<1x50x256xf32, #tpu.memory_space<hbm>>
      %dma_start3A_46 = tpu.memref_squeeze %dma_start3A_45 : memref<1x50x256xf32, #tpu.memory_space<hbm>> -> memref<50x256xf32, #tpu.memory_space<hbm>>
      tpu.enqueue_dma source(%arg7 : memref<50x256xf32, #tpu.memory_space<vmem>>) target(%dma_start3A_46 : memref<50x256xf32, #tpu.memory_space<hbm>>) target_semaphore(%arg10 : memref<!tpu.dma_semaphore, #tpu.memory_space<semaphore_mem>>)
      %gt3A_47 = arith.constant 0 : i32
      %gt3A_48 = arith.cmpi sgt, %scan3A_33, %gt3A_47 : i32
      %convert_element_type3A_49 = arith.extui %gt3A_48 : i1 to i32
      %cond3A_50 = arith.constant 0 : i32
      %cond3A_51 = arith.cmpi ne, %convert_element_type3A_49, %cond3A_50 : i32
      scf.if %cond3A_51 {
        %add3A_64 = arith.constant 256 : i32
        %add3A_65 = arith.addi %mul3A_2, %add3A_64 : i32
        %dma_wait3A_66 = arith.constant 0 : i32
        %dma_wait3A_67 = tpu.memref_slice %arg4[%scan3A_33, %dma_wait3A_66, %add3A_65] : memref<50x50x16384xf32, #tpu.memory_space<hbm>> -> memref<1x50x256xf32, #tpu.memory_space<hbm>>
        %dma_wait3A_68 = tpu.memref_squeeze %dma_wait3A_67 : memref<1x50x256xf32, #tpu.memory_space<hbm>> -> memref<50x256xf32, #tpu.memory_space<hbm>>
        %dma_wait3A_69 = arith.constant 0 : i32
        %dma_wait3A_70 = tpu.memref_slice %arg4[%scan3A_33, %dma_wait3A_69, %add3A_65] : memref<50x50x16384xf32, #tpu.memory_space<hbm>> -> memref<1x50x256xf32, #tpu.memory_space<hbm>>
        %dma_wait3A_71 = tpu.memref_squeeze %dma_wait3A_70 : memref<1x50x256xf32, #tpu.memory_space<hbm>> -> memref<50x256xf32, #tpu.memory_space<hbm>>
        tpu.wait_dma2 semaphore(%arg11 : memref<!tpu.dma_semaphore, #tpu.memory_space<semaphore_mem>>) src(%arg8 : memref<50x256xf32, #tpu.memory_space<vmem>>) dst(%dma_wait3A_71 : memref<50x256xf32, #tpu.memory_space<hbm>>)
      } else {
      }
      %parallel_loop3A_52 = arith.constant 0 : i32
      %parallel_loop3A_53 = arith.constant 16 : i32
      %parallel_loop3A_54 = arith.constant 1 : i32
      scf.for %parallel_loop3A_64 = %parallel_loop3A_52 to %parallel_loop3A_53 step %parallel_loop3A_54  : i32 {
        %parallel_loop3A_65 = arith.constant 16 : i32
        %parallel_loop3A_66 = arith.muli %parallel_loop3A_64, %parallel_loop3A_65 : i32
        %parallel_loop3A_67 = arith.constant 256 : i32
        %parallel_loop3A_68 = arith.addi %parallel_loop3A_67, %parallel_loop3A_66 : i32
        %parallel_loop3A_69 = arith.index_cast %scan3A_33 : i32 to index
        %parallel_loop3A_70 = arith.index_cast %parallel_loop3A_68 : i32 to index
        %parallel_loop3A_71 = tpu.vector_load %arg6[%parallel_loop3A_69, %parallel_loop3A_70] {strides = array<i32>} : memref<50x512xi32, #tpu.memory_space<vmem>>, vector<16xi32>,
        %parallel_loop3A_72 = arith.constant 0 : i32
        %parallel_loop3A_73 = vector.broadcast %parallel_loop3A_72 : i32 to vector<16xi32>
        %parallel_loop3A_74 = arith.addi %parallel_loop3A_71, %parallel_loop3A_73 : vector<16xi32>
        %parallel_loop3A_75 = tpu.vector_load_idx %arg5[%parallel_loop3A_74] : memref<51200xf32, #tpu.memory_space<vmem>>[vector<16xi32>], vector<16xf32>,
        %parallel_loop3A_76 = arith.constant 16 : i32
        %parallel_loop3A_77 = arith.muli %parallel_loop3A_64, %parallel_loop3A_76 : i32
        %parallel_loop3A_78 = arith.constant 0 : i32
        %parallel_loop3A_79 = arith.index_cast %parallel_loop3A_78 : i32 to index
        %parallel_loop3A_80 = arith.index_cast %parallel_loop3A_77 : i32 to index
        %parallel_loop3A_81 = tpu.vector_load %arg8[%parallel_loop3A_79, %parallel_loop3A_80] {strides = array<i32>} : memref<50x256xf32, #tpu.memory_space<vmem>>, vector<16xf32>,
        tpu.vector_store %arg8[%parallel_loop3A_79, %parallel_loop3A_80], %parallel_loop3A_75 {strides = array<i32>} : memref<50x256xf32, #tpu.memory_space<vmem>>, vector<16xf32>,
        %parallel_loop3A_82 = arith.constant 1024 : i32
        %parallel_loop3A_83 = vector.broadcast %parallel_loop3A_82 : i32 to vector<16xi32>
        %parallel_loop3A_84 = arith.addi %parallel_loop3A_71, %parallel_loop3A_83 : vector<16xi32>
        %parallel_loop3A_85 = tpu.vector_load_idx %arg5[%parallel_loop3A_84] : memref<51200xf32, #tpu.memory_space<vmem>>[vector<16xi32>], vector<16xf32>,
        %parallel_loop3A_86 = arith.constant 16 : i32
        %parallel_loop3A_87 = arith.muli %parallel_loop3A_64, %parallel_loop3A_86 : i32
        %parallel_loop3A_88 = arith.constant 1 : i32
        %parallel_loop3A_89 = arith.index_cast %parallel_loop3A_88 : i32 to index
        %parallel_loop3A_90 = arith.index_cast %parallel_loop3A_87 : i32 to index
        %parallel_loop3A_91 = tpu.vector_load %arg8[%parallel_loop3A_89, %parallel_loop3A_90] {strides = array<i32>} : memref<50x256xf32, #tpu.memory_space<vmem>>, vector<16xf32>,
        tpu.vector_store %arg8[%parallel_loop3A_89, %parallel_loop3A_90], %parallel_loop3A_85 {strides = array<i32>} : memref<50x256xf32, #tpu.memory_space<vmem>>, vector<16xf32>,
        %parallel_loop3A_92 = arith.constant 2048 : i32
        %parallel_loop3A_93 = vector.broadcast %parallel_loop3A_92 : i32 to vector<16xi32>
        %parallel_loop3A_94 = arith.addi %parallel_loop3A_71, %parallel_loop3A_93 : vector<16xi32>
        %parallel_loop3A_95 = tpu.vector_load_idx %arg5[%parallel_loop3A_94] : memref<51200xf32, #tpu.memory_space<vmem>>[vector<16xi32>], vector<16xf32>,
        %parallel_loop3A_96 = arith.constant 16 : i32
        %parallel_loop3A_97 = arith.muli %parallel_loop3A_64, %parallel_loop3A_96 : i32
        %parallel_loop3A_98 = arith.constant 2 : i32
        %parallel_loop3A_99 = arith.index_cast %parallel_loop3A_98 : i32 to index
        %parallel_loop3A_100 = arith.index_cast %parallel_loop3A_97 : i32 to index
        %parallel_loop3A_101 = tpu.vector_load %arg8[%parallel_loop3A_99, %parallel_loop3A_100] {strides = array<i32>} : memref<50x256xf32, #tpu.memory_space<vmem>>, vector<16xf32>,
        tpu.vector_store %arg8[%parallel_loop3A_99, %parallel_loop3A_100], %parallel_loop3A_95 {strides = array<i32>} : memref<50x256xf32, #tpu.memory_space<vmem>>, vector<16xf32>,
        %parallel_loop3A_102 = arith.constant 3072 : i32
        %parallel_loop3A_103 = vector.broadcast %parallel_loop3A_102 : i32 to vector<16xi32>
        %parallel_loop3A_104 = arith.addi %parallel_loop3A_71, %parallel_loop3A_103 : vector<16xi32>
        %parallel_loop3A_105 = tpu.vector_load_idx %arg5[%parallel_loop3A_104] : memref<51200xf32, #tpu.memory_space<vmem>>[vector<16xi32>], vector<16xf32>,
        %parallel_loop3A_106 = arith.constant 16 : i32
        %parallel_loop3A_107 = arith.muli %parallel_loop3A_64, %parallel_loop3A_106 : i32
        %parallel_loop3A_108 = arith.constant 3 : i32
        %parallel_loop3A_109 = arith.index_cast %parallel_loop3A_108 : i32 to index
        %parallel_loop3A_110 = arith.index_cast %parallel_loop3A_107 : i32 to index
        %parallel_loop3A_111 = tpu.vector_load %arg8[%parallel_loop3A_109, %parallel_loop3A_110] {strides = array<i32>} : memref<50x256xf32, #tpu.memory_space<vmem>>, vector<16xf32>,
        tpu.vector_store %arg8[%parallel_loop3A_109, %parallel_loop3A_110], %parallel_loop3A_105 {strides = array<i32>} : memref<50x256xf32, #tpu.memory_space<vmem>>, vector<16xf32>,
        %parallel_loop3A_112 = arith.constant 4096 : i32
        %parallel_loop3A_113 = vector.broadcast %parallel_loop3A_112 : i32 to vector<16xi32>
        %parallel_loop3A_114 = arith.addi %parallel_loop3A_71, %parallel_loop3A_113 : vector<16xi32>
        %parallel_loop3A_115 = tpu.vector_load_idx %arg5[%parallel_loop3A_114] : memref<51200xf32, #tpu.memory_space<vmem>>[vector<16xi32>], vector<16xf32>,
        %parallel_loop3A_116 = arith.constant 16 : i32
        %parallel_loop3A_117 = arith.muli %parallel_loop3A_64, %parallel_loop3A_116 : i32
        %parallel_loop3A_118 = arith.constant 4 : i32
        %parallel_loop3A_119 = arith.index_cast %parallel_loop3A_118 : i32 to index
        %parallel_loop3A_120 = arith.index_cast %parallel_loop3A_117 : i32 to index
        %parallel_loop3A_121 = tpu.vector_load %arg8[%parallel_loop3A_119, %parallel_loop3A_120] {strides = array<i32>} : memref<50x256xf32, #tpu.memory_space<vmem>>, vector<16xf32>,
        tpu.vector_store %arg8[%parallel_loop3A_119, %parallel_loop3A_120], %parallel_loop3A_115 {strides = array<i32>} : memref<50x256xf32, #tpu.memory_space<vmem>>, vector<16xf32>,
        %parallel_loop3A_122 = arith.constant 5120 : i32
        %parallel_loop3A_123 = vector.broadcast %parallel_loop3A_122 : i32 to vector<16xi32>
        %parallel_loop3A_124 = arith.addi %parallel_loop3A_71, %parallel_loop3A_123 : vector<16xi32>
        %parallel_loop3A_125 = tpu.vector_load_idx %arg5[%parallel_loop3A_124] : memref<51200xf32, #tpu.memory_space<vmem>>[vector<16xi32>], vector<16xf32>,
        %parallel_loop3A_126 = arith.constant 16 : i32
        %parallel_loop3A_127 = arith.muli %parallel_loop3A_64, %parallel_loop3A_126 : i32
        %parallel_loop3A_128 = arith.constant 5 : i32
        %parallel_loop3A_129 = arith.index_cast %parallel_loop3A_128 : i32 to index
        %parallel_loop3A_130 = arith.index_cast %parallel_loop3A_127 : i32 to index
        %parallel_loop3A_131 = tpu.vector_load %arg8[%parallel_loop3A_129, %parallel_loop3A_130] {strides = array<i32>} : memref<50x256xf32, #tpu.memory_space<vmem>>, vector<16xf32>,
        tpu.vector_store %arg8[%parallel_loop3A_129, %parallel_loop3A_130], %parallel_loop3A_125 {strides = array<i32>} : memref<50x256xf32, #tpu.memory_space<vmem>>, vector<16xf32>,
        %parallel_loop3A_132 = arith.constant 6144 : i32
        %parallel_loop3A_133 = vector.broadcast %parallel_loop3A_132 : i32 to vector<16xi32>
        %parallel_loop3A_134 = arith.addi %parallel_loop3A_71, %parallel_loop3A_133 : vector<16xi32>
        %parallel_loop3A_135 = tpu.vector_load_idx %arg5[%parallel_loop3A_134] : memref<51200xf32, #tpu.memory_space<vmem>>[vector<16xi32>], vector<16xf32>,
        %parallel_loop3A_136 = arith.constant 16 : i32
        %parallel_loop3A_137 = arith.muli %parallel_loop3A_64, %parallel_loop3A_136 : i32
        %parallel_loop3A_138 = arith.constant 6 : i32
        %parallel_loop3A_139 = arith.index_cast %parallel_loop3A_138 : i32 to index
        %parallel_loop3A_140 = arith.index_cast %parallel_loop3A_137 : i32 to index
        %parallel_loop3A_141 = tpu.vector_load %arg8[%parallel_loop3A_139, %parallel_loop3A_140] {strides = array<i32>} : memref<50x256xf32, #tpu.memory_space<vmem>>, vector<16xf32>,
        tpu.vector_store %arg8[%parallel_loop3A_139, %parallel_loop3A_140], %parallel_loop3A_135 {strides = array<i32>} : memref<50x256xf32, #tpu.memory_space<vmem>>, vector<16xf32>,
        %parallel_loop3A_142 = arith.constant 7168 : i32
        %parallel_loop3A_143 = vector.broadcast %parallel_loop3A_142 : i32 to vector<16xi32>
        %parallel_loop3A_144 = arith.addi %parallel_loop3A_71, %parallel_loop3A_143 : vector<16xi32>
        %parallel_loop3A_145 = tpu.vector_load_idx %arg5[%parallel_loop3A_144] : memref<51200xf32, #tpu.memory_space<vmem>>[vector<16xi32>], vector<16xf32>,
        %parallel_loop3A_146 = arith.constant 16 : i32
        %parallel_loop3A_147 = arith.muli %parallel_loop3A_64, %parallel_loop3A_146 : i32
        %parallel_loop3A_148 = arith.constant 7 : i32
        %parallel_loop3A_149 = arith.index_cast %parallel_loop3A_148 : i32 to index
        %parallel_loop3A_150 = arith.index_cast %parallel_loop3A_147 : i32 to index
        %parallel_loop3A_151 = tpu.vector_load %arg8[%parallel_loop3A_149, %parallel_loop3A_150] {strides = array<i32>} : memref<50x256xf32, #tpu.memory_space<vmem>>, vector<16xf32>,
        tpu.vector_store %arg8[%parallel_loop3A_149, %parallel_loop3A_150], %parallel_loop3A_145 {strides = array<i32>} : memref<50x256xf32, #tpu.memory_space<vmem>>, vector<16xf32>,
        %parallel_loop3A_152 = arith.constant 8192 : i32
        %parallel_loop3A_153 = vector.broadcast %parallel_loop3A_152 : i32 to vector<16xi32>
        %parallel_loop3A_154 = arith.addi %parallel_loop3A_71, %parallel_loop3A_153 : vector<16xi32>
        %parallel_loop3A_155 = tpu.vector_load_idx %arg5[%parallel_loop3A_154] : memref<51200xf32, #tpu.memory_space<vmem>>[vector<16xi32>], vector<16xf32>,
        %parallel_loop3A_156 = arith.constant 16 : i32
        %parallel_loop3A_157 = arith.muli %parallel_loop3A_64, %parallel_loop3A_156 : i32
        %parallel_loop3A_158 = arith.constant 8 : i32
        %parallel_loop3A_159 = arith.index_cast %parallel_loop3A_158 : i32 to index
        %parallel_loop3A_160 = arith.index_cast %parallel_loop3A_157 : i32 to index
        %parallel_loop3A_161 = tpu.vector_load %arg8[%parallel_loop3A_159, %parallel_loop3A_160] {strides = array<i32>} : memref<50x256xf32, #tpu.memory_space<vmem>>, vector<16xf32>,
        tpu.vector_store %arg8[%parallel_loop3A_159, %parallel_loop3A_160], %parallel_loop3A_155 {strides = array<i32>} : memref<50x256xf32, #tpu.memory_space<vmem>>, vector<16xf32>,
        %parallel_loop3A_162 = arith.constant 9216 : i32
        %parallel_loop3A_163 = vector.broadcast %parallel_loop3A_162 : i32 to vector<16xi32>
        %parallel_loop3A_164 = arith.addi %parallel_loop3A_71, %parallel_loop3A_163 : vector<16xi32>
        %parallel_loop3A_165 = tpu.vector_load_idx %arg5[%parallel_loop3A_164] : memref<51200xf32, #tpu.memory_space<vmem>>[vector<16xi32>], vector<16xf32>,
        %parallel_loop3A_166 = arith.constant 16 : i32
        %parallel_loop3A_167 = arith.muli %parallel_loop3A_64, %parallel_loop3A_166 : i32
        %parallel_loop3A_168 = arith.constant 9 : i32
        %parallel_loop3A_169 = arith.index_cast %parallel_loop3A_168 : i32 to index
        %parallel_loop3A_170 = arith.index_cast %parallel_loop3A_167 : i32 to index
        %parallel_loop3A_171 = tpu.vector_load %arg8[%parallel_loop3A_169, %parallel_loop3A_170] {strides = array<i32>} : memref<50x256xf32, #tpu.memory_space<vmem>>, vector<16xf32>,
        tpu.vector_store %arg8[%parallel_loop3A_169, %parallel_loop3A_170], %parallel_loop3A_165 {strides = array<i32>} : memref<50x256xf32, #tpu.memory_space<vmem>>, vector<16xf32>,
        %parallel_loop3A_172 = arith.constant 10240 : i32
        %parallel_loop3A_173 = vector.broadcast %parallel_loop3A_172 : i32 to vector<16xi32>
        %parallel_loop3A_174 = arith.addi %parallel_loop3A_71, %parallel_loop3A_173 : vector<16xi32>
        %parallel_loop3A_175 = tpu.vector_load_idx %arg5[%parallel_loop3A_174] : memref<51200xf32, #tpu.memory_space<vmem>>[vector<16xi32>], vector<16xf32>,
        %parallel_loop3A_176 = arith.constant 16 : i32
        %parallel_loop3A_177 = arith.muli %parallel_loop3A_64, %parallel_loop3A_176 : i32
        %parallel_loop3A_178 = arith.constant 10 : i32
        %parallel_loop3A_179 = arith.index_cast %parallel_loop3A_178 : i32 to index
        %parallel_loop3A_180 = arith.index_cast %parallel_loop3A_177 : i32 to index
        %parallel_loop3A_181 = tpu.vector_load %arg8[%parallel_loop3A_179, %parallel_loop3A_180] {strides = array<i32>} : memref<50x256xf32, #tpu.memory_space<vmem>>, vector<16xf32>,
        tpu.vector_store %arg8[%parallel_loop3A_179, %parallel_loop3A_180], %parallel_loop3A_175 {strides = array<i32>} : memref<50x256xf32, #tpu.memory_space<vmem>>, vector<16xf32>,
        %parallel_loop3A_182 = arith.constant 11264 : i32
        %parallel_loop3A_183 = vector.broadcast %parallel_loop3A_182 : i32 to vector<16xi32>
        %parallel_loop3A_184 = arith.addi %parallel_loop3A_71, %parallel_loop3A_183 : vector<16xi32>
        %parallel_loop3A_185 = tpu.vector_load_idx %arg5[%parallel_loop3A_184] : memref<51200xf32, #tpu.memory_space<vmem>>[vector<16xi32>], vector<16xf32>,
        %parallel_loop3A_186 = arith.constant 16 : i32
        %parallel_loop3A_187 = arith.muli %parallel_loop3A_64, %parallel_loop3A_186 : i32
        %parallel_loop3A_188 = arith.constant 11 : i32
        %parallel_loop3A_189 = arith.index_cast %parallel_loop3A_188 : i32 to index
        %parallel_loop3A_190 = arith.index_cast %parallel_loop3A_187 : i32 to index
        %parallel_loop3A_191 = tpu.vector_load %arg8[%parallel_loop3A_189, %parallel_loop3A_190] {strides = array<i32>} : memref<50x256xf32, #tpu.memory_space<vmem>>, vector<16xf32>,
        tpu.vector_store %arg8[%parallel_loop3A_189, %parallel_loop3A_190], %parallel_loop3A_185 {strides = array<i32>} : memref<50x256xf32, #tpu.memory_space<vmem>>, vector<16xf32>,
        %parallel_loop3A_192 = arith.constant 12288 : i32
        %parallel_loop3A_193 = vector.broadcast %parallel_loop3A_192 : i32 to vector<16xi32>
        %parallel_loop3A_194 = arith.addi %parallel_loop3A_71, %parallel_loop3A_193 : vector<16xi32>
        %parallel_loop3A_195 = tpu.vector_load_idx %arg5[%parallel_loop3A_194] : memref<51200xf32, #tpu.memory_space<vmem>>[vector<16xi32>], vector<16xf32>,
        %parallel_loop3A_196 = arith.constant 16 : i32
        %parallel_loop3A_197 = arith.muli %parallel_loop3A_64, %parallel_loop3A_196 : i32
        %parallel_loop3A_198 = arith.constant 12 : i32
        %parallel_loop3A_199 = arith.index_cast %parallel_loop3A_198 : i32 to index
        %parallel_loop3A_200 = arith.index_cast %parallel_loop3A_197 : i32 to index
        %parallel_loop3A_201 = tpu.vector_load %arg8[%parallel_loop3A_199, %parallel_loop3A_200] {strides = array<i32>} : memref<50x256xf32, #tpu.memory_space<vmem>>, vector<16xf32>,
        tpu.vector_store %arg8[%parallel_loop3A_199, %parallel_loop3A_200], %parallel_loop3A_195 {strides = array<i32>} : memref<50x256xf32, #tpu.memory_space<vmem>>, vector<16xf32>,
        %parallel_loop3A_202 = arith.constant 13312 : i32
        %parallel_loop3A_203 = vector.broadcast %parallel_loop3A_202 : i32 to vector<16xi32>
        %parallel_loop3A_204 = arith.addi %parallel_loop3A_71, %parallel_loop3A_203 : vector<16xi32>
        %parallel_loop3A_205 = tpu.vector_load_idx %arg5[%parallel_loop3A_204] : memref<51200xf32, #tpu.memory_space<vmem>>[vector<16xi32>], vector<16xf32>,
        %parallel_loop3A_206 = arith.constant 16 : i32
        %parallel_loop3A_207 = arith.muli %parallel_loop3A_64, %parallel_loop3A_206 : i32
        %parallel_loop3A_208 = arith.constant 13 : i32
        %parallel_loop3A_209 = arith.index_cast %parallel_loop3A_208 : i32 to index
        %parallel_loop3A_210 = arith.index_cast %parallel_loop3A_207 : i32 to index
        %parallel_loop3A_211 = tpu.vector_load %arg8[%parallel_loop3A_209, %parallel_loop3A_210] {strides = array<i32>} : memref<50x256xf32, #tpu.memory_space<vmem>>, vector<16xf32>,
        tpu.vector_store %arg8[%parallel_loop3A_209, %parallel_loop3A_210], %parallel_loop3A_205 {strides = array<i32>} : memref<50x256xf32, #tpu.memory_space<vmem>>, vector<16xf32>,
        %parallel_loop3A_212 = arith.constant 14336 : i32
        %parallel_loop3A_213 = vector.broadcast %parallel_loop3A_212 : i32 to vector<16xi32>
        %parallel_loop3A_214 = arith.addi %parallel_loop3A_71, %parallel_loop3A_213 : vector<16xi32>
        %parallel_loop3A_215 = tpu.vector_load_idx %arg5[%parallel_loop3A_214] : memref<51200xf32, #tpu.memory_space<vmem>>[vector<16xi32>], vector<16xf32>,
        %parallel_loop3A_216 = arith.constant 16 : i32
        %parallel_loop3A_217 = arith.muli %parallel_loop3A_64, %parallel_loop3A_216 : i32
        %parallel_loop3A_218 = arith.constant 14 : i32
        %parallel_loop3A_219 = arith.index_cast %parallel_loop3A_218 : i32 to index
        %parallel_loop3A_220 = arith.index_cast %parallel_loop3A_217 : i32 to index
        %parallel_loop3A_221 = tpu.vector_load %arg8[%parallel_loop3A_219, %parallel_loop3A_220] {strides = array<i32>} : memref<50x256xf32, #tpu.memory_space<vmem>>, vector<16xf32>,
        tpu.vector_store %arg8[%parallel_loop3A_219, %parallel_loop3A_220], %parallel_loop3A_215 {strides = array<i32>} : memref<50x256xf32, #tpu.memory_space<vmem>>, vector<16xf32>,
        %parallel_loop3A_222 = arith.constant 15360 : i32
        %parallel_loop3A_223 = vector.broadcast %parallel_loop3A_222 : i32 to vector<16xi32>
        %parallel_loop3A_224 = arith.addi %parallel_loop3A_71, %parallel_loop3A_223 : vector<16xi32>
        %parallel_loop3A_225 = tpu.vector_load_idx %arg5[%parallel_loop3A_224] : memref<51200xf32, #tpu.memory_space<vmem>>[vector<16xi32>], vector<16xf32>,
        %parallel_loop3A_226 = arith.constant 16 : i32
        %parallel_loop3A_227 = arith.muli %parallel_loop3A_64, %parallel_loop3A_226 : i32
        %parallel_loop3A_228 = arith.constant 15 : i32
        %parallel_loop3A_229 = arith.index_cast %parallel_loop3A_228 : i32 to index
        %parallel_loop3A_230 = arith.index_cast %parallel_loop3A_227 : i32 to index
        %parallel_loop3A_231 = tpu.vector_load %arg8[%parallel_loop3A_229, %parallel_loop3A_230] {strides = array<i32>} : memref<50x256xf32, #tpu.memory_space<vmem>>, vector<16xf32>,
        tpu.vector_store %arg8[%parallel_loop3A_229, %parallel_loop3A_230], %parallel_loop3A_225 {strides = array<i32>} : memref<50x256xf32, #tpu.memory_space<vmem>>, vector<16xf32>,
        %parallel_loop3A_232 = arith.constant 16384 : i32
        %parallel_loop3A_233 = vector.broadcast %parallel_loop3A_232 : i32 to vector<16xi32>
        %parallel_loop3A_234 = arith.addi %parallel_loop3A_71, %parallel_loop3A_233 : vector<16xi32>
        %parallel_loop3A_235 = tpu.vector_load_idx %arg5[%parallel_loop3A_234] : memref<51200xf32, #tpu.memory_space<vmem>>[vector<16xi32>], vector<16xf32>,
        %parallel_loop3A_236 = arith.constant 16 : i32
        %parallel_loop3A_237 = arith.muli %parallel_loop3A_64, %parallel_loop3A_236 : i32
        %parallel_loop3A_238 = arith.constant 16 : i32
        %parallel_loop3A_239 = arith.index_cast %parallel_loop3A_238 : i32 to index
        %parallel_loop3A_240 = arith.index_cast %parallel_loop3A_237 : i32 to index
        %parallel_loop3A_241 = tpu.vector_load %arg8[%parallel_loop3A_239, %parallel_loop3A_240] {strides = array<i32>} : memref<50x256xf32, #tpu.memory_space<vmem>>, vector<16xf32>,
        tpu.vector_store %arg8[%parallel_loop3A_239, %parallel_loop3A_240], %parallel_loop3A_235 {strides = array<i32>} : memref<50x256xf32, #tpu.memory_space<vmem>>, vector<16xf32>,
        %parallel_loop3A_242 = arith.constant 17408 : i32
        %parallel_loop3A_243 = vector.broadcast %parallel_loop3A_242 : i32 to vector<16xi32>
        %parallel_loop3A_244 = arith.addi %parallel_loop3A_71, %parallel_loop3A_243 : vector<16xi32>
        %parallel_loop3A_245 = tpu.vector_load_idx %arg5[%parallel_loop3A_244] : memref<51200xf32, #tpu.memory_space<vmem>>[vector<16xi32>], vector<16xf32>,
        %parallel_loop3A_246 = arith.constant 16 : i32
        %parallel_loop3A_247 = arith.muli %parallel_loop3A_64, %parallel_loop3A_246 : i32
        %parallel_loop3A_248 = arith.constant 17 : i32
        %parallel_loop3A_249 = arith.index_cast %parallel_loop3A_248 : i32 to index
        %parallel_loop3A_250 = arith.index_cast %parallel_loop3A_247 : i32 to index
        %parallel_loop3A_251 = tpu.vector_load %arg8[%parallel_loop3A_249, %parallel_loop3A_250] {strides = array<i32>} : memref<50x256xf32, #tpu.memory_space<vmem>>, vector<16xf32>,
        tpu.vector_store %arg8[%parallel_loop3A_249, %parallel_loop3A_250], %parallel_loop3A_245 {strides = array<i32>} : memref<50x256xf32, #tpu.memory_space<vmem>>, vector<16xf32>,
        %parallel_loop3A_252 = arith.constant 18432 : i32
        %parallel_loop3A_253 = vector.broadcast %parallel_loop3A_252 : i32 to vector<16xi32>
        %parallel_loop3A_254 = arith.addi %parallel_loop3A_71, %parallel_loop3A_253 : vector<16xi32>
        %parallel_loop3A_255 = tpu.vector_load_idx %arg5[%parallel_loop3A_254] : memref<51200xf32, #tpu.memory_space<vmem>>[vector<16xi32>], vector<16xf32>,
        %parallel_loop3A_256 = arith.constant 16 : i32
        %parallel_loop3A_257 = arith.muli %parallel_loop3A_64, %parallel_loop3A_256 : i32
        %parallel_loop3A_258 = arith.constant 18 : i32
        %parallel_loop3A_259 = arith.index_cast %parallel_loop3A_258 : i32 to index
        %parallel_loop3A_260 = arith.index_cast %parallel_loop3A_257 : i32 to index
        %parallel_loop3A_261 = tpu.vector_load %arg8[%parallel_loop3A_259, %parallel_loop3A_260] {strides = array<i32>} : memref<50x256xf32, #tpu.memory_space<vmem>>, vector<16xf32>,
        tpu.vector_store %arg8[%parallel_loop3A_259, %parallel_loop3A_260], %parallel_loop3A_255 {strides = array<i32>} : memref<50x256xf32, #tpu.memory_space<vmem>>, vector<16xf32>,
        %parallel_loop3A_262 = arith.constant 19456 : i32
        %parallel_loop3A_263 = vector.broadcast %parallel_loop3A_262 : i32 to vector<16xi32>
        %parallel_loop3A_264 = arith.addi %parallel_loop3A_71, %parallel_loop3A_263 : vector<16xi32>
        %parallel_loop3A_265 = tpu.vector_load_idx %arg5[%parallel_loop3A_264] : memref<51200xf32, #tpu.memory_space<vmem>>[vector<16xi32>], vector<16xf32>,
        %parallel_loop3A_266 = arith.constant 16 : i32
        %parallel_loop3A_267 = arith.muli %parallel_loop3A_64, %parallel_loop3A_266 : i32
        %parallel_loop3A_268 = arith.constant 19 : i32
        %parallel_loop3A_269 = arith.index_cast %parallel_loop3A_268 : i32 to index
        %parallel_loop3A_270 = arith.index_cast %parallel_loop3A_267 : i32 to index
        %parallel_loop3A_271 = tpu.vector_load %arg8[%parallel_loop3A_269, %parallel_loop3A_270] {strides = array<i32>} : memref<50x256xf32, #tpu.memory_space<vmem>>, vector<16xf32>,
        tpu.vector_store %arg8[%parallel_loop3A_269, %parallel_loop3A_270], %parallel_loop3A_265 {strides = array<i32>} : memref<50x256xf32, #tpu.memory_space<vmem>>, vector<16xf32>,
        %parallel_loop3A_272 = arith.constant 20480 : i32
        %parallel_loop3A_273 = vector.broadcast %parallel_loop3A_272 : i32 to vector<16xi32>
        %parallel_loop3A_274 = arith.addi %parallel_loop3A_71, %parallel_loop3A_273 : vector<16xi32>
        %parallel_loop3A_275 = tpu.vector_load_idx %arg5[%parallel_loop3A_274] : memref<51200xf32, #tpu.memory_space<vmem>>[vector<16xi32>], vector<16xf32>,
        %parallel_loop3A_276 = arith.constant 16 : i32
        %parallel_loop3A_277 = arith.muli %parallel_loop3A_64, %parallel_loop3A_276 : i32
        %parallel_loop3A_278 = arith.constant 20 : i32
        %parallel_loop3A_279 = arith.index_cast %parallel_loop3A_278 : i32 to index
        %parallel_loop3A_280 = arith.index_cast %parallel_loop3A_277 : i32 to index
        %parallel_loop3A_281 = tpu.vector_load %arg8[%parallel_loop3A_279, %parallel_loop3A_280] {strides = array<i32>} : memref<50x256xf32, #tpu.memory_space<vmem>>, vector<16xf32>,
        tpu.vector_store %arg8[%parallel_loop3A_279, %parallel_loop3A_280], %parallel_loop3A_275 {strides = array<i32>} : memref<50x256xf32, #tpu.memory_space<vmem>>, vector<16xf32>,
        %parallel_loop3A_282 = arith.constant 21504 : i32
        %parallel_loop3A_283 = vector.broadcast %parallel_loop3A_282 : i32 to vector<16xi32>
        %parallel_loop3A_284 = arith.addi %parallel_loop3A_71, %parallel_loop3A_283 : vector<16xi32>
        %parallel_loop3A_285 = tpu.vector_load_idx %arg5[%parallel_loop3A_284] : memref<51200xf32, #tpu.memory_space<vmem>>[vector<16xi32>], vector<16xf32>,
        %parallel_loop3A_286 = arith.constant 16 : i32
        %parallel_loop3A_287 = arith.muli %parallel_loop3A_64, %parallel_loop3A_286 : i32
        %parallel_loop3A_288 = arith.constant 21 : i32
        %parallel_loop3A_289 = arith.index_cast %parallel_loop3A_288 : i32 to index
        %parallel_loop3A_290 = arith.index_cast %parallel_loop3A_287 : i32 to index
        %parallel_loop3A_291 = tpu.vector_load %arg8[%parallel_loop3A_289, %parallel_loop3A_290] {strides = array<i32>} : memref<50x256xf32, #tpu.memory_space<vmem>>, vector<16xf32>,
        tpu.vector_store %arg8[%parallel_loop3A_289, %parallel_loop3A_290], %parallel_loop3A_285 {strides = array<i32>} : memref<50x256xf32, #tpu.memory_space<vmem>>, vector<16xf32>,
        %parallel_loop3A_292 = arith.constant 22528 : i32
        %parallel_loop3A_293 = vector.broadcast %parallel_loop3A_292 : i32 to vector<16xi32>
        %parallel_loop3A_294 = arith.addi %parallel_loop3A_71, %parallel_loop3A_293 : vector<16xi32>
        %parallel_loop3A_295 = tpu.vector_load_idx %arg5[%parallel_loop3A_294] : memref<51200xf32, #tpu.memory_space<vmem>>[vector<16xi32>], vector<16xf32>,
        %parallel_loop3A_296 = arith.constant 16 : i32
        %parallel_loop3A_297 = arith.muli %parallel_loop3A_64, %parallel_loop3A_296 : i32
        %parallel_loop3A_298 = arith.constant 22 : i32
        %parallel_loop3A_299 = arith.index_cast %parallel_loop3A_298 : i32 to index
        %parallel_loop3A_300 = arith.index_cast %parallel_loop3A_297 : i32 to index
        %parallel_loop3A_301 = tpu.vector_load %arg8[%parallel_loop3A_299, %parallel_loop3A_300] {strides = array<i32>} : memref<50x256xf32, #tpu.memory_space<vmem>>, vector<16xf32>,
        tpu.vector_store %arg8[%parallel_loop3A_299, %parallel_loop3A_300], %parallel_loop3A_295 {strides = array<i32>} : memref<50x256xf32, #tpu.memory_space<vmem>>, vector<16xf32>,
        %parallel_loop3A_302 = arith.constant 23552 : i32
        %parallel_loop3A_303 = vector.broadcast %parallel_loop3A_302 : i32 to vector<16xi32>
        %parallel_loop3A_304 = arith.addi %parallel_loop3A_71, %parallel_loop3A_303 : vector<16xi32>
        %parallel_loop3A_305 = tpu.vector_load_idx %arg5[%parallel_loop3A_304] : memref<51200xf32, #tpu.memory_space<vmem>>[vector<16xi32>], vector<16xf32>,
        %parallel_loop3A_306 = arith.constant 16 : i32
        %parallel_loop3A_307 = arith.muli %parallel_loop3A_64, %parallel_loop3A_306 : i32
        %parallel_loop3A_308 = arith.constant 23 : i32
        %parallel_loop3A_309 = arith.index_cast %parallel_loop3A_308 : i32 to index
        %parallel_loop3A_310 = arith.index_cast %parallel_loop3A_307 : i32 to index
        %parallel_loop3A_311 = tpu.vector_load %arg8[%parallel_loop3A_309, %parallel_loop3A_310] {strides = array<i32>} : memref<50x256xf32, #tpu.memory_space<vmem>>, vector<16xf32>,
        tpu.vector_store %arg8[%parallel_loop3A_309, %parallel_loop3A_310], %parallel_loop3A_305 {strides = array<i32>} : memref<50x256xf32, #tpu.memory_space<vmem>>, vector<16xf32>,
        %parallel_loop3A_312 = arith.constant 24576 : i32
        %parallel_loop3A_313 = vector.broadcast %parallel_loop3A_312 : i32 to vector<16xi32>
        %parallel_loop3A_314 = arith.addi %parallel_loop3A_71, %parallel_loop3A_313 : vector<16xi32>
        %parallel_loop3A_315 = tpu.vector_load_idx %arg5[%parallel_loop3A_314] : memref<51200xf32, #tpu.memory_space<vmem>>[vector<16xi32>], vector<16xf32>,
        %parallel_loop3A_316 = arith.constant 16 : i32
        %parallel_loop3A_317 = arith.muli %parallel_loop3A_64, %parallel_loop3A_316 : i32
        %parallel_loop3A_318 = arith.constant 24 : i32
        %parallel_loop3A_319 = arith.index_cast %parallel_loop3A_318 : i32 to index
        %parallel_loop3A_320 = arith.index_cast %parallel_loop3A_317 : i32 to index
        %parallel_loop3A_321 = tpu.vector_load %arg8[%parallel_loop3A_319, %parallel_loop3A_320] {strides = array<i32>} : memref<50x256xf32, #tpu.memory_space<vmem>>, vector<16xf32>,
        tpu.vector_store %arg8[%parallel_loop3A_319, %parallel_loop3A_320], %parallel_loop3A_315 {strides = array<i32>} : memref<50x256xf32, #tpu.memory_space<vmem>>, vector<16xf32>,
        %parallel_loop3A_322 = arith.constant 25600 : i32
        %parallel_loop3A_323 = vector.broadcast %parallel_loop3A_322 : i32 to vector<16xi32>
        %parallel_loop3A_324 = arith.addi %parallel_loop3A_71, %parallel_loop3A_323 : vector<16xi32>
        %parallel_loop3A_325 = tpu.vector_load_idx %arg5[%parallel_loop3A_324] : memref<51200xf32, #tpu.memory_space<vmem>>[vector<16xi32>], vector<16xf32>,
        %parallel_loop3A_326 = arith.constant 16 : i32
        %parallel_loop3A_327 = arith.muli %parallel_loop3A_64, %parallel_loop3A_326 : i32
        %parallel_loop3A_328 = arith.constant 25 : i32
        %parallel_loop3A_329 = arith.index_cast %parallel_loop3A_328 : i32 to index
        %parallel_loop3A_330 = arith.index_cast %parallel_loop3A_327 : i32 to index
        %parallel_loop3A_331 = tpu.vector_load %arg8[%parallel_loop3A_329, %parallel_loop3A_330] {strides = array<i32>} : memref<50x256xf32, #tpu.memory_space<vmem>>, vector<16xf32>,
        tpu.vector_store %arg8[%parallel_loop3A_329, %parallel_loop3A_330], %parallel_loop3A_325 {strides = array<i32>} : memref<50x256xf32, #tpu.memory_space<vmem>>, vector<16xf32>,
        %parallel_loop3A_332 = arith.constant 26624 : i32
        %parallel_loop3A_333 = vector.broadcast %parallel_loop3A_332 : i32 to vector<16xi32>
        %parallel_loop3A_334 = arith.addi %parallel_loop3A_71, %parallel_loop3A_333 : vector<16xi32>
        %parallel_loop3A_335 = tpu.vector_load_idx %arg5[%parallel_loop3A_334] : memref<51200xf32, #tpu.memory_space<vmem>>[vector<16xi32>], vector<16xf32>,
        %parallel_loop3A_336 = arith.constant 16 : i32
        %parallel_loop3A_337 = arith.muli %parallel_loop3A_64, %parallel_loop3A_336 : i32
        %parallel_loop3A_338 = arith.constant 26 : i32
        %parallel_loop3A_339 = arith.index_cast %parallel_loop3A_338 : i32 to index
        %parallel_loop3A_340 = arith.index_cast %parallel_loop3A_337 : i32 to index
        %parallel_loop3A_341 = tpu.vector_load %arg8[%parallel_loop3A_339, %parallel_loop3A_340] {strides = array<i32>} : memref<50x256xf32, #tpu.memory_space<vmem>>, vector<16xf32>,
        tpu.vector_store %arg8[%parallel_loop3A_339, %parallel_loop3A_340], %parallel_loop3A_335 {strides = array<i32>} : memref<50x256xf32, #tpu.memory_space<vmem>>, vector<16xf32>,
        %parallel_loop3A_342 = arith.constant 27648 : i32
        %parallel_loop3A_343 = vector.broadcast %parallel_loop3A_342 : i32 to vector<16xi32>
        %parallel_loop3A_344 = arith.addi %parallel_loop3A_71, %parallel_loop3A_343 : vector<16xi32>
        %parallel_loop3A_345 = tpu.vector_load_idx %arg5[%parallel_loop3A_344] : memref<51200xf32, #tpu.memory_space<vmem>>[vector<16xi32>], vector<16xf32>,
        %parallel_loop3A_346 = arith.constant 16 : i32
        %parallel_loop3A_347 = arith.muli %parallel_loop3A_64, %parallel_loop3A_346 : i32
        %parallel_loop3A_348 = arith.constant 27 : i32
        %parallel_loop3A_349 = arith.index_cast %parallel_loop3A_348 : i32 to index
        %parallel_loop3A_350 = arith.index_cast %parallel_loop3A_347 : i32 to index
        %parallel_loop3A_351 = tpu.vector_load %arg8[%parallel_loop3A_349, %parallel_loop3A_350] {strides = array<i32>} : memref<50x256xf32, #tpu.memory_space<vmem>>, vector<16xf32>,
        tpu.vector_store %arg8[%parallel_loop3A_349, %parallel_loop3A_350], %parallel_loop3A_345 {strides = array<i32>} : memref<50x256xf32, #tpu.memory_space<vmem>>, vector<16xf32>,
        %parallel_loop3A_352 = arith.constant 28672 : i32
        %parallel_loop3A_353 = vector.broadcast %parallel_loop3A_352 : i32 to vector<16xi32>
        %parallel_loop3A_354 = arith.addi %parallel_loop3A_71, %parallel_loop3A_353 : vector<16xi32>
        %parallel_loop3A_355 = tpu.vector_load_idx %arg5[%parallel_loop3A_354] : memref<51200xf32, #tpu.memory_space<vmem>>[vector<16xi32>], vector<16xf32>,
        %parallel_loop3A_356 = arith.constant 16 : i32
        %parallel_loop3A_357 = arith.muli %parallel_loop3A_64, %parallel_loop3A_356 : i32
        %parallel_loop3A_358 = arith.constant 28 : i32
        %parallel_loop3A_359 = arith.index_cast %parallel_loop3A_358 : i32 to index
        %parallel_loop3A_360 = arith.index_cast %parallel_loop3A_357 : i32 to index
        %parallel_loop3A_361 = tpu.vector_load %arg8[%parallel_loop3A_359, %parallel_loop3A_360] {strides = array<i32>} : memref<50x256xf32, #tpu.memory_space<vmem>>, vector<16xf32>,
        tpu.vector_store %arg8[%parallel_loop3A_359, %parallel_loop3A_360], %parallel_loop3A_355 {strides = array<i32>} : memref<50x256xf32, #tpu.memory_space<vmem>>, vector<16xf32>,
        %parallel_loop3A_362 = arith.constant 29696 : i32
        %parallel_loop3A_363 = vector.broadcast %parallel_loop3A_362 : i32 to vector<16xi32>
        %parallel_loop3A_364 = arith.addi %parallel_loop3A_71, %parallel_loop3A_363 : vector<16xi32>
        %parallel_loop3A_365 = tpu.vector_load_idx %arg5[%parallel_loop3A_364] : memref<51200xf32, #tpu.memory_space<vmem>>[vector<16xi32>], vector<16xf32>,
        %parallel_loop3A_366 = arith.constant 16 : i32
        %parallel_loop3A_367 = arith.muli %parallel_loop3A_64, %parallel_loop3A_366 : i32
        %parallel_loop3A_368 = arith.constant 29 : i32
        %parallel_loop3A_369 = arith.index_cast %parallel_loop3A_368 : i32 to index
        %parallel_loop3A_370 = arith.index_cast %parallel_loop3A_367 : i32 to index
        %parallel_loop3A_371 = tpu.vector_load %arg8[%parallel_loop3A_369, %parallel_loop3A_370] {strides = array<i32>} : memref<50x256xf32, #tpu.memory_space<vmem>>, vector<16xf32>,
        tpu.vector_store %arg8[%parallel_loop3A_369, %parallel_loop3A_370], %parallel_loop3A_365 {strides = array<i32>} : memref<50x256xf32, #tpu.memory_space<vmem>>, vector<16xf32>,
        %parallel_loop3A_372 = arith.constant 30720 : i32
        %parallel_loop3A_373 = vector.broadcast %parallel_loop3A_372 : i32 to vector<16xi32>
        %parallel_loop3A_374 = arith.addi %parallel_loop3A_71, %parallel_loop3A_373 : vector<16xi32>
        %parallel_loop3A_375 = tpu.vector_load_idx %arg5[%parallel_loop3A_374] : memref<51200xf32, #tpu.memory_space<vmem>>[vector<16xi32>], vector<16xf32>,
        %parallel_loop3A_376 = arith.constant 16 : i32
        %parallel_loop3A_377 = arith.muli %parallel_loop3A_64, %parallel_loop3A_376 : i32
        %parallel_loop3A_378 = arith.constant 30 : i32
        %parallel_loop3A_379 = arith.index_cast %parallel_loop3A_378 : i32 to index
        %parallel_loop3A_380 = arith.index_cast %parallel_loop3A_377 : i32 to index
        %parallel_loop3A_381 = tpu.vector_load %arg8[%parallel_loop3A_379, %parallel_loop3A_380] {strides = array<i32>} : memref<50x256xf32, #tpu.memory_space<vmem>>, vector<16xf32>,
        tpu.vector_store %arg8[%parallel_loop3A_379, %parallel_loop3A_380], %parallel_loop3A_375 {strides = array<i32>} : memref<50x256xf32, #tpu.memory_space<vmem>>, vector<16xf32>,
        %parallel_loop3A_382 = arith.constant 31744 : i32
        %parallel_loop3A_383 = vector.broadcast %parallel_loop3A_382 : i32 to vector<16xi32>
        %parallel_loop3A_384 = arith.addi %parallel_loop3A_71, %parallel_loop3A_383 : vector<16xi32>
        %parallel_loop3A_385 = tpu.vector_load_idx %arg5[%parallel_loop3A_384] : memref<51200xf32, #tpu.memory_space<vmem>>[vector<16xi32>], vector<16xf32>,
        %parallel_loop3A_386 = arith.constant 16 : i32
        %parallel_loop3A_387 = arith.muli %parallel_loop3A_64, %parallel_loop3A_386 : i32
        %parallel_loop3A_388 = arith.constant 31 : i32
        %parallel_loop3A_389 = arith.index_cast %parallel_loop3A_388 : i32 to index
        %parallel_loop3A_390 = arith.index_cast %parallel_loop3A_387 : i32 to index
        %parallel_loop3A_391 = tpu.vector_load %arg8[%parallel_loop3A_389, %parallel_loop3A_390] {strides = array<i32>} : memref<50x256xf32, #tpu.memory_space<vmem>>, vector<16xf32>,
        tpu.vector_store %arg8[%parallel_loop3A_389, %parallel_loop3A_390], %parallel_loop3A_385 {strides = array<i32>} : memref<50x256xf32, #tpu.memory_space<vmem>>, vector<16xf32>,
        %parallel_loop3A_392 = arith.constant 32768 : i32
        %parallel_loop3A_393 = vector.broadcast %parallel_loop3A_392 : i32 to vector<16xi32>
        %parallel_loop3A_394 = arith.addi %parallel_loop3A_71, %parallel_loop3A_393 : vector<16xi32>
        %parallel_loop3A_395 = tpu.vector_load_idx %arg5[%parallel_loop3A_394] : memref<51200xf32, #tpu.memory_space<vmem>>[vector<16xi32>], vector<16xf32>,
        %parallel_loop3A_396 = arith.constant 16 : i32
        %parallel_loop3A_397 = arith.muli %parallel_loop3A_64, %parallel_loop3A_396 : i32
        %parallel_loop3A_398 = arith.constant 32 : i32
        %parallel_loop3A_399 = arith.index_cast %parallel_loop3A_398 : i32 to index
        %parallel_loop3A_400 = arith.index_cast %parallel_loop3A_397 : i32 to index
        %parallel_loop3A_401 = tpu.vector_load %arg8[%parallel_loop3A_399, %parallel_loop3A_400] {strides = array<i32>} : memref<50x256xf32, #tpu.memory_space<vmem>>, vector<16xf32>,
        tpu.vector_store %arg8[%parallel_loop3A_399, %parallel_loop3A_400], %parallel_loop3A_395 {strides = array<i32>} : memref<50x256xf32, #tpu.memory_space<vmem>>, vector<16xf32>,
        %parallel_loop3A_402 = arith.constant 33792 : i32
        %parallel_loop3A_403 = vector.broadcast %parallel_loop3A_402 : i32 to vector<16xi32>
        %parallel_loop3A_404 = arith.addi %parallel_loop3A_71, %parallel_loop3A_403 : vector<16xi32>
        %parallel_loop3A_405 = tpu.vector_load_idx %arg5[%parallel_loop3A_404] : memref<51200xf32, #tpu.memory_space<vmem>>[vector<16xi32>], vector<16xf32>,
        %parallel_loop3A_406 = arith.constant 16 : i32
        %parallel_loop3A_407 = arith.muli %parallel_loop3A_64, %parallel_loop3A_406 : i32
        %parallel_loop3A_408 = arith.constant 33 : i32
        %parallel_loop3A_409 = arith.index_cast %parallel_loop3A_408 : i32 to index
        %parallel_loop3A_410 = arith.index_cast %parallel_loop3A_407 : i32 to index
        %parallel_loop3A_411 = tpu.vector_load %arg8[%parallel_loop3A_409, %parallel_loop3A_410] {strides = array<i32>} : memref<50x256xf32, #tpu.memory_space<vmem>>, vector<16xf32>,
        tpu.vector_store %arg8[%parallel_loop3A_409, %parallel_loop3A_410], %parallel_loop3A_405 {strides = array<i32>} : memref<50x256xf32, #tpu.memory_space<vmem>>, vector<16xf32>,
        %parallel_loop3A_412 = arith.constant 34816 : i32
        %parallel_loop3A_413 = vector.broadcast %parallel_loop3A_412 : i32 to vector<16xi32>
        %parallel_loop3A_414 = arith.addi %parallel_loop3A_71, %parallel_loop3A_413 : vector<16xi32>
        %parallel_loop3A_415 = tpu.vector_load_idx %arg5[%parallel_loop3A_414] : memref<51200xf32, #tpu.memory_space<vmem>>[vector<16xi32>], vector<16xf32>,
        %parallel_loop3A_416 = arith.constant 16 : i32
        %parallel_loop3A_417 = arith.muli %parallel_loop3A_64, %parallel_loop3A_416 : i32
        %parallel_loop3A_418 = arith.constant 34 : i32
        %parallel_loop3A_419 = arith.index_cast %parallel_loop3A_418 : i32 to index
        %parallel_loop3A_420 = arith.index_cast %parallel_loop3A_417 : i32 to index
        %parallel_loop3A_421 = tpu.vector_load %arg8[%parallel_loop3A_419, %parallel_loop3A_420] {strides = array<i32>} : memref<50x256xf32, #tpu.memory_space<vmem>>, vector<16xf32>,
        tpu.vector_store %arg8[%parallel_loop3A_419, %parallel_loop3A_420], %parallel_loop3A_415 {strides = array<i32>} : memref<50x256xf32, #tpu.memory_space<vmem>>, vector<16xf32>,
        %parallel_loop3A_422 = arith.constant 35840 : i32
        %parallel_loop3A_423 = vector.broadcast %parallel_loop3A_422 : i32 to vector<16xi32>
        %parallel_loop3A_424 = arith.addi %parallel_loop3A_71, %parallel_loop3A_423 : vector<16xi32>
        %parallel_loop3A_425 = tpu.vector_load_idx %arg5[%parallel_loop3A_424] : memref<51200xf32, #tpu.memory_space<vmem>>[vector<16xi32>], vector<16xf32>,
        %parallel_loop3A_426 = arith.constant 16 : i32
        %parallel_loop3A_427 = arith.muli %parallel_loop3A_64, %parallel_loop3A_426 : i32
        %parallel_loop3A_428 = arith.constant 35 : i32
        %parallel_loop3A_429 = arith.index_cast %parallel_loop3A_428 : i32 to index
        %parallel_loop3A_430 = arith.index_cast %parallel_loop3A_427 : i32 to index
        %parallel_loop3A_431 = tpu.vector_load %arg8[%parallel_loop3A_429, %parallel_loop3A_430] {strides = array<i32>} : memref<50x256xf32, #tpu.memory_space<vmem>>, vector<16xf32>,
        tpu.vector_store %arg8[%parallel_loop3A_429, %parallel_loop3A_430], %parallel_loop3A_425 {strides = array<i32>} : memref<50x256xf32, #tpu.memory_space<vmem>>, vector<16xf32>,
        %parallel_loop3A_432 = arith.constant 36864 : i32
        %parallel_loop3A_433 = vector.broadcast %parallel_loop3A_432 : i32 to vector<16xi32>
        %parallel_loop3A_434 = arith.addi %parallel_loop3A_71, %parallel_loop3A_433 : vector<16xi32>
        %parallel_loop3A_435 = tpu.vector_load_idx %arg5[%parallel_loop3A_434] : memref<51200xf32, #tpu.memory_space<vmem>>[vector<16xi32>], vector<16xf32>,
        %parallel_loop3A_436 = arith.constant 16 : i32
        %parallel_loop3A_437 = arith.muli %parallel_loop3A_64, %parallel_loop3A_436 : i32
        %parallel_loop3A_438 = arith.constant 36 : i32
        %parallel_loop3A_439 = arith.index_cast %parallel_loop3A_438 : i32 to index
        %parallel_loop3A_440 = arith.index_cast %parallel_loop3A_437 : i32 to index
        %parallel_loop3A_441 = tpu.vector_load %arg8[%parallel_loop3A_439, %parallel_loop3A_440] {strides = array<i32>} : memref<50x256xf32, #tpu.memory_space<vmem>>, vector<16xf32>,
        tpu.vector_store %arg8[%parallel_loop3A_439, %parallel_loop3A_440], %parallel_loop3A_435 {strides = array<i32>} : memref<50x256xf32, #tpu.memory_space<vmem>>, vector<16xf32>,
        %parallel_loop3A_442 = arith.constant 37888 : i32
        %parallel_loop3A_443 = vector.broadcast %parallel_loop3A_442 : i32 to vector<16xi32>
        %parallel_loop3A_444 = arith.addi %parallel_loop3A_71, %parallel_loop3A_443 : vector<16xi32>
        %parallel_loop3A_445 = tpu.vector_load_idx %arg5[%parallel_loop3A_444] : memref<51200xf32, #tpu.memory_space<vmem>>[vector<16xi32>], vector<16xf32>,
        %parallel_loop3A_446 = arith.constant 16 : i32
        %parallel_loop3A_447 = arith.muli %parallel_loop3A_64, %parallel_loop3A_446 : i32
        %parallel_loop3A_448 = arith.constant 37 : i32
        %parallel_loop3A_449 = arith.index_cast %parallel_loop3A_448 : i32 to index
        %parallel_loop3A_450 = arith.index_cast %parallel_loop3A_447 : i32 to index
        %parallel_loop3A_451 = tpu.vector_load %arg8[%parallel_loop3A_449, %parallel_loop3A_450] {strides = array<i32>} : memref<50x256xf32, #tpu.memory_space<vmem>>, vector<16xf32>,
        tpu.vector_store %arg8[%parallel_loop3A_449, %parallel_loop3A_450], %parallel_loop3A_445 {strides = array<i32>} : memref<50x256xf32, #tpu.memory_space<vmem>>, vector<16xf32>,
        %parallel_loop3A_452 = arith.constant 38912 : i32
        %parallel_loop3A_453 = vector.broadcast %parallel_loop3A_452 : i32 to vector<16xi32>
        %parallel_loop3A_454 = arith.addi %parallel_loop3A_71, %parallel_loop3A_453 : vector<16xi32>
        %parallel_loop3A_455 = tpu.vector_load_idx %arg5[%parallel_loop3A_454] : memref<51200xf32, #tpu.memory_space<vmem>>[vector<16xi32>], vector<16xf32>,
        %parallel_loop3A_456 = arith.constant 16 : i32
        %parallel_loop3A_457 = arith.muli %parallel_loop3A_64, %parallel_loop3A_456 : i32
        %parallel_loop3A_458 = arith.constant 38 : i32
        %parallel_loop3A_459 = arith.index_cast %parallel_loop3A_458 : i32 to index
        %parallel_loop3A_460 = arith.index_cast %parallel_loop3A_457 : i32 to index
        %parallel_loop3A_461 = tpu.vector_load %arg8[%parallel_loop3A_459, %parallel_loop3A_460] {strides = array<i32>} : memref<50x256xf32, #tpu.memory_space<vmem>>, vector<16xf32>,
        tpu.vector_store %arg8[%parallel_loop3A_459, %parallel_loop3A_460], %parallel_loop3A_455 {strides = array<i32>} : memref<50x256xf32, #tpu.memory_space<vmem>>, vector<16xf32>,
        %parallel_loop3A_462 = arith.constant 39936 : i32
        %parallel_loop3A_463 = vector.broadcast %parallel_loop3A_462 : i32 to vector<16xi32>
        %parallel_loop3A_464 = arith.addi %parallel_loop3A_71, %parallel_loop3A_463 : vector<16xi32>
        %parallel_loop3A_465 = tpu.vector_load_idx %arg5[%parallel_loop3A_464] : memref<51200xf32, #tpu.memory_space<vmem>>[vector<16xi32>], vector<16xf32>,
        %parallel_loop3A_466 = arith.constant 16 : i32
        %parallel_loop3A_467 = arith.muli %parallel_loop3A_64, %parallel_loop3A_466 : i32
        %parallel_loop3A_468 = arith.constant 39 : i32
        %parallel_loop3A_469 = arith.index_cast %parallel_loop3A_468 : i32 to index
        %parallel_loop3A_470 = arith.index_cast %parallel_loop3A_467 : i32 to index
        %parallel_loop3A_471 = tpu.vector_load %arg8[%parallel_loop3A_469, %parallel_loop3A_470] {strides = array<i32>} : memref<50x256xf32, #tpu.memory_space<vmem>>, vector<16xf32>,
        tpu.vector_store %arg8[%parallel_loop3A_469, %parallel_loop3A_470], %parallel_loop3A_465 {strides = array<i32>} : memref<50x256xf32, #tpu.memory_space<vmem>>, vector<16xf32>,
        %parallel_loop3A_472 = arith.constant 40960 : i32
        %parallel_loop3A_473 = vector.broadcast %parallel_loop3A_472 : i32 to vector<16xi32>
        %parallel_loop3A_474 = arith.addi %parallel_loop3A_71, %parallel_loop3A_473 : vector<16xi32>
        %parallel_loop3A_475 = tpu.vector_load_idx %arg5[%parallel_loop3A_474] : memref<51200xf32, #tpu.memory_space<vmem>>[vector<16xi32>], vector<16xf32>,
        %parallel_loop3A_476 = arith.constant 16 : i32
        %parallel_loop3A_477 = arith.muli %parallel_loop3A_64, %parallel_loop3A_476 : i32
        %parallel_loop3A_478 = arith.constant 40 : i32
        %parallel_loop3A_479 = arith.index_cast %parallel_loop3A_478 : i32 to index
        %parallel_loop3A_480 = arith.index_cast %parallel_loop3A_477 : i32 to index
        %parallel_loop3A_481 = tpu.vector_load %arg8[%parallel_loop3A_479, %parallel_loop3A_480] {strides = array<i32>} : memref<50x256xf32, #tpu.memory_space<vmem>>, vector<16xf32>,
        tpu.vector_store %arg8[%parallel_loop3A_479, %parallel_loop3A_480], %parallel_loop3A_475 {strides = array<i32>} : memref<50x256xf32, #tpu.memory_space<vmem>>, vector<16xf32>,
        %parallel_loop3A_482 = arith.constant 41984 : i32
        %parallel_loop3A_483 = vector.broadcast %parallel_loop3A_482 : i32 to vector<16xi32>
        %parallel_loop3A_484 = arith.addi %parallel_loop3A_71, %parallel_loop3A_483 : vector<16xi32>
        %parallel_loop3A_485 = tpu.vector_load_idx %arg5[%parallel_loop3A_484] : memref<51200xf32, #tpu.memory_space<vmem>>[vector<16xi32>], vector<16xf32>,
        %parallel_loop3A_486 = arith.constant 16 : i32
        %parallel_loop3A_487 = arith.muli %parallel_loop3A_64, %parallel_loop3A_486 : i32
        %parallel_loop3A_488 = arith.constant 41 : i32
        %parallel_loop3A_489 = arith.index_cast %parallel_loop3A_488 : i32 to index
        %parallel_loop3A_490 = arith.index_cast %parallel_loop3A_487 : i32 to index
        %parallel_loop3A_491 = tpu.vector_load %arg8[%parallel_loop3A_489, %parallel_loop3A_490] {strides = array<i32>} : memref<50x256xf32, #tpu.memory_space<vmem>>, vector<16xf32>,
        tpu.vector_store %arg8[%parallel_loop3A_489, %parallel_loop3A_490], %parallel_loop3A_485 {strides = array<i32>} : memref<50x256xf32, #tpu.memory_space<vmem>>, vector<16xf32>,
        %parallel_loop3A_492 = arith.constant 43008 : i32
        %parallel_loop3A_493 = vector.broadcast %parallel_loop3A_492 : i32 to vector<16xi32>
        %parallel_loop3A_494 = arith.addi %parallel_loop3A_71, %parallel_loop3A_493 : vector<16xi32>
        %parallel_loop3A_495 = tpu.vector_load_idx %arg5[%parallel_loop3A_494] : memref<51200xf32, #tpu.memory_space<vmem>>[vector<16xi32>], vector<16xf32>,
        %parallel_loop3A_496 = arith.constant 16 : i32
        %parallel_loop3A_497 = arith.muli %parallel_loop3A_64, %parallel_loop3A_496 : i32
        %parallel_loop3A_498 = arith.constant 42 : i32
        %parallel_loop3A_499 = arith.index_cast %parallel_loop3A_498 : i32 to index
        %parallel_loop3A_500 = arith.index_cast %parallel_loop3A_497 : i32 to index
        %parallel_loop3A_501 = tpu.vector_load %arg8[%parallel_loop3A_499, %parallel_loop3A_500] {strides = array<i32>} : memref<50x256xf32, #tpu.memory_space<vmem>>, vector<16xf32>,
        tpu.vector_store %arg8[%parallel_loop3A_499, %parallel_loop3A_500], %parallel_loop3A_495 {strides = array<i32>} : memref<50x256xf32, #tpu.memory_space<vmem>>, vector<16xf32>,
        %parallel_loop3A_502 = arith.constant 44032 : i32
        %parallel_loop3A_503 = vector.broadcast %parallel_loop3A_502 : i32 to vector<16xi32>
        %parallel_loop3A_504 = arith.addi %parallel_loop3A_71, %parallel_loop3A_503 : vector<16xi32>
        %parallel_loop3A_505 = tpu.vector_load_idx %arg5[%parallel_loop3A_504] : memref<51200xf32, #tpu.memory_space<vmem>>[vector<16xi32>], vector<16xf32>,
        %parallel_loop3A_506 = arith.constant 16 : i32
        %parallel_loop3A_507 = arith.muli %parallel_loop3A_64, %parallel_loop3A_506 : i32
        %parallel_loop3A_508 = arith.constant 43 : i32
        %parallel_loop3A_509 = arith.index_cast %parallel_loop3A_508 : i32 to index
        %parallel_loop3A_510 = arith.index_cast %parallel_loop3A_507 : i32 to index
        %parallel_loop3A_511 = tpu.vector_load %arg8[%parallel_loop3A_509, %parallel_loop3A_510] {strides = array<i32>} : memref<50x256xf32, #tpu.memory_space<vmem>>, vector<16xf32>,
        tpu.vector_store %arg8[%parallel_loop3A_509, %parallel_loop3A_510], %parallel_loop3A_505 {strides = array<i32>} : memref<50x256xf32, #tpu.memory_space<vmem>>, vector<16xf32>,
        %parallel_loop3A_512 = arith.constant 45056 : i32
        %parallel_loop3A_513 = vector.broadcast %parallel_loop3A_512 : i32 to vector<16xi32>
        %parallel_loop3A_514 = arith.addi %parallel_loop3A_71, %parallel_loop3A_513 : vector<16xi32>
        %parallel_loop3A_515 = tpu.vector_load_idx %arg5[%parallel_loop3A_514] : memref<51200xf32, #tpu.memory_space<vmem>>[vector<16xi32>], vector<16xf32>,
        %parallel_loop3A_516 = arith.constant 16 : i32
        %parallel_loop3A_517 = arith.muli %parallel_loop3A_64, %parallel_loop3A_516 : i32
        %parallel_loop3A_518 = arith.constant 44 : i32
        %parallel_loop3A_519 = arith.index_cast %parallel_loop3A_518 : i32 to index
        %parallel_loop3A_520 = arith.index_cast %parallel_loop3A_517 : i32 to index
        %parallel_loop3A_521 = tpu.vector_load %arg8[%parallel_loop3A_519, %parallel_loop3A_520] {strides = array<i32>} : memref<50x256xf32, #tpu.memory_space<vmem>>, vector<16xf32>,
        tpu.vector_store %arg8[%parallel_loop3A_519, %parallel_loop3A_520], %parallel_loop3A_515 {strides = array<i32>} : memref<50x256xf32, #tpu.memory_space<vmem>>, vector<16xf32>,
        %parallel_loop3A_522 = arith.constant 46080 : i32
        %parallel_loop3A_523 = vector.broadcast %parallel_loop3A_522 : i32 to vector<16xi32>
        %parallel_loop3A_524 = arith.addi %parallel_loop3A_71, %parallel_loop3A_523 : vector<16xi32>
        %parallel_loop3A_525 = tpu.vector_load_idx %arg5[%parallel_loop3A_524] : memref<51200xf32, #tpu.memory_space<vmem>>[vector<16xi32>], vector<16xf32>,
        %parallel_loop3A_526 = arith.constant 16 : i32
        %parallel_loop3A_527 = arith.muli %parallel_loop3A_64, %parallel_loop3A_526 : i32
        %parallel_loop3A_528 = arith.constant 45 : i32
        %parallel_loop3A_529 = arith.index_cast %parallel_loop3A_528 : i32 to index
        %parallel_loop3A_530 = arith.index_cast %parallel_loop3A_527 : i32 to index
        %parallel_loop3A_531 = tpu.vector_load %arg8[%parallel_loop3A_529, %parallel_loop3A_530] {strides = array<i32>} : memref<50x256xf32, #tpu.memory_space<vmem>>, vector<16xf32>,
        tpu.vector_store %arg8[%parallel_loop3A_529, %parallel_loop3A_530], %parallel_loop3A_525 {strides = array<i32>} : memref<50x256xf32, #tpu.memory_space<vmem>>, vector<16xf32>,
        %parallel_loop3A_532 = arith.constant 47104 : i32
        %parallel_loop3A_533 = vector.broadcast %parallel_loop3A_532 : i32 to vector<16xi32>
        %parallel_loop3A_534 = arith.addi %parallel_loop3A_71, %parallel_loop3A_533 : vector<16xi32>
        %parallel_loop3A_535 = tpu.vector_load_idx %arg5[%parallel_loop3A_534] : memref<51200xf32, #tpu.memory_space<vmem>>[vector<16xi32>], vector<16xf32>,
        %parallel_loop3A_536 = arith.constant 16 : i32
        %parallel_loop3A_537 = arith.muli %parallel_loop3A_64, %parallel_loop3A_536 : i32
        %parallel_loop3A_538 = arith.constant 46 : i32
        %parallel_loop3A_539 = arith.index_cast %parallel_loop3A_538 : i32 to index
        %parallel_loop3A_540 = arith.index_cast %parallel_loop3A_537 : i32 to index
        %parallel_loop3A_541 = tpu.vector_load %arg8[%parallel_loop3A_539, %parallel_loop3A_540] {strides = array<i32>} : memref<50x256xf32, #tpu.memory_space<vmem>>, vector<16xf32>,
        tpu.vector_store %arg8[%parallel_loop3A_539, %parallel_loop3A_540], %parallel_loop3A_535 {strides = array<i32>} : memref<50x256xf32, #tpu.memory_space<vmem>>, vector<16xf32>,
        %parallel_loop3A_542 = arith.constant 48128 : i32
        %parallel_loop3A_543 = vector.broadcast %parallel_loop3A_542 : i32 to vector<16xi32>
        %parallel_loop3A_544 = arith.addi %parallel_loop3A_71, %parallel_loop3A_543 : vector<16xi32>
        %parallel_loop3A_545 = tpu.vector_load_idx %arg5[%parallel_loop3A_544] : memref<51200xf32, #tpu.memory_space<vmem>>[vector<16xi32>], vector<16xf32>,
        %parallel_loop3A_546 = arith.constant 16 : i32
        %parallel_loop3A_547 = arith.muli %parallel_loop3A_64, %parallel_loop3A_546 : i32
        %parallel_loop3A_548 = arith.constant 47 : i32
        %parallel_loop3A_549 = arith.index_cast %parallel_loop3A_548 : i32 to index
        %parallel_loop3A_550 = arith.index_cast %parallel_loop3A_547 : i32 to index
        %parallel_loop3A_551 = tpu.vector_load %arg8[%parallel_loop3A_549, %parallel_loop3A_550] {strides = array<i32>} : memref<50x256xf32, #tpu.memory_space<vmem>>, vector<16xf32>,
        tpu.vector_store %arg8[%parallel_loop3A_549, %parallel_loop3A_550], %parallel_loop3A_545 {strides = array<i32>} : memref<50x256xf32, #tpu.memory_space<vmem>>, vector<16xf32>,
        %parallel_loop3A_552 = arith.constant 49152 : i32
        %parallel_loop3A_553 = vector.broadcast %parallel_loop3A_552 : i32 to vector<16xi32>
        %parallel_loop3A_554 = arith.addi %parallel_loop3A_71, %parallel_loop3A_553 : vector<16xi32>
        %parallel_loop3A_555 = tpu.vector_load_idx %arg5[%parallel_loop3A_554] : memref<51200xf32, #tpu.memory_space<vmem>>[vector<16xi32>], vector<16xf32>,
        %parallel_loop3A_556 = arith.constant 16 : i32
        %parallel_loop3A_557 = arith.muli %parallel_loop3A_64, %parallel_loop3A_556 : i32
        %parallel_loop3A_558 = arith.constant 48 : i32
        %parallel_loop3A_559 = arith.index_cast %parallel_loop3A_558 : i32 to index
        %parallel_loop3A_560 = arith.index_cast %parallel_loop3A_557 : i32 to index
        %parallel_loop3A_561 = tpu.vector_load %arg8[%parallel_loop3A_559, %parallel_loop3A_560] {strides = array<i32>} : memref<50x256xf32, #tpu.memory_space<vmem>>, vector<16xf32>,
        tpu.vector_store %arg8[%parallel_loop3A_559, %parallel_loop3A_560], %parallel_loop3A_555 {strides = array<i32>} : memref<50x256xf32, #tpu.memory_space<vmem>>, vector<16xf32>,
        %parallel_loop3A_562 = arith.constant 50176 : i32
        %parallel_loop3A_563 = vector.broadcast %parallel_loop3A_562 : i32 to vector<16xi32>
        %parallel_loop3A_564 = arith.addi %parallel_loop3A_71, %parallel_loop3A_563 : vector<16xi32>
        %parallel_loop3A_565 = tpu.vector_load_idx %arg5[%parallel_loop3A_564] : memref<51200xf32, #tpu.memory_space<vmem>>[vector<16xi32>], vector<16xf32>,
        %parallel_loop3A_566 = arith.constant 16 : i32
        %parallel_loop3A_567 = arith.muli %parallel_loop3A_64, %parallel_loop3A_566 : i32
        %parallel_loop3A_568 = arith.constant 49 : i32
        %parallel_loop3A_569 = arith.index_cast %parallel_loop3A_568 : i32 to index
        %parallel_loop3A_570 = arith.index_cast %parallel_loop3A_567 : i32 to index
        %parallel_loop3A_571 = tpu.vector_load %arg8[%parallel_loop3A_569, %parallel_loop3A_570] {strides = array<i32>} : memref<50x256xf32, #tpu.memory_space<vmem>>, vector<16xf32>,
        tpu.vector_store %arg8[%parallel_loop3A_569, %parallel_loop3A_570], %parallel_loop3A_565 {strides = array<i32>} : memref<50x256xf32, #tpu.memory_space<vmem>>, vector<16xf32>,
      } {sc.loop_unroll_factor = 1 : i64, sc.parallel_access}
      %add3A_55 = arith.constant 256 : i32
      %add3A_56 = arith.addi %mul3A_2, %add3A_55 : i32
      %dma_start3A_57 = arith.constant 0 : i32
      %dma_start3A_58 = tpu.memref_slice %arg4[%scan3A_33, %dma_start3A_57, %add3A_56] : memref<50x50x16384xf32, #tpu.memory_space<hbm>> -> memref<1x50x256xf32, #tpu.memory_space<hbm>>
      %dma_start3A_59 = tpu.memref_squeeze %dma_start3A_58 : memref<1x50x256xf32, #tpu.memory_space<hbm>> -> memref<50x256xf32, #tpu.memory_space<hbm>>
      %dma_start3A_60 = arith.constant 0 : i32
      %dma_start3A_61 = tpu.memref_slice %arg4[%scan3A_33, %dma_start3A_60, %add3A_56] : memref<50x50x16384xf32, #tpu.memory_space<hbm>> -> memref<1x50x256xf32, #tpu.memory_space<hbm>>
      %dma_start3A_62 = tpu.memref_squeeze %dma_start3A_61 : memref<1x50x256xf32, #tpu.memory_space<hbm>> -> memref<50x256xf32, #tpu.memory_space<hbm>>
      tpu.enqueue_dma source(%arg8 : memref<50x256xf32, #tpu.memory_space<vmem>>) target(%dma_start3A_62 : memref<50x256xf32, #tpu.memory_space<hbm>>) target_semaphore(%arg11 : memref<!tpu.dma_semaphore, #tpu.memory_space<semaphore_mem>>)
      %scan3A_63 = arith.constant 0 : i32
      scf.yield %scan3A_63 : i32
    }
    %scan3A_14 = arith.constant 50 : i32
    %add3A_15 = arith.constant 0 : i32
    %add3A_16 = arith.addi %mul3A_2, %add3A_15 : i32
    %dma_wait3A_17 = arith.constant 49 : i32
    %dma_wait3A_18 = arith.constant 0 : i32
    %dma_wait3A_19 = tpu.memref_slice %arg4[%dma_wait3A_17, %dma_wait3A_18, %add3A_16] : memref<50x50x16384xf32, #tpu.memory_space<hbm>> -> memref<1x50x256xf32, #tpu.memory_space<hbm>>
    %dma_wait3A_20 = tpu.memref_squeeze %dma_wait3A_19 : memref<1x50x256xf32, #tpu.memory_space<hbm>> -> memref<50x256xf32, #tpu.memory_space<hbm>>
    %dma_wait3A_21 = arith.constant 0 : i32
    %dma_wait3A_22 = tpu.memref_slice %arg4[%dma_wait3A_17, %dma_wait3A_21, %add3A_16] : memref<50x50x16384xf32, #tpu.memory_space<hbm>> -> memref<1x50x256xf32, #tpu.memory_space<hbm>>
    %dma_wait3A_23 = tpu.memref_squeeze %dma_wait3A_22 : memref<1x50x256xf32, #tpu.memory_space<hbm>> -> memref<50x256xf32, #tpu.memory_space<hbm>>
    tpu.wait_dma2 semaphore(%arg10 : memref<!tpu.dma_semaphore, #tpu.memory_space<semaphore_mem>>) src(%arg7 : memref<50x256xf32, #tpu.memory_space<vmem>>) dst(%dma_wait3A_23 : memref<50x256xf32, #tpu.memory_space<hbm>>)
    %add3A_24 = arith.constant 256 : i32
    %add3A_25 = arith.addi %mul3A_2, %add3A_24 : i32
    %dma_wait3A_26 = arith.constant 49 : i32
    %dma_wait3A_27 = arith.constant 0 : i32
    %dma_wait3A_28 = tpu.memref_slice %arg4[%dma_wait3A_26, %dma_wait3A_27, %add3A_25] : memref<50x50x16384xf32, #tpu.memory_space<hbm>> -> memref<1x50x256xf32, #tpu.memory_space<hbm>>
    %dma_wait3A_29 = tpu.memref_squeeze %dma_wait3A_28 : memref<1x50x256xf32, #tpu.memory_space<hbm>> -> memref<50x256xf32, #tpu.memory_space<hbm>>
    %dma_wait3A_30 = arith.constant 0 : i32
    %dma_wait3A_31 = tpu.memref_slice %arg4[%dma_wait3A_26, %dma_wait3A_30, %add3A_25] : memref<50x50x16384xf32, #tpu.memory_space<hbm>> -> memref<1x50x256xf32, #tpu.memory_space<hbm>>
    %dma_wait3A_32 = tpu.memref_squeeze %dma_wait3A_31 : memref<1x50x256xf32, #tpu.memory_space<hbm>> -> memref<50x256xf32, #tpu.memory_space<hbm>>
    tpu.wait_dma2 semaphore(%arg11 : memref<!tpu.dma_semaphore, #tpu.memory_space<semaphore_mem>>) src(%arg8 : memref<50x256xf32, #tpu.memory_space<vmem>>) dst(%dma_wait3A_32 : memref<50x256xf32, #tpu.memory_space<hbm>>)
    return
  }
}

</mosaic_0001>

<sc_bundles>
// kernel: kernel.3.cloned.1.call-start
scs
__scs_entry_jumppad:
0x0: {  	(pc) =	sbr.rel $0x88, $3  }
0x1: {  	(tag) =	ssettag $0x0;
	lr =	simm.s32 $0x1  }
0x2: {  	[smem:$0x3F9F] =	sst lr;
	_ =	strace $0xD0000000  }
0x3: {  	_ = 	snop  }
0x4: {  	_ = 	snop  }
0x5: {  	_ = 	snop  }
0x6: {  	_ = 	snop  }
0x7: {  	_ = 	snop  }
__scs_overlays_trampoline_lowered:
0x8: {  	[smem:$0x3FAE] =	sst s0  }
0x9: {  	[smem:$0x3FAF] =	sst s1  }
0xa: {  	[smem:$0x3FB0] =	sst s2  }
0xb: {  	[smem:$0x3FB1] =	sst s3  }
0xc: {  	[smem:$0x3FB2] =	sst s4  }
0xd: {  	[smem:$0x3FB3] =	sst s5  }
0xe: {  	[smem:$0x3FB4] =	sst s6  }
0xf: {  	[smem:$0x3FB5] =	sst s7  }
0x10: {  	[smem:$0x3FB6] =	sst s8  }
0x11: {  	[smem:$0x3FB7] =	sst s9;
	s0 =	simm.s32 @!p0 $0x0  }
0x12: {  	s1 =	sld [smem:$0x3F9D];
	s0 =	simm.s32 @p0 $0x1  }
0x13: {  	[smem:$0x3FB8] =	sst s0;
	s0 =	simm.s32 @!p1 $0x0  }
0x14: {  	s2 =	sld [smem:$0x3F9C];
	s0 =	simm.s32 @p1 $0x1  }
0x15: {  	[smem:$0x3FB9] =	sst s0;
	s0 =	simm.s32 @!p2 $0x0  }
0x16: {  	s3 =	sld [smem:$0x3FDB];
	s0 =	simm.s32 @p2 $0x1  }
0x17: {  	s4 =	simm.s32 $0x1BF5;
	[smem:$0x3FBB] =	sst s0  }
0x18: {  	s0 =	sld [smem:$0x3F9E];
	_ =	swait.ge [sflag:s4], $0x0  }
0x19: {  	s7 =	sld [smem:$0x3F9F]  }
0x1a: {  	s8 =	sadd.s32 $0xFFFFE003, lr  }
0x1b: {  	s9 =	sadd.s32 $0xFFFFFEF7, lr;
	s5 =	simm.s32 $0xFFFFFFFF;
	p2 =	slt.u32 s8, $0xFFFFF086  }
0x1c: {  	p1 =	slt.u32 s9, $0xF7A;
	s5 =	simm.s32 @!p2 $0x0  }
0x1d: {  	s5 =	simm.s32 @p1 $0x1;
	p0 =	seq.s32 s7, s2  }
0x1e: {  	s7 =	smul.u32 @!p0 $0xF7A, s2;
	p2 =	seq.s32 @!p0 s5, $0x0  }
0x1f: {  	s9 =	smul.u32 $0xF7A, s1;
	s8 =	simm.s32 @!p0 $0x1BF5;
	p2 =	por !p2, p0  }
0x20: {  	[sflag:s8] =	ssyncset.s32 @!p0 $0xFFFFF086;
	s6 =	sadd.s32 @!p0 s3, s7;
	s7 =	simm.s32 @!p0 $0x108  }
0x21: {  	s3 =	sadd.s32 s3, s9;
	s6 =	sadd.s32 @!p0 $0x88, s6;
	s7 =	simm.s32 @p2 $0x1082  }
0x22: {  	[simem:s7], [sflag:s8] =	dma.local @!p0 [hbm:s6], $0xF7A  }
0x23: {  	s9 =	sor.u32 $0xD0000000, s2;
	s6 =	simm.s32 $0x108;
	_ =	swait.ge @!p0 [sflag:s8], $0x0  }
0x24: {  	s3 =	sadd.s32 $0x88, s3;
	s6 =	simm.s32 @!p1 $0x1082;
	[sflag:s4] =	ssyncset.s32 $0xFFFFF086  }
0x25: {  	[simem:s6], [sflag:s4] =	dma.local [hbm:s3], $0xF7A  }
0x26: {  	[smem:$0x3F9F] =	sst s1;
	(tag) =	ssettag s2;
	_ =	strace s9  }
0x27: {  	s1 =	sld [smem:$0x3FAF]  }
0x28: {  	s2 =	sld [smem:$0x3FB0]  }
0x29: {  	s4 =	sld [smem:$0x3FB2]  }
0x2a: {  	p0 =	seq.s32 s5, $0x0;
	s5 =	sld [smem:$0x3FB3]  }
0x2b: {  	s6 =	sld [smem:$0x3FB4]  }
0x2c: {  	s7 =	sld [smem:$0x3FB5]  }
0x2d: {  	s3 =	simm.s32 $0x108;
	s8 =	sld [smem:$0x3FB6]  }
0x2e: {  	s3 =	simm.s32 @!p0 $0x1082;
	s9 =	sld [smem:$0x3FB7]  }
0x2f: {  	lr =	sadd.s32 s0, s3;
	s0 =	sld [smem:$0x3FAE]  }
0x30: {  	s3 =	sld [smem:$0x3FB1]  }
0x31: {  	[smem:$0x3FBA] =	sst s10  }
0x32: {  	s10 =	sld [smem:$0x3FB8];
	_ =	sdelay $0x3  }
0x33: {  	p0 =	seq.s32 s10, $0x1;
	s10 =	sld [smem:$0x3FBA];
	_ =	sdelay $0x3  }
0x34: {  	[smem:$0x3FBA] =	sst s10  }
0x35: {  	s10 =	sld [smem:$0x3FB9];
	_ =	sdelay $0x3  }
0x36: {  	p1 =	seq.s32 s10, $0x1;
	s10 =	sld [smem:$0x3FBA];
	_ =	sdelay $0x3  }
0x37: {  	[smem:$0x3FBA] =	sst s10  }
0x38: {  	s10 =	sld [smem:$0x3FBB]  }
0x39: {  	_ = 	snop;
	(pc) =	sbr.ind lr, $3  }
0x3a: {  	_ = 	snop  }
0x3b: {  	_ = 	snop  }
0x3c: {  	p2 =	seq.s32 s10, $0x1;
	s10 =	sld [smem:$0x3FBA]  }
0x3d: {  	_ =	shalt  }
0x3e: {  	_ =	shalt  }
0x3f: {  	_ =	shalt  }
0x40: {  	_ =	shalt  }
0x41: {  	_ =	shalt  }
0x42: {  	_ =	shalt  }
0x43: {  	_ =	shalt  }
0x44: {  	_ =	shalt  }
0x45: {  	_ =	shalt  }
0x46: {  	_ =	shalt  }
0x47: {  	_ =	shalt  }
0x48: {  	_ =	shalt  }
0x49: {  	_ =	shalt  }
0x4a: {  	_ =	shalt  }
0x4b: {  	_ =	shalt  }
0x4c: {  	_ =	shalt  }
0x4d: {  	_ =	shalt  }
0x4e: {  	_ =	shalt  }
0x4f: {  	_ =	shalt  }
0x50: {  	_ =	shalt  }
0x51: {  	_ =	shalt  }
0x52: {  	_ =	shalt  }
0x53: {  	_ =	shalt  }
0x54: {  	_ =	shalt  }
0x55: {  	_ =	shalt  }
0x56: {  	_ =	shalt  }
0x57: {  	_ =	shalt  }
0x58: {  	_ =	shalt  }
0x59: {  	_ =	shalt  }
0x5a: {  	_ =	shalt  }
0x5b: {  	_ =	shalt  }
0x5c: {  	_ =	shalt  }
0x5d: {  	_ =	shalt  }
0x5e: {  	_ =	shalt  }
0x5f: {  	_ =	shalt  }
0x60: {  	_ =	shalt  }
0x61: {  	_ =	shalt  }
0x62: {  	_ =	shalt  }
0x63: {  	_ =	shalt  }
0x64: {  	_ =	shalt  }
0x65: {  	_ =	shalt  }
0x66: {  	_ =	shalt  }
0x67: {  	_ =	shalt  }
0x68: {  	_ =	shalt  }
0x69: {  	_ =	shalt  }
0x6a: {  	_ =	shalt  }
0x6b: {  	_ =	shalt  }
0x6c: {  	_ =	shalt  }
0x6d: {  	_ =	shalt  }
0x6e: {  	_ =	shalt  }
0x6f: {  	_ =	shalt  }
0x70: {  	_ =	shalt  }
0x71: {  	_ =	shalt  }
0x72: {  	_ =	shalt  }
0x73: {  	_ =	shalt  }
0x74: {  	_ =	shalt  }
0x75: {  	_ =	shalt  }
0x76: {  	_ =	shalt  }
0x77: {  	_ =	shalt  }
0x78: {  	_ =	shalt  }
0x79: {  	_ =	shalt  }
0x7a: {  	_ =	shalt  }
0x7b: {  	_ =	shalt  }
0x7c: {  	_ =	shalt  }
0x7d: {  	_ =	shalt  }
0x7e: {  	_ =	shalt  }
0x7f: {  	_ =	shalt  }
0x80: {  	_ =	shalt  }
0x81: {  	_ =	shalt  }
0x82: {  	_ =	shalt  }
0x83: {  	_ =	shalt  }
0x84: {  	_ =	shalt  }
0x85: {  	_ =	shalt  }
0x86: {  	_ =	shalt  }
0x87: {  	_ =	shalt  }
.Lfunc_end0:
.L_simem_size_0:
called_computation_lowered:
.L_overlay_start_0:
0x88: {  	s2 =	sld [smem:$0x3FD9]  }
0x89: {  	s3 =	sld [smem:$0x3FFE];
	_ =	sdelay $0x1  }
0x8a: {  	s1 =	srdreg.scid  }
0x8b: {  	s0 =	sand.u32 $0x1, s1  }
0x8c: {  	s17 =	sshll.u32 s0, $0xA;
	s2 =	sadd.s32 s3, s2  }
0x8d: {  	s2 =	sadd.s32 s2, s17  }
0x8e: {  	[smem:$0x3FC6] =	sst s2  }
0x8f: {  	_ = 	snop  }
0x90: {  	s2 =	sld [smem:$0x3FC9]  }
0x91: {  	s18 =	sld [smem:$0x3FD0];
	(tm) =	ssettm $0x1  }
0x92: {  	s4 =	sld [smem:$0x3FFB];
	_ =	sdelay $0x3  }
0x93: {  	_ =	strace s4  }
0x94: {  	s4 =	sld [smem:$0x3FFC];
	_ =	sdelay $0x3  }
0x95: {  	_ =	strace s4  }
0x96: {  	s4 =	sld [smem:$0x3FFD];
	_ =	sdelay $0x3  }
0x97: {  	_ =	strace s4  }
0x98: {  	_ =	strace $0x8FFFFFFF  }
0x99: {  	s19 =	sld [smem:$0x3FDB];
	_ =	sdelay $0x1  }
0x9a: {  	s5 =	simm.s32 $_scs_section_size  }
0x9b: {  	s6 =	simm.s32 $_size__tile_overlayer_lowered;
	s7 =	simm.s32 $_tile_overlayer_lowered  }
0x9c: {  	s22 =	simm.s32 $0x1BFF;
	s21 =	sshll.u32 s7, $0x1;
	s4 =	sadd.s32 s5, s19  }
0x9d: {  	s8 =	simm.s32 $0x0;
	s20 =	sshll.u32 s6, $0x1;
	s6 =	sadd.s32 s21, s4  }
0x9e: {  	[timem:s8], [sflag:s22] =	dma.local [hbm:s6], s20  }
0x9f: {  	_ =	swait.ge [sflag:s22], s20  }
0xa0: {  	s5 =	ssub.s32 $0x0, s20;
	[sflag:s22] =	ssyncset.done $0x0  }
0xa1: {  	[sflag:s22] =	ssyncadd.s32 s5;
	_ =	sdelay $0x1  }
0xa2: {  	s23 =	simm.s32 $0x1B8B  }
0xa3: {  	_ =	swait.ge [sflag:s23], $0x1  }
0xa4: {  	[sflag:s23] =	ssyncset.done $0x0  }
0xa5: {  	s25 =	simm.s32 $0x1B8E;
	s24 =	sld [smem:$0x3FFE];
	[sflag:s23] =	ssyncadd.s32 $0xFFFFFFFF  }
0xa6: {  	s26 =	simm.s32 $execute0_lowered;
	[smem:$0x3FD2] =	sst s25  }
0xa7: {  	s6 =	sshll.u32 s26, $0x1;
	_ =	strace $0x80000046;
	[dreg:$0x1] =	wrdreg $0xFFFFFFFF  }
0xa8: {  	s28 =	simm.s32 $_size_execute0_lowered;
	s4 =	sadd.s32 s4, s6;
	[dreg:$0x0] =	wrdreg $0x0  }
0xa9: {  	s6 =	sshll.u32 s28, $0x1;
	[dreg:$0x2] =	wrdreg s4  }
0xaa: {  	[dreg:$0x3] =	wrdreg s6  }
0xab: {  	[dreg:$0x4] =	wrdreg $0xC0  }
0xac: {  	_ =	task [dreg:s8], $0x5FFFF  }
0xad: {  	[dreg:$0x1] =	wrdreg $0xFFFFFFFF  }
0xae: {  	[dreg:$0x0] =	wrdreg $0x60  }
0xaf: {  	[dreg:$0x2] =	wrdreg s2  }
0xb0: {  	[dreg:$0x3] =	wrdreg s24  }
0xb1: {  	[dreg:$0x4] =	wrdreg s18  }
0xb2: {  	[dreg:$0x5] =	wrdreg $0x9  }
0xb3: {  	_ =	task.clear_ibuf [dreg:s8], $0x6FFFF;
	_ =	strace $0x90000046  }
0xb4: {  	s29 =	simm.s32 $0x9;
	_ =	strace $0x80000048  }
0xb5: {  	_ =	swait.ge [sflag:s29], $0x1  }
0xb6: {  	[sflag:s29] =	ssyncadd.s32 $0xFFFFFFFF  }
0xb7: {  	_ =	strace $0x90000048  }
0xb8: {  	_ =	sfence  }
0xb9: {  	s30 =	sld [smem:$0x0];
	_ =	sdelay $0x2  }
0xba: {  	s31 =	sshll.u32 s1, $0xD;
	s1 =	sshrl.u32 s1, $0x2  }
0xbb: {  	s3 =	sand.u32 $0x4000, s31;
	s1 =	sadd.s32 s1, s30  }
0xbc: {  	s0 =	sor.u32 s3, s0;
	s1 =	sshll.u32 s1, $0x11  }
0xbd: {  	s0 =	sor.u32 s1, s0  }
0xbe: {  	s0 =	sadd.s32 $0x8F2B, s0  }
0xbf: {  	[sflag:s0] =	ssyncadd.remote.s32 $0x1  }
0xc0: {  	_ =	sfence.sel $0xFFFF  }
0xc1: {  	[dreg:$0x0] =	wrdreg $0xFFFFFFFF;
	(pc) =	sbr.abs _section_cstart, $3  }
0xc2: {  	[dreg:$0x1] =	wrdreg $0xFFFFFFFF  }
0xc3: {  	_ =	task.clear_ibuf [dreg:s8], $0x2FFFF;
	_ =	strace $0x9FFFFFFF  }
0xc4: {  	(tm) =	ssettm $0x7FFFFFFF  }
0xc5: {  	_ =	shalt  }
tec
execute0_lowered:
.L_overlay_start_1:
0x0: {  	(tag) =	ssettag $0x1  }
0x1: {  	s0 =	rddreg [dreg:$0x0]  }
0x2: {  	s2 =	rddreg [dreg:$0x1]  }
0x3: {  	s1 =	rddreg [dreg:$0x2];
	s3 =	simm.s32 $0x0;
	s4 =	srdreg.scid  }
0x4: {  	s6 =	stileid.u32;
	s10 =	simm.s32 $0x20000;
	s14 =	simm.s32 $0x800  }
0x5: {  	s15 =	simm.s32 $0x13800;
	s16 =	simm.s32 $0x17000;
	s19 =	simm.s32 $0x0  }
0x6: {  	[smem:$0x7FF] =	sst s3;
	s4 =	sand.u32 $0x1, s4;
	s6 =	sshll.u32 s6, $0xA  }
0x7: {  	s2 =	sadd.s32 $0x400, s2;
	s5 =	ssub.s32 $0x2, s4;
	s4 =	sshll.u32 s4, $0x9  }
0x8: {  	_ =	strace $0x80000047;
	s7 =	sshrl.u32 s5, $0x1;
	s4 =	sor.u32 s4, s6  }
0x9: {  	[dreg:$0x4] =	wrdreg s2;
	s29 =	ssub.s32 s5, s7;
	s0 =	sadd.s32 s0, s4  }
0xa: {  	s30 =	sshll.u32 s4, $0x3;
	[dreg:$0x5] =	wrdreg s0;
	s31 =	smax.u32 s29, $0x1  }
0xb: {  	s6 =	sadd.s32 s1, s4;
	s7 =	sor.u32 $0x800, s30;
	[dreg:$0x6] =	wrdreg s31  }
.LBB2_1:
0xc: {  	s0 =	rddreg [dreg:$0x5];
	s2 =	simm.s32 $0x1000;
	s4 =	simm.s32 $0xC800  }
0xd: {  	[tilespmem:s4], [sflag:$0x1] =	stream.strided.gather [hbm4b:s0+s2], $0x7000, s10, s2, $0x38;
	[tilespmem:$0x1A800] =	vst v63  }
0xe: {  	s29 =	rddreg [dreg:$0x4];
	s30 =	simm.s32 $0x4  }
0xf: {  	[tilespmem:s3], [sflag:$0x4] =	stream.linear.gather [hbm4b:s29+s3], $0xC800, $0x38;
	[tilespmem:$0x1A800] =	vst v63  }
0x10: {  	_ =	swait.ge [sflag:s30], $0xC800  }
0x11: {  	[sflag:s30] =	ssyncset.done $0x0  }
0x12: {  	s31 =	simm.s32 $0x1;
	[sflag:s30] =	ssyncadd.s32 $0xFFFF3800  }
0x13: {  	_ =	swait.ge [sflag:s31], $0x7000  }
0x14: {  	[sflag:s31] =	ssyncset.done $0x0  }
0x15: {  	s20 =	simm.s32 $0x0;
	[sflag:s31] =	ssyncadd.s32 $0xFFFF9000  }
.LBB2_2:
0x16: {  	p0 =	seq.s32 s20, $0x0;
	s0 =	sshll.u32 s20, $0x9  }
0x17: {  	s4 =	sshll.u32 s20, $0x7;
	s24 =	simm.s32 $0x0;
	s0 =	sand.u32 $0x7000, s0  }
0x18: {  	s2 =	simm.s32 @!p0 $0x2;
	s21 =	sand.u32 $0x380, s4;
	s22 =	sadd.s32 $0xC800, s0  }
0x19: {  	s25 =	sand.u32 $0x400, s24;
	_ =	swait.ge @!p0 [sflag:s2], $0x3800;
	s31 =	sor.u32 s21, s22  }
0x1a: {  	s5 =	sand.u32 $0x70, s24;
	[sflag:s2] =	ssyncset.done @!p0 $0x0;
	s8 =	sadd.s32 s25, s31  }
0x1b: {  	[sflag:s2] =	ssyncadd.s32 @!p0 $0xFFFFC800;
	s26 =	sadd.s32 s5, s8  }
0x1c: {  	v7 =	vld [tilespmem:s26+$0x0];
	_ =	sdelay $0x7  }
0x1d: {  	v0 =	vld.idx.msk [tilespmem:v7+s3+$0x0], $0xffff  }
0x1e: {  	v1 =	vadd.s32 $0x400, v7;
	_ =	sdelay $0x2  }
0x1f: {  	s29 =	sor.u32 s5, s25  }
0x20: {  	[tilespmem:s29+$0x13800] =	vst v0  }
0x21: {  	v0 =	vld.idx.msk [tilespmem:v1+s3+$0x0], $0xffff  }
0x22: {  	v1 =	vadd.s32 $0x800, v7;
	_ =	sdelay $0x3  }
0x23: {  	[tilespmem:s29+$0x13880] =	vst v0  }
0x24: {  	v0 =	vld.idx.msk [tilespmem:v1+s3+$0x0], $0xffff  }
0x25: {  	v1 =	vadd.s32 $0xC00, v7;
	_ =	sdelay $0x3  }
0x26: {  	[tilespmem:s29+$0x13900] =	vst v0  }
0x27: {  	v0 =	vld.idx.msk [tilespmem:v1+s3+$0x0], $0xffff  }
0x28: {  	v1 =	vadd.s32 $0x1000, v7;
	_ =	sdelay $0x3  }
0x29: {  	[tilespmem:s29+$0x13980] =	vst v0  }
0x2a: {  	v0 =	vld.idx.msk [tilespmem:v1+s3+$0x0], $0xffff  }
0x2b: {  	v1 =	vadd.s32 $0x1400, v7;
	_ =	sdelay $0x3  }
0x2c: {  	[tilespmem:s29+$0x13A00] =	vst v0  }
0x2d: {  	v0 =	vld.idx.msk [tilespmem:v1+s3+$0x0], $0xffff  }
0x2e: {  	s2 =	simm.s32 $0x80;
	v1 =	vadd.s32 $0x1800, v7  }
0x2f: {  	s23 =	simm.s32 $0x10;
	s12 =	sand.u32 $0x400, s2  }
0x30: {  	s13 =	sand.u32 $0x70, s23;
	s9 =	sadd.s32 s12, s31  }
0x31: {  	s9 =	sadd.s32 s13, s9  }
0x32: {  	v3 =	vld [tilespmem:s9+$0x0];
	[tilespmem:s29+$0x13A80] =	vst v0  }
0x33: {  	v0 =	vld.idx.msk [tilespmem:v1+s3+$0x0], $0xffff  }
0x34: {  	v1 =	vadd.s32 $0x1C00, v7;
	_ =	sdelay $0x3  }
0x35: {  	[tilespmem:s29+$0x13B00] =	vst v0  }
0x36: {  	v0 =	vld.idx.msk [tilespmem:v1+s3+$0x0], $0xffff  }
0x37: {  	v2 =	vld.idx.msk [tilespmem:v3+s3+$0x0], $0xffff;
	v1 =	vadd.s32 $0x2000, v7  }
0x38: {  	v4 =	vadd.s32 $0x400, v3  }
0x39: {  	s4 =	sor.u32 s24, s24  }
0x3a: {  	s4 =	sor.u32 $0x380, s4  }
0x3b: {  	s26 =	sor.u32 s13, s12;
	[tilespmem:s4+$0x13800] =	vst v0  }
0x3c: {  	[tilespmem:s26+$0x13800] =	vst v2;
	v0 =	vld.idx.msk [tilespmem:v1+s3+$0x0], $0xffff  }
0x3d: {  	v2 =	vld.idx.msk [tilespmem:v4+s3+$0x0], $0xffff;
	v1 =	vadd.s32 $0x2400, v7  }
0x3e: {  	v4 =	vadd.s32 $0x800, v3;
	_ =	sdelay $0x2  }
0x3f: {  	[tilespmem:s29+$0x14000] =	vst v0  }
0x40: {  	[tilespmem:s26+$0x13880] =	vst v2;
	v0 =	vld.idx.msk [tilespmem:v1+s3+$0x0], $0xffff  }
0x41: {  	v2 =	vld.idx.msk [tilespmem:v4+s3+$0x0], $0xffff;
	v1 =	vadd.s32 $0x2800, v7  }
0x42: {  	v4 =	vadd.s32 $0xC00, v3;
	_ =	sdelay $0x2  }
0x43: {  	[tilespmem:s29+$0x14080] =	vst v0  }
0x44: {  	[tilespmem:s26+$0x13900] =	vst v2;
	v0 =	vld.idx.msk [tilespmem:v1+s3+$0x0], $0xffff  }
0x45: {  	v2 =	vld.idx.msk [tilespmem:v4+s3+$0x0], $0xffff;
	v1 =	vadd.s32 $0x2C00, v7  }
0x46: {  	v4 =	vadd.s32 $0x1000, v3;
	_ =	sdelay $0x2  }
0x47: {  	[tilespmem:s29+$0x14100] =	vst v0  }
0x48: {  	[tilespmem:s26+$0x13980] =	vst v2;
	v0 =	vld.idx.msk [tilespmem:v1+s3+$0x0], $0xffff  }
0x49: {  	v2 =	vld.idx.msk [tilespmem:v4+s3+$0x0], $0xffff;
	v1 =	vadd.s32 $0x3000, v7  }
0x4a: {  	v4 =	vadd.s32 $0x1400, v3;
	_ =	sdelay $0x2  }
0x4b: {  	[tilespmem:s29+$0x14180] =	vst v0  }
0x4c: {  	[tilespmem:s26+$0x13A00] =	vst v2;
	v0 =	vld.idx.msk [tilespmem:v1+s3+$0x0], $0xffff  }
0x4d: {  	v2 =	vld.idx.msk [tilespmem:v4+s3+$0x0], $0xffff;
	v1 =	vadd.s32 $0x3400, v7  }
0x4e: {  	v4 =	vadd.s32 $0x1800, v3;
	_ =	sdelay $0x1  }
0x4f: {  	s17 =	simm.s32 $0x100  }
0x50: {  	s18 =	simm.s32 $0x20;
	s24 =	sand.u32 $0x400, s17;
	[tilespmem:s29+$0x14200] =	vst v0  }
0x51: {  	s25 =	sand.u32 $0x70, s18;
	s11 =	sadd.s32 s24, s31;
	[tilespmem:s26+$0x13A80] =	vst v2;
	v0 =	vld.idx.msk [tilespmem:v1+s3+$0x0], $0xffff  }
0x52: {  	s11 =	sadd.s32 s25, s11;
	v2 =	vadd.s32 $0x3800, v7;
	v4 =	vld.idx.msk [tilespmem:v4+s3+$0x0], $0xffff  }
0x53: {  	v1 =	vld [tilespmem:s11+$0x0]  }
0x54: {  	v5 =	vadd.s32 $0x1C00, v3;
	_ =	sdelay $0x1  }
0x55: {  	[tilespmem:s29+$0x14280] =	vst v0  }
0x56: {  	v0 =	vld.idx.msk [tilespmem:v2+s3+$0x0], $0xffff  }
0x57: {  	[tilespmem:s26+$0x13B00] =	vst v4;
	v2 =	vadd.s32 $0x3C00, v7  }
0x58: {  	v4 =	vld.idx.msk [tilespmem:v5+s3+$0x0], $0xffff  }
0x59: {  	v5 =	vadd.s32 $0x2000, v3  }
0x5a: {  	v6 =	vld.idx.msk [tilespmem:v1+s3+$0x0], $0xffff  }
0x5b: {  	s0 =	sor.u32 s2, s23;
	v8 =	vadd.s32 $0x400, v1;
	[tilespmem:s29+$0x14300] =	vst v0  }
0x5c: {  	s0 =	sor.u32 $0x380, s0;
	v0 =	vld.idx.msk [tilespmem:v2+s3+$0x0], $0xffff  }
0x5d: {  	[tilespmem:s0+$0x13800] =	vst v4;
	v2 =	vadd.s32 $0x4000, v7  }
0x5e: {  	s23 =	sor.u32 s25, s24;
	v4 =	vld.idx.msk [tilespmem:v5+s3+$0x0], $0xffff  }
0x5f: {  	v5 =	vadd.s32 $0x2400, v3;
	[tilespmem:s23+$0x13800] =	vst v6  }
0x60: {  	v6 =	vld.idx.msk [tilespmem:v8+s3+$0x0], $0xffff  }
0x61: {  	v8 =	vadd.s32 $0x800, v1;
	[tilespmem:s29+$0x14380] =	vst v0  }
0x62: {  	v0 =	vld.idx.msk [tilespmem:v2+s3+$0x0], $0xffff  }
0x63: {  	[tilespmem:s26+$0x14000] =	vst v4;
	v2 =	vadd.s32 $0x4400, v7  }
0x64: {  	v4 =	vld.idx.msk [tilespmem:v5+s3+$0x0], $0xffff  }
0x65: {  	v5 =	vadd.s32 $0x2800, v3;
	[tilespmem:s23+$0x13880] =	vst v6  }
0x66: {  	v6 =	vld.idx.msk [tilespmem:v8+s3+$0x0], $0xffff  }
0x67: {  	v8 =	vadd.s32 $0xC00, v1;
	[tilespmem:s29+$0x14800] =	vst v0  }
0x68: {  	v0 =	vld.idx.msk [tilespmem:v2+s3+$0x0], $0xffff  }
0x69: {  	[tilespmem:s26+$0x14080] =	vst v4;
	v2 =	vadd.s32 $0x4800, v7  }
0x6a: {  	v4 =	vld.idx.msk [tilespmem:v5+s3+$0x0], $0xffff  }
0x6b: {  	v5 =	vadd.s32 $0x2C00, v3;
	[tilespmem:s23+$0x13900] =	vst v6  }
0x6c: {  	v6 =	vld.idx.msk [tilespmem:v8+s3+$0x0], $0xffff  }
0x6d: {  	v8 =	vadd.s32 $0x1000, v1;
	[tilespmem:s29+$0x14880] =	vst v0  }
0x6e: {  	v0 =	vld.idx.msk [tilespmem:v2+s3+$0x0], $0xffff  }
0x6f: {  	[tilespmem:s26+$0x14100] =	vst v4;
	v2 =	vadd.s32 $0x4C00, v7  }
0x70: {  	v4 =	vld.idx.msk [tilespmem:v5+s3+$0x0], $0xffff  }
0x71: {  	v5 =	vadd.s32 $0x3000, v3;
	[tilespmem:s23+$0x13980] =	vst v6  }
0x72: {  	v6 =	vld.idx.msk [tilespmem:v8+s3+$0x0], $0xffff  }
0x73: {  	v8 =	vadd.s32 $0x1400, v1;
	[tilespmem:s29+$0x14900] =	vst v0  }
0x74: {  	v0 =	vld.idx.msk [tilespmem:v2+s3+$0x0], $0xffff  }
0x75: {  	[tilespmem:s26+$0x14180] =	vst v4;
	v2 =	vadd.s32 $0x5000, v7  }
0x76: {  	v4 =	vld.idx.msk [tilespmem:v5+s3+$0x0], $0xffff  }
0x77: {  	v5 =	vadd.s32 $0x3400, v3;
	[tilespmem:s23+$0x13A00] =	vst v6  }
0x78: {  	v6 =	vld.idx.msk [tilespmem:v8+s3+$0x0], $0xffff  }
0x79: {  	s0 =	simm.s32 $0x180;
	v8 =	vadd.s32 $0x1800, v1;
	[tilespmem:s29+$0x14980] =	vst v0  }
0x7a: {  	s2 =	simm.s32 $0x30;
	s9 =	sand.u32 $0x400, s0;
	v0 =	vld.idx.msk [tilespmem:v2+s3+$0x0], $0xffff  }
0x7b: {  	s12 =	sand.u32 $0x70, s2;
	s13 =	sadd.s32 s9, s31;
	[tilespmem:s26+$0x14200] =	vst v4;
	v4 =	vadd.s32 $0x5400, v7  }
0x7c: {  	s11 =	sadd.s32 s12, s13;
	v5 =	vld.idx.msk [tilespmem:v5+s3+$0x0], $0xffff  }
0x7d: {  	v2 =	vld [tilespmem:s11+$0x0];
	[tilespmem:s23+$0x13A80] =	vst v6;
	v6 =	vadd.s32 $0x3800, v3  }
0x7e: {  	v8 =	vld.idx.msk [tilespmem:v8+s3+$0x0], $0xffff  }
0x7f: {  	v9 =	vadd.s32 $0x1C00, v1;
	[tilespmem:s29+$0x14A00] =	vst v0  }
0x80: {  	v0 =	vld.idx.msk [tilespmem:v4+s3+$0x0], $0xffff  }
0x81: {  	[tilespmem:s26+$0x14280] =	vst v5;
	v4 =	vadd.s32 $0x5800, v7  }
0x82: {  	v5 =	vld.idx.msk [tilespmem:v6+s3+$0x0], $0xffff  }
0x83: {  	v6 =	vadd.s32 $0x3C00, v3;
	[tilespmem:s23+$0x13B00] =	vst v8  }
0x84: {  	v8 =	vld.idx.msk [tilespmem:v9+s3+$0x0], $0xffff  }
0x85: {  	v10 =	vadd.s32 $0x2000, v1;
	v9 =	vld.idx.msk [tilespmem:v2+s3+$0x0], $0xffff;
	[tilespmem:s29+$0x14A80] =	vst v0  }
0x86: {  	v0 =	vld.idx.msk [tilespmem:v4+s3+$0x0], $0xffff;
	v4 =	vadd.s32 $0x400, v2  }
0x87: {  	s4 =	sor.u32 s17, s18;
	[tilespmem:s26+$0x14300] =	vst v5;
	v5 =	vadd.s32 $0x5C00, v7  }
0x88: {  	s4 =	sor.u32 $0x380, s4;
	v6 =	vld.idx.msk [tilespmem:v6+s3+$0x0], $0xffff  }
0x89: {  	s25 =	sor.u32 s12, s9;
	[tilespmem:s4+$0x13800] =	vst v8;
	v8 =	vadd.s32 $0x4000, v3  }
0x8a: {  	[tilespmem:s25+$0x13800] =	vst v9;
	v10 =	vld.idx.msk [tilespmem:v10+s3+$0x0], $0xffff  }
0x8b: {  	v9 =	vadd.s32 $0x2400, v1;
	v4 =	vld.idx.msk [tilespmem:v4+s3+$0x0], $0xffff;
	[tilespmem:s29+$0x14B00] =	vst v0  }
0x8c: {  	v0 =	vld.idx.msk [tilespmem:v5+s3+$0x0], $0xffff;
	v5 =	vadd.s32 $0x800, v2  }
0x8d: {  	[tilespmem:s26+$0x14380] =	vst v6;
	v6 =	vadd.s32 $0x6000, v7  }
0x8e: {  	v8 =	vld.idx.msk [tilespmem:v8+s3+$0x0], $0xffff  }
0x8f: {  	[tilespmem:s23+$0x14000] =	vst v10;
	v10 =	vadd.s32 $0x4400, v3  }
0x90: {  	v9 =	vld.idx.msk [tilespmem:v9+s3+$0x0], $0xffff;
	[tilespmem:s25+$0x13880] =	vst v4  }
0x91: {  	v4 =	vld.idx.msk [tilespmem:v5+s3+$0x0], $0xffff;
	v5 =	vadd.s32 $0x2800, v1;
	[tilespmem:s29+$0x14B80] =	vst v0  }
0x92: {  	v0 =	vld.idx.msk [tilespmem:v6+s3+$0x0], $0xffff;
	v6 =	vadd.s32 $0xC00, v2  }
0x93: {  	[tilespmem:s26+$0x14800] =	vst v8;
	v8 =	vadd.s32 $0x6400, v7  }
0x94: {  	v10 =	vld.idx.msk [tilespmem:v10+s3+$0x0], $0xffff  }
0x95: {  	[tilespmem:s23+$0x14080] =	vst v9;
	v9 =	vadd.s32 $0x4800, v3  }
0x96: {  	v5 =	vld.idx.msk [tilespmem:v5+s3+$0x0], $0xffff;
	[tilespmem:s25+$0x13900] =	vst v4  }
0x97: {  	v4 =	vld.idx.msk [tilespmem:v6+s3+$0x0], $0xffff;
	v6 =	vadd.s32 $0x2C00, v1;
	[tilespmem:s29+$0x15000] =	vst v0  }
0x98: {  	v0 =	vld.idx.msk [tilespmem:v8+s3+$0x0], $0xffff;
	v8 =	vadd.s32 $0x1000, v2  }
0x99: {  	[tilespmem:s26+$0x14880] =	vst v10;
	v10 =	vadd.s32 $0x6800, v7  }
0x9a: {  	v9 =	vld.idx.msk [tilespmem:v9+s3+$0x0], $0xffff  }
0x9b: {  	[tilespmem:s23+$0x14100] =	vst v5;
	v5 =	vadd.s32 $0x4C00, v3  }
0x9c: {  	v6 =	vld.idx.msk [tilespmem:v6+s3+$0x0], $0xffff;
	[tilespmem:s25+$0x13980] =	vst v4  }
0x9d: {  	v4 =	vld.idx.msk [tilespmem:v8+s3+$0x0], $0xffff;
	v8 =	vadd.s32 $0x3000, v1;
	[tilespmem:s29+$0x15080] =	vst v0  }
0x9e: {  	v0 =	vld.idx.msk [tilespmem:v10+s3+$0x0], $0xffff;
	v10 =	vadd.s32 $0x1400, v2  }
0x9f: {  	[tilespmem:s26+$0x14900] =	vst v9;
	v9 =	vadd.s32 $0x6C00, v7  }
0xa0: {  	v5 =	vld.idx.msk [tilespmem:v5+s3+$0x0], $0xffff  }
0xa1: {  	s4 =	simm.s32 $0x200;
	[tilespmem:s23+$0x14180] =	vst v6;
	v6 =	vadd.s32 $0x5000, v3  }
0xa2: {  	s5 =	simm.s32 $0x40;
	s17 =	sand.u32 $0x400, s4;
	v8 =	vld.idx.msk [tilespmem:v8+s3+$0x0], $0xffff;
	[tilespmem:s25+$0x13A00] =	vst v4  }
0xa3: {  	s18 =	sand.u32 $0x70, s5;
	s24 =	sadd.s32 s17, s31;
	v4 =	vld.idx.msk [tilespmem:v10+s3+$0x0], $0xffff;
	v10 =	vadd.s32 $0x3400, v1;
	[tilespmem:s29+$0x15100] =	vst v0  }
0xa4: {  	v11 =	vadd.s32 $0x1800, v2;
	s11 =	sadd.s32 s18, s24;
	v9 =	vld.idx.msk [tilespmem:v9+s3+$0x0], $0xffff  }
0xa5: {  	v0 =	vld [tilespmem:s11+$0x0];
	[tilespmem:s26+$0x14980] =	vst v5;
	v5 =	vadd.s32 $0x7000, v7  }
0xa6: {  	v6 =	vld.idx.msk [tilespmem:v6+s3+$0x0], $0xffff  }
0xa7: {  	[tilespmem:s23+$0x14200] =	vst v8;
	v8 =	vadd.s32 $0x5400, v3  }
0xa8: {  	v10 =	vld.idx.msk [tilespmem:v10+s3+$0x0], $0xffff;
	[tilespmem:s25+$0x13A80] =	vst v4  }
0xa9: {  	v4 =	vld.idx.msk [tilespmem:v11+s3+$0x0], $0xffff;
	v11 =	vadd.s32 $0x3800, v1;
	[tilespmem:s29+$0x15180] =	vst v9  }
0xaa: {  	v9 =	vadd.s32 $0x1C00, v2;
	v5 =	vld.idx.msk [tilespmem:v5+s3+$0x0], $0xffff  }
0xab: {  	[tilespmem:s26+$0x14A00] =	vst v6;
	v6 =	vadd.s32 $0x7400, v7  }
0xac: {  	v8 =	vld.idx.msk [tilespmem:v8+s3+$0x0], $0xffff  }
0xad: {  	v12 =	vld.idx.msk [tilespmem:v0+s3+$0x0], $0xffff;
	[tilespmem:s23+$0x14280] =	vst v10;
	v10 =	vadd.s32 $0x5800, v3  }
0xae: {  	v13 =	vadd.s32 $0x400, v0;
	v11 =	vld.idx.msk [tilespmem:v11+s3+$0x0], $0xffff;
	[tilespmem:s25+$0x13B00] =	vst v4  }
0xaf: {  	v4 =	vld.idx.msk [tilespmem:v9+s3+$0x0], $0xffff;
	v9 =	vadd.s32 $0x3C00, v1;
	[tilespmem:s29+$0x15200] =	vst v5  }
0xb0: {  	v5 =	vld.idx.msk [tilespmem:v6+s3+$0x0], $0xffff;
	v6 =	vadd.s32 $0x2000, v2  }
0xb1: {  	s24 =	sor.u32 s18, s17;
	[tilespmem:s26+$0x14A80] =	vst v8;
	v8 =	vadd.s32 $0x7800, v7  }
0xb2: {  	s0 =	sor.u32 s0, s2;
	[tilespmem:s24+$0x13800] =	vst v12;
	v10 =	vld.idx.msk [tilespmem:v10+s3+$0x0], $0xffff  }
0xb3: {  	s0 =	sor.u32 $0x380, s0;
	v12 =	vld.idx.msk [tilespmem:v13+s3+$0x0], $0xffff;
	[tilespmem:s23+$0x14300] =	vst v11;
	v11 =	vadd.s32 $0x5C00, v3  }
0xb4: {  	v13 =	vadd.s32 $0x800, v0;
	v9 =	vld.idx.msk [tilespmem:v9+s3+$0x0], $0xffff;
	[tilespmem:s0+$0x13800] =	vst v4  }
0xb5: {  	v4 =	vld.idx.msk [tilespmem:v6+s3+$0x0], $0xffff;
	v6 =	vadd.s32 $0x4000, v1;
	[tilespmem:s29+$0x15280] =	vst v5  }
0xb6: {  	v5 =	vld.idx.msk [tilespmem:v8+s3+$0x0], $0xffff;
	v8 =	vadd.s32 $0x2400, v2  }
0xb7: {  	[tilespmem:s26+$0x14B00] =	vst v10;
	v10 =	vadd.s32 $0x7C00, v7  }
0xb8: {  	[tilespmem:s24+$0x13880] =	vst v12;
	v11 =	vld.idx.msk [tilespmem:v11+s3+$0x0], $0xffff  }
0xb9: {  	v12 =	vld.idx.msk [tilespmem:v13+s3+$0x0], $0xffff;
	[tilespmem:s23+$0x14380] =	vst v9;
	v9 =	vadd.s32 $0x6000, v3  }
0xba: {  	v13 =	vadd.s32 $0xC00, v0;
	v6 =	vld.idx.msk [tilespmem:v6+s3+$0x0], $0xffff;
	[tilespmem:s25+$0x14000] =	vst v4  }
0xbb: {  	v4 =	vld.idx.msk [tilespmem:v8+s3+$0x0], $0xffff;
	v8 =	vadd.s32 $0x4400, v1;
	[tilespmem:s29+$0x15300] =	vst v5  }
0xbc: {  	v5 =	vld.idx.msk [tilespmem:v10+s3+$0x0], $0xffff;
	v10 =	vadd.s32 $0x2800, v2  }
0xbd: {  	[tilespmem:s26+$0x14B80] =	vst v11;
	v11 =	vadd.s32 $0x8000, v7  }
0xbe: {  	[tilespmem:s24+$0x13900] =	vst v12;
	v9 =	vld.idx.msk [tilespmem:v9+s3+$0x0], $0xffff  }
0xbf: {  	v12 =	vld.idx.msk [tilespmem:v13+s3+$0x0], $0xffff;
	[tilespmem:s23+$0x14800] =	vst v6;
	v6 =	vadd.s32 $0x6400, v3  }
0xc0: {  	v13 =	vadd.s32 $0x1000, v0;
	v8 =	vld.idx.msk [tilespmem:v8+s3+$0x0], $0xffff;
	[tilespmem:s25+$0x14080] =	vst v4  }
0xc1: {  	v4 =	vld.idx.msk [tilespmem:v10+s3+$0x0], $0xffff;
	v10 =	vadd.s32 $0x4800, v1;
	[tilespmem:s29+$0x15380] =	vst v5  }
0xc2: {  	v5 =	vld.idx.msk [tilespmem:v11+s3+$0x0], $0xffff;
	v11 =	vadd.s32 $0x2C00, v2  }
0xc3: {  	[tilespmem:s26+$0x15000] =	vst v9;
	v9 =	vadd.s32 $0x8400, v7  }
0xc4: {  	[tilespmem:s24+$0x13980] =	vst v12;
	v6 =	vld.idx.msk [tilespmem:v6+s3+$0x0], $0xffff  }
0xc5: {  	v12 =	vld.idx.msk [tilespmem:v13+s3+$0x0], $0xffff;
	[tilespmem:s23+$0x14880] =	vst v8;
	v8 =	vadd.s32 $0x6800, v3  }
0xc6: {  	v13 =	vadd.s32 $0x1400, v0;
	v10 =	vld.idx.msk [tilespmem:v10+s3+$0x0], $0xffff;
	[tilespmem:s25+$0x14100] =	vst v4  }
0xc7: {  	v4 =	vld.idx.msk [tilespmem:v11+s3+$0x0], $0xffff;
	v11 =	vadd.s32 $0x4C00, v1;
	[tilespmem:s29+$0x15800] =	vst v5  }
0xc8: {  	v5 =	vld.idx.msk [tilespmem:v9+s3+$0x0], $0xffff;
	v9 =	vadd.s32 $0x3000, v2  }
0xc9: {  	[tilespmem:s26+$0x15080] =	vst v6;
	v6 =	vadd.s32 $0x8800, v7  }
0xca: {  	[tilespmem:s24+$0x13A00] =	vst v12;
	v8 =	vld.idx.msk [tilespmem:v8+s3+$0x0], $0xffff  }
0xcb: {  	s8 =	simm.s32 $0x280;
	v12 =	vld.idx.msk [tilespmem:v13+s3+$0x0], $0xffff;
	[tilespmem:s23+$0x14900] =	vst v10;
	v10 =	vadd.s32 $0x6C00, v3  }
0xcc: {  	s12 =	simm.s32 $0x50;
	s11 =	sand.u32 $0x400, s8;
	v11 =	vld.idx.msk [tilespmem:v11+s3+$0x0], $0xffff;
	[tilespmem:s25+$0x14180] =	vst v4  }
0xcd: {  	v14 =	vadd.s32 $0x5000, v1;
	s18 =	sand.u32 $0x70, s12;
	s17 =	sadd.s32 s11, s31;
	v9 =	vld.idx.msk [tilespmem:v9+s3+$0x0], $0xffff;
	[tilespmem:s29+$0x15880] =	vst v5  }
0xce: {  	s0 =	sadd.s32 s18, s17;
	v5 =	vld.idx.msk [tilespmem:v6+s3+$0x0], $0xffff;
	v6 =	vadd.s32 $0x3400, v2  }
0xcf: {  	v4 =	vld [tilespmem:s0+$0x0];
	[tilespmem:s26+$0x15100] =	vst v8;
	v8 =	vadd.s32 $0x8C00, v7  }
0xd0: {  	v13 =	vadd.s32 $0x1800, v0;
	v10 =	vld.idx.msk [tilespmem:v10+s3+$0x0], $0xffff  }
0xd1: {  	[tilespmem:s23+$0x14980] =	vst v11;
	v11 =	vadd.s32 $0x7000, v3  }
0xd2: {  	v14 =	vld.idx.msk [tilespmem:v14+s3+$0x0], $0xffff;
	[tilespmem:s25+$0x14200] =	vst v9  }
0xd3: {  	v9 =	vadd.s32 $0x5400, v1;
	v6 =	vld.idx.msk [tilespmem:v6+s3+$0x0], $0xffff;
	[tilespmem:s29+$0x15900] =	vst v5  }
0xd4: {  	[tilespmem:s24+$0x13A80] =	vst v12;
	v12 =	vadd.s32 $0x3800, v2;
	v8 =	vld.idx.msk [tilespmem:v8+s3+$0x0], $0xffff  }
0xd5: {  	v13 =	vld.idx.msk [tilespmem:v13+s3+$0x0], $0xffff;
	[tilespmem:s26+$0x15180] =	vst v10;
	v10 =	vadd.s32 $0x9000, v7  }
0xd6: {  	v15 =	vadd.s32 $0x1C00, v0;
	v11 =	vld.idx.msk [tilespmem:v11+s3+$0x0], $0xffff  }
0xd7: {  	v16 =	vld.idx.msk [tilespmem:v4+s3+$0x0], $0xffff;
	[tilespmem:s23+$0x14A00] =	vst v14;
	v14 =	vadd.s32 $0x7400, v3  }
0xd8: {  	v17 =	vadd.s32 $0x400, v4;
	v9 =	vld.idx.msk [tilespmem:v9+s3+$0x0], $0xffff;
	[tilespmem:s25+$0x14280] =	vst v6  }
0xd9: {  	v6 =	vld.idx.msk [tilespmem:v12+s3+$0x0], $0xffff;
	v12 =	vadd.s32 $0x5800, v1;
	[tilespmem:s29+$0x15980] =	vst v8  }
0xda: {  	[tilespmem:s24+$0x13B00] =	vst v13;
	v8 =	vld.idx.msk [tilespmem:v10+s3+$0x0], $0xffff;
	v10 =	vadd.s32 $0x3C00, v2  }
0xdb: {  	s28 =	sor.u32 s18, s11;
	v13 =	vld.idx.msk [tilespmem:v15+s3+$0x0], $0xffff;
	[tilespmem:s26+$0x15200] =	vst v11;
	v11 =	vadd.s32 $0x9400, v7  }
0xdc: {  	v15 =	vadd.s32 $0x2000, v0;
	[tilespmem:s28+$0x13800] =	vst v16;
	v14 =	vld.idx.msk [tilespmem:v14+s3+$0x0], $0xffff  }
0xdd: {  	v16 =	vld.idx.msk [tilespmem:v17+s3+$0x0], $0xffff;
	[tilespmem:s23+$0x14A80] =	vst v9;
	v9 =	vadd.s32 $0x7800, v3  }
0xde: {  	s4 =	sor.u32 s4, s5;
	v17 =	vadd.s32 $0x800, v4;
	v12 =	vld.idx.msk [tilespmem:v12+s3+$0x0], $0xffff;
	[tilespmem:s25+$0x14300] =	vst v6  }
0xdf: {  	s4 =	sor.u32 $0x380, s4;
	v6 =	vld.idx.msk [tilespmem:v10+s3+$0x0], $0xffff;
	v10 =	vadd.s32 $0x5C00, v1;
	[tilespmem:s29+$0x15A00] =	vst v8  }
0xe0: {  	[tilespmem:s4+$0x13800] =	vst v13;
	v8 =	vld.idx.msk [tilespmem:v11+s3+$0x0], $0xffff;
	v11 =	vadd.s32 $0x4000, v2  }
0xe1: {  	v13 =	vld.idx.msk [tilespmem:v15+s3+$0x0], $0xffff;
	[tilespmem:s26+$0x15280] =	vst v14;
	v14 =	vadd.s32 $0x9800, v7  }
0xe2: {  	v15 =	vadd.s32 $0x2400, v0;
	[tilespmem:s28+$0x13880] =	vst v16;
	v9 =	vld.idx.msk [tilespmem:v9+s3+$0x0], $0xffff  }
0xe3: {  	v16 =	vld.idx.msk [tilespmem:v17+s3+$0x0], $0xffff;
	[tilespmem:s23+$0x14B00] =	vst v12;
	v12 =	vadd.s32 $0x7C00, v3  }
0xe4: {  	v17 =	vadd.s32 $0xC00, v4;
	v10 =	vld.idx.msk [tilespmem:v10+s3+$0x0], $0xffff;
	[tilespmem:s25+$0x14380] =	vst v6  }
0xe5: {  	v6 =	vld.idx.msk [tilespmem:v11+s3+$0x0], $0xffff;
	v11 =	vadd.s32 $0x6000, v1;
	[tilespmem:s29+$0x15A80] =	vst v8  }
0xe6: {  	[tilespmem:s24+$0x14000] =	vst v13;
	v13 =	vadd.s32 $0x4400, v2;
	v8 =	vld.idx.msk [tilespmem:v14+s3+$0x0], $0xffff  }
0xe7: {  	v14 =	vld.idx.msk [tilespmem:v15+s3+$0x0], $0xffff;
	[tilespmem:s26+$0x15300] =	vst v9;
	v9 =	vadd.s32 $0x9C00, v7  }
0xe8: {  	[tilespmem:s28+$0x13900] =	vst v16;
	v15 =	vadd.s32 $0x2800, v0;
	v12 =	vld.idx.msk [tilespmem:v12+s3+$0x0], $0xffff  }
0xe9: {  	v16 =	vld.idx.msk [tilespmem:v17+s3+$0x0], $0xffff;
	[tilespmem:s23+$0x14B80] =	vst v10;
	v10 =	vadd.s32 $0x8000, v3  }
0xea: {  	v17 =	vadd.s32 $0x1000, v4;
	v11 =	vld.idx.msk [tilespmem:v11+s3+$0x0], $0xffff;
	[tilespmem:s25+$0x14800] =	vst v6  }
0xeb: {  	v6 =	vld.idx.msk [tilespmem:v13+s3+$0x0], $0xffff;
	v13 =	vadd.s32 $0x6400, v1;
	[tilespmem:s29+$0x15B00] =	vst v8  }
0xec: {  	[tilespmem:s24+$0x14080] =	vst v14;
	v8 =	vld.idx.msk [tilespmem:v9+s3+$0x0], $0xffff;
	v9 =	vadd.s32 $0x4800, v2  }
0xed: {  	v14 =	vld.idx.msk [tilespmem:v15+s3+$0x0], $0xffff;
	[tilespmem:s26+$0x15380] =	vst v12;
	v12 =	vadd.s32 $0xA000, v7  }
0xee: {  	[tilespmem:s28+$0x13980] =	vst v16;
	v15 =	vadd.s32 $0x2C00, v0;
	v10 =	vld.idx.msk [tilespmem:v10+s3+$0x0], $0xffff  }
0xef: {  	v16 =	vld.idx.msk [tilespmem:v17+s3+$0x0], $0xffff;
	[tilespmem:s23+$0x15000] =	vst v11;
	v11 =	vadd.s32 $0x8400, v3  }
0xf0: {  	v17 =	vadd.s32 $0x1400, v4;
	v13 =	vld.idx.msk [tilespmem:v13+s3+$0x0], $0xffff;
	[tilespmem:s25+$0x14880] =	vst v6  }
0xf1: {  	v6 =	vld.idx.msk [tilespmem:v9+s3+$0x0], $0xffff;
	v9 =	vadd.s32 $0x6800, v1;
	[tilespmem:s29+$0x15B80] =	vst v8  }
0xf2: {  	[tilespmem:s24+$0x14100] =	vst v14;
	v8 =	vld.idx.msk [tilespmem:v12+s3+$0x0], $0xffff;
	v12 =	vadd.s32 $0x4C00, v2  }
0xf3: {  	v14 =	vld.idx.msk [tilespmem:v15+s3+$0x0], $0xffff;
	[tilespmem:s26+$0x15800] =	vst v10;
	v10 =	vadd.s32 $0xA400, v7  }
0xf4: {  	[tilespmem:s28+$0x13A00] =	vst v16;
	v15 =	vadd.s32 $0x3000, v0;
	v11 =	vld.idx.msk [tilespmem:v11+s3+$0x0], $0xffff  }
0xf5: {  	v16 =	vld.idx.msk [tilespmem:v17+s3+$0x0], $0xffff;
	[tilespmem:s23+$0x15080] =	vst v13;
	v13 =	vadd.s32 $0x8800, v3  }
0xf6: {  	v9 =	vld.idx.msk [tilespmem:v9+s3+$0x0], $0xffff;
	[tilespmem:s25+$0x14900] =	vst v6  }
0xf7: {  	s0 =	simm.s32 $0x300;
	v6 =	vld.idx.msk [tilespmem:v12+s3+$0x0], $0xffff;
	v12 =	vadd.s32 $0x6C00, v1;
	[tilespmem:s29+$0x16000] =	vst v8  }
0xf8: {  	s2 =	simm.s32 $0x60;
	s30 =	sand.u32 $0x400, s0;
	[tilespmem:s24+$0x14180] =	vst v14;
	v8 =	vld.idx.msk [tilespmem:v10+s3+$0x0], $0xffff;
	v10 =	vadd.s32 $0x5000, v2  }
0xf9: {  	s13 =	sand.u32 $0x70, s2;
	s17 =	sadd.s32 s30, s31;
	v14 =	vld.idx.msk [tilespmem:v15+s3+$0x0], $0xffff;
	[tilespmem:s26+$0x15880] =	vst v11;
	v11 =	vadd.s32 $0xA800, v7  }
0xfa: {  	s17 =	sadd.s32 s13, s17;
	[tilespmem:s28+$0x13A80] =	vst v16;
	v15 =	vadd.s32 $0x3400, v0;
	v13 =	vld.idx.msk [tilespmem:v13+s3+$0x0], $0xffff  }
0xfb: {  	v5 =	vld [tilespmem:s17+$0x0];
	v17 =	vadd.s32 $0x1800, v4;
	[tilespmem:s23+$0x15100] =	vst v9  }
0xfc: {  	v9 =	vadd.s32 $0x8C00, v3;
	v12 =	vld.idx.msk [tilespmem:v12+s3+$0x0], $0xffff;
	[tilespmem:s25+$0x14980] =	vst v6  }
0xfd: {  	v6 =	vadd.s32 $0x7000, v1;
	v10 =	vld.idx.msk [tilespmem:v10+s3+$0x0], $0xffff;
	[tilespmem:s29+$0x16080] =	vst v8  }
0xfe: {  	[tilespmem:s24+$0x14200] =	vst v14;
	v14 =	vadd.s32 $0x5400, v2;
	v8 =	vld.idx.msk [tilespmem:v11+s3+$0x0], $0xffff  }
0xff: {  	v11 =	vld.idx.msk [tilespmem:v15+s3+$0x0], $0xffff;
	[tilespmem:s26+$0x15900] =	vst v13;
	v13 =	vadd.s32 $0xAC00, v7  }
0x100: {  	v16 =	vadd.s32 $0x3800, v0;
	v15 =	vld.idx.msk [tilespmem:v17+s3+$0x0], $0xffff  }
0x101: {  	v18 =	vadd.s32 $0x1C00, v4;
	v9 =	vld.idx.msk [tilespmem:v9+s3+$0x0], $0xffff;
	[tilespmem:s23+$0x15180] =	vst v12  }
0x102: {  	v12 =	vld.idx.msk [tilespmem:v6+s3+$0x0], $0xffff;
	[tilespmem:s25+$0x14A00] =	vst v10  }
0x103: {  	v17 =	vadd.s32 $0x9000, v3;
	v10 =	vld.idx.msk [tilespmem:v14+s3+$0x0], $0xffff;
	[tilespmem:s29+$0x16100] =	vst v8  }
0x104: {  	v14 =	vadd.s32 $0x7400, v1;
	[tilespmem:s24+$0x14280] =	vst v11;
	v8 =	vld.idx.msk [tilespmem:v13+s3+$0x0], $0xffff  }
0x105: {  	[tilespmem:s28+$0x13B00] =	vst v15;
	v11 =	vld.idx.msk [tilespmem:v16+s3+$0x0], $0xffff;
	v13 =	vadd.s32 $0x5800, v2  }
0x106: {  	v15 =	vadd.s32 $0xB000, v7;
	v16 =	vld.idx.msk [tilespmem:v18+s3+$0x0], $0xffff;
	[tilespmem:s26+$0x15980] =	vst v9  }
0x107: {  	v19 =	vadd.s32 $0x2000, v4;
	v18 =	vld.idx.msk [tilespmem:v5+s3+$0x0], $0xffff;
	[tilespmem:s23+$0x15200] =	vst v12  }
0x108: {  	v9 =	vld.idx.msk [tilespmem:v17+s3+$0x0], $0xffff;
	v17 =	vadd.s32 $0x3C00, v0;
	[tilespmem:s25+$0x14A80] =	vst v10  }
0x109: {  	s8 =	sor.u32 s8, s12;
	v12 =	vld.idx.msk [tilespmem:v14+s3+$0x0], $0xffff;
	[tilespmem:s29+$0x16180] =	vst v8  }
0x10a: {  	s9 =	simm.s32 $0x380;
	s8 =	sor.u32 $0x380, s8;
	v14 =	vadd.s32 $0x9400, v3;
	v10 =	vld.idx.msk [tilespmem:v13+s3+$0x0], $0xffff;
	[tilespmem:s24+$0x14300] =	vst v11  }
0x10b: {  	s11 =	simm.s32 $0x70;
	s4 =	sand.u32 $0x400, s9;
	v13 =	vadd.s32 $0x7800, v1;
	[tilespmem:s8+$0x13800] =	vst v16;
	v11 =	vld.idx.msk [tilespmem:v15+s3+$0x0], $0xffff  }
0x10c: {  	s5 =	sand.u32 $0x70, s11;
	s30 =	sor.u32 s13, s30;
	s18 =	sadd.s32 s4, s31;
	v8 =	vadd.s32 $0x400, v5;
	v16 =	vld.idx.msk [tilespmem:v19+s3+$0x0], $0xffff  }
0x10d: {  	s17 =	sadd.s32 s5, s18;
	[tilespmem:s30+$0x13800] =	vst v18;
	v15 =	vld.idx.msk [tilespmem:v17+s3+$0x0], $0xffff;
	v17 =	vadd.s32 $0x5C00, v2  }
0x10e: {  	v6 =	vld [tilespmem:s17+$0x0];
	v18 =	vadd.s32 $0x2400, v4;
	[tilespmem:s26+$0x15A00] =	vst v9  }
0x10f: {  	v19 =	vadd.s32 $0x4000, v0;
	v9 =	vld.idx.msk [tilespmem:v14+s3+$0x0], $0xffff;
	[tilespmem:s23+$0x15280] =	vst v12  }
0x110: {  	v14 =	vadd.s32 $0xB400, v7;
	v12 =	vld.idx.msk [tilespmem:v13+s3+$0x0], $0xffff;
	[tilespmem:s25+$0x14B00] =	vst v10  }
0x111: {  	v13 =	vadd.s32 $0x9800, v3;
	v8 =	vld.idx.msk [tilespmem:v8+s3+$0x0], $0xffff;
	[tilespmem:s29+$0x16200] =	vst v11  }
0x112: {  	v11 =	vadd.s32 $0x800, v5;
	[tilespmem:s28+$0x14000] =	vst v16;
	v10 =	vld.idx.msk [tilespmem:v17+s3+$0x0], $0xffff  }
0x113: {  	v17 =	vadd.s32 $0x7C00, v1;
	[tilespmem:s24+$0x14380] =	vst v15;
	v16 =	vld.idx.msk [tilespmem:v18+s3+$0x0], $0xffff  }
0x114: {  	v15 =	vld.idx.msk [tilespmem:v19+s3+$0x0], $0xffff;
	v19 =	vadd.s32 $0x6000, v2;
	[tilespmem:s26+$0x15A80] =	vst v9  }
0x115: {  	v18 =	vadd.s32 $0x4400, v0;
	v14 =	vld.idx.msk [tilespmem:v14+s3+$0x0], $0xffff;
	[tilespmem:s23+$0x15300] =	vst v12  }
0x116: {  	v9 =	vld.idx.msk [tilespmem:v13+s3+$0x0], $0xffff;
	v13 =	vadd.s32 $0xB800, v7;
	[tilespmem:s30+$0x13880] =	vst v8  }
0x117: {  	v12 =	vadd.s32 $0x9C00, v3;
	v11 =	vld.idx.msk [tilespmem:v11+s3+$0x0], $0xffff;
	[tilespmem:s25+$0x14B80] =	vst v10  }
0x118: {  	v8 =	vld.idx.msk [tilespmem:v17+s3+$0x0], $0xffff;
	v17 =	vadd.s32 $0x2800, v4;
	[tilespmem:s28+$0x14080] =	vst v16  }
0x119: {  	v10 =	vld.idx.msk [tilespmem:v19+s3+$0x0], $0xffff;
	v19 =	vadd.s32 $0x8000, v1;
	[tilespmem:s24+$0x14800] =	vst v15  }
0x11a: {  	[tilespmem:s29+$0x16280] =	vst v14;
	v14 =	vadd.s32 $0xC00, v5;
	v15 =	vld.idx.msk [tilespmem:v18+s3+$0x0], $0xffff  }
0x11b: {  	v18 =	vadd.s32 $0x6400, v2;
	v13 =	vld.idx.msk [tilespmem:v13+s3+$0x0], $0xffff;
	[tilespmem:s26+$0x15B00] =	vst v9  }
0x11c: {  	v9 =	vld.idx.msk [tilespmem:v12+s3+$0x0], $0xffff;
	v12 =	vadd.s32 $0xBC00, v7;
	[tilespmem:s30+$0x13900] =	vst v11  }
0x11d: {  	v16 =	vld.idx.msk [tilespmem:v17+s3+$0x0], $0xffff;
	v17 =	vadd.s32 $0x4800, v0;
	[tilespmem:s23+$0x15380] =	vst v8  }
0x11e: {  	v11 =	vadd.s32 $0xA000, v3;
	v8 =	vld.idx.msk [tilespmem:v19+s3+$0x0], $0xffff;
	[tilespmem:s25+$0x15000] =	vst v10  }
0x11f: {  	v19 =	vadd.s32 $0x2C00, v4;
	v14 =	vld.idx.msk [tilespmem:v14+s3+$0x0], $0xffff;
	[tilespmem:s24+$0x14880] =	vst v15  }
0x120: {  	v10 =	vld.idx.msk [tilespmem:v18+s3+$0x0], $0xffff;
	v18 =	vadd.s32 $0x8400, v1;
	[tilespmem:s29+$0x16300] =	vst v13  }
0x121: {  	v13 =	vadd.s32 $0x1000, v5;
	v12 =	vld.idx.msk [tilespmem:v12+s3+$0x0], $0xffff;
	[tilespmem:s26+$0x15B80] =	vst v9  }
0x122: {  	v15 =	vld.idx.msk [tilespmem:v17+s3+$0x0], $0xffff;
	v17 =	vadd.s32 $0x6800, v2;
	[tilespmem:s28+$0x14100] =	vst v16  }
0x123: {  	v9 =	vld.idx.msk [tilespmem:v11+s3+$0x0], $0xffff;
	v11 =	vadd.s32 $0xC000, v7;
	[tilespmem:s23+$0x15800] =	vst v8  }
0x124: {  	v16 =	vld.idx.msk [tilespmem:v19+s3+$0x0], $0xffff;
	v19 =	vadd.s32 $0x4C00, v0;
	[tilespmem:s30+$0x13980] =	vst v14  }
0x125: {  	v8 =	vld.idx.msk [tilespmem:v18+s3+$0x0], $0xffff;
	v14 =	vadd.s32 $0xA400, v3;
	[tilespmem:s25+$0x15080] =	vst v10  }
0x126: {  	v18 =	vadd.s32 $0x3000, v4;
	v13 =	vld.idx.msk [tilespmem:v13+s3+$0x0], $0xffff;
	[tilespmem:s29+$0x16380] =	vst v12  }
0x127: {  	v12 =	vadd.s32 $0x1400, v5;
	v10 =	vld.idx.msk [tilespmem:v17+s3+$0x0], $0xffff;
	[tilespmem:s24+$0x14900] =	vst v15  }
0x128: {  	v17 =	vadd.s32 $0x8800, v1;
	v11 =	vld.idx.msk [tilespmem:v11+s3+$0x0], $0xffff;
	[tilespmem:s26+$0x16000] =	vst v9  }
0x129: {  	v15 =	vld.idx.msk [tilespmem:v19+s3+$0x0], $0xffff;
	v19 =	vadd.s32 $0x6C00, v2;
	[tilespmem:s28+$0x14180] =	vst v16  }
0x12a: {  	v16 =	vadd.s32 $0x5000, v0;
	v9 =	vld.idx.msk [tilespmem:v14+s3+$0x0], $0xffff;
	[tilespmem:s23+$0x15880] =	vst v8  }
0x12b: {  	v7 =	vadd.s32 $0xC400, v7;
	v14 =	vld.idx.msk [tilespmem:v18+s3+$0x0], $0xffff;
	[tilespmem:s30+$0x13A00] =	vst v13  }
0x12c: {  	v8 =	vadd.s32 $0xA800, v3;
	v13 =	vld.idx.msk [tilespmem:v12+s3+$0x0], $0xffff;
	[tilespmem:s25+$0x15100] =	vst v10  }
0x12d: {  	v18 =	vadd.s32 $0x3400, v4;
	v17 =	vld.idx.msk [tilespmem:v17+s3+$0x0], $0xffff;
	[tilespmem:s29+$0x16800] =	vst v11  }
0x12e: {  	v11 =	vadd.s32 $0x8C00, v1;
	v10 =	vld.idx.msk [tilespmem:v19+s3+$0x0], $0xffff;
	[tilespmem:s24+$0x14980] =	vst v15  }
0x12f: {  	v12 =	vld.idx.msk [tilespmem:v16+s3+$0x0], $0xffff;
	v16 =	vadd.s32 $0x1800, v5  }
0x130: {  	v7 =	vld.idx.msk [tilespmem:v7+s3+$0x0], $0xffff;
	[tilespmem:s26+$0x16080] =	vst v9;
	v9 =	vadd.s32 $0x7000, v2  }
0x131: {  	[tilespmem:s28+$0x14200] =	vst v14;
	v8 =	vld.idx.msk [tilespmem:v8+s3+$0x0], $0xffff  }
0x132: {  	s12 =	simm.s32 $0x80;
	s8 =	simm.s32 $0x400;
	v15 =	vadd.s32 $0x5400, v0;
	v14 =	vld.idx.msk [tilespmem:v18+s3+$0x0], $0xffff;
	[tilespmem:s23+$0x15900] =	vst v17  }
.LBB2_3:
0x133: {  	s13 =	sand.u32 $0x400, s8;
	p1 =	sne.s32 s12, $0xF0;
	[tilespmem:s30+$0x13A80] =	vst v13;
	v11 =	vld.idx.msk [tilespmem:v11+s3+$0x0], $0xffff;
	v13 =	vadd.s32 $0xAC00, v3  }
0x134: {  	s17 =	sand.u32 $0x70, s12;
	v17 =	vadd.s32 $0x3800, v4;
	s18 =	sadd.s32 s13, s31;
	v16 =	vld.idx.msk [tilespmem:v16+s3+$0x0], $0xffff;
	[tilespmem:s25+$0x15180] =	vst v10  }
0x135: {  	v10 =	vadd.s32 $0x9000, v1;
	s18 =	sadd.s32 s17, s18;
	v9 =	vld.idx.msk [tilespmem:v9+s3+$0x0], $0xffff;
	[tilespmem:s29+$0x16880] =	vst v7;
	s29 =	smov.u32 s26;
	s26 =	smov.u32 s23  }
0x136: {  	v18 =	vadd.s32 $0x1C00, v5;
	s23 =	smov.u32 s25;
	s25 =	smov.u32 s24;
	v7 =	vld [tilespmem:s18+$0x0];
	[tilespmem:s24+$0x14A00] =	vst v12;
	s24 =	smov.u32 s28  }
0x137: {  	s28 =	smov.u32 s30;
	v12 =	vld.idx.msk [tilespmem:v15+s3+$0x0], $0xffff;
	v15 =	vadd.s32 $0x7400, v2;
	[tilespmem:s29+$0x16100] =	vst v8  }
0x138: {  	[tilespmem:s24+$0x14280] =	vst v14;
	v8 =	vld.idx.msk [tilespmem:v13+s3+$0x0], $0xffff  }
0x139: {  	v14 =	vadd.s32 $0x5800, v0;
	v13 =	vld.idx.msk [tilespmem:v17+s3+$0x0], $0xffff;
	[tilespmem:s26+$0x15980] =	vst v11  }
0x13a: {  	v11 =	vadd.s32 $0xB000, v3;
	[tilespmem:s28+$0x13B00] =	vst v16;
	v10 =	vld.idx.msk [tilespmem:v10+s3+$0x0], $0xffff  }
0x13b: {  	v17 =	vadd.s32 $0x3C00, v4;
	v16 =	vld.idx.msk [tilespmem:v18+s3+$0x0], $0xffff;
	[tilespmem:s23+$0x15200] =	vst v9  }
0x13c: {  	v9 =	vld.idx.msk [tilespmem:v15+s3+$0x0], $0xffff;
	v15 =	vadd.s32 $0x9400, v1  }
0x13d: {  	v19 =	vadd.s32 $0x2000, v5;
	v18 =	vld.idx.msk [tilespmem:v6+s3+$0x0], $0xffff;
	[tilespmem:s25+$0x14A80] =	vst v12  }
0x13e: {  	v12 =	vld.idx.msk [tilespmem:v14+s3+$0x0], $0xffff;
	v14 =	vadd.s32 $0x7800, v2;
	[tilespmem:s29+$0x16180] =	vst v8  }
0x13f: {  	s2 =	sor.u32 s0, s2;
	s0 =	smov.u32 s9;
	s9 =	smov.u32 s8;
	v8 =	vadd.s32 $0x400, v6;
	[tilespmem:s24+$0x14300] =	vst v13;
	v11 =	vld.idx.msk [tilespmem:v11+s3+$0x0], $0xffff  }
0x140: {  	s18 =	sor.u32 $0x380, s2;
	s2 =	smov.u32 s11;
	s11 =	smov.u32 s12;
	v13 =	vld.idx.msk [tilespmem:v17+s3+$0x0], $0xffff;
	v17 =	vadd.s32 $0x5C00, v0;
	[tilespmem:s26+$0x15A00] =	vst v10  }
0x141: {  	[tilespmem:s18+$0x13800] =	vst v16;
	v10 =	vld.idx.msk [tilespmem:v15+s3+$0x0], $0xffff;
	v15 =	vadd.s32 $0xB400, v3  }
0x142: {  	s30 =	sor.u32 s5, s4;
	s4 =	smov.u32 s13;
	s5 =	smov.u32 s17;
	v16 =	vld.idx.msk [tilespmem:v19+s3+$0x0], $0xffff;
	v19 =	vadd.s32 $0x4000, v4;
	[tilespmem:s23+$0x15280] =	vst v9  }
0x143: {  	[tilespmem:s30+$0x13800] =	vst v18;
	v9 =	vld.idx.msk [tilespmem:v14+s3+$0x0], $0xffff;
	v14 =	vadd.s32 $0x9800, v1  }
0x144: {  	v18 =	vadd.s32 $0x2400, v5;
	v8 =	vld.idx.msk [tilespmem:v8+s3+$0x0], $0xffff;
	[tilespmem:s25+$0x14B00] =	vst v12  }
0x145: {  	v12 =	vld.idx.msk [tilespmem:v17+s3+$0x0], $0xffff;
	v17 =	vadd.s32 $0x7C00, v2;
	[tilespmem:s29+$0x16200] =	vst v11  }
0x146: {  	v11 =	vadd.s32 $0x800, v6;
	[tilespmem:s24+$0x14380] =	vst v13;
	v13 =	vld.idx.msk [tilespmem:v15+s3+$0x0], $0xffff  }
0x147: {  	v15 =	vld.idx.msk [tilespmem:v19+s3+$0x0], $0xffff;
	v19 =	vadd.s32 $0x6000, v0;
	[tilespmem:s26+$0x15A80] =	vst v10  }
0x148: {  	[tilespmem:s28+$0x14000] =	vst v16;
	v10 =	vld.idx.msk [tilespmem:v14+s3+$0x0], $0xffff;
	v14 =	vadd.s32 $0xB800, v3  }
0x149: {  	v16 =	vld.idx.msk [tilespmem:v18+s3+$0x0], $0xffff;
	v18 =	vadd.s32 $0x4400, v4;
	[tilespmem:s23+$0x15300] =	vst v9  }
0x14a: {  	v9 =	vadd.s32 $0x9C00, v1;
	[tilespmem:s30+$0x13880] =	vst v8;
	v8 =	vld.idx.msk [tilespmem:v17+s3+$0x0], $0xffff  }
0x14b: {  	v17 =	vadd.s32 $0x2800, v5;
	v11 =	vld.idx.msk [tilespmem:v11+s3+$0x0], $0xffff;
	[tilespmem:s25+$0x14B80] =	vst v12  }
0x14c: {  	v12 =	vld.idx.msk [tilespmem:v19+s3+$0x0], $0xffff;
	v19 =	vadd.s32 $0x8000, v2;
	[tilespmem:s29+$0x16280] =	vst v13  }
0x14d: {  	v13 =	vadd.s32 $0xC00, v6;
	[tilespmem:s24+$0x14800] =	vst v15;
	v14 =	vld.idx.msk [tilespmem:v14+s3+$0x0], $0xffff  }
0x14e: {  	v15 =	vld.idx.msk [tilespmem:v18+s3+$0x0], $0xffff;
	v18 =	vadd.s32 $0x6400, v0;
	[tilespmem:s26+$0x15B00] =	vst v10  }
0x14f: {  	v10 =	vadd.s32 $0xBC00, v3;
	[tilespmem:s28+$0x14080] =	vst v16;
	v9 =	vld.idx.msk [tilespmem:v9+s3+$0x0], $0xffff  }
0x150: {  	v16 =	vld.idx.msk [tilespmem:v17+s3+$0x0], $0xffff;
	v17 =	vadd.s32 $0x4800, v4;
	[tilespmem:s23+$0x15380] =	vst v8  }
0x151: {  	[tilespmem:s30+$0x13900] =	vst v11;
	v8 =	vld.idx.msk [tilespmem:v19+s3+$0x0], $0xffff;
	v11 =	vadd.s32 $0xA000, v1  }
0x152: {  	v19 =	vadd.s32 $0x2C00, v5;
	v13 =	vld.idx.msk [tilespmem:v13+s3+$0x0], $0xffff;
	[tilespmem:s25+$0x15000] =	vst v12  }
0x153: {  	v12 =	vld.idx.msk [tilespmem:v18+s3+$0x0], $0xffff;
	v18 =	vadd.s32 $0x8400, v2;
	[tilespmem:s29+$0x16300] =	vst v14  }
0x154: {  	v14 =	vadd.s32 $0x1000, v6;
	[tilespmem:s24+$0x14880] =	vst v15;
	v10 =	vld.idx.msk [tilespmem:v10+s3+$0x0], $0xffff  }
0x155: {  	v15 =	vld.idx.msk [tilespmem:v17+s3+$0x0], $0xffff;
	v17 =	vadd.s32 $0x6800, v0;
	[tilespmem:s26+$0x15B80] =	vst v9  }
0x156: {  	[tilespmem:s28+$0x14100] =	vst v16;
	v9 =	vld.idx.msk [tilespmem:v11+s3+$0x0], $0xffff;
	v11 =	vadd.s32 $0xC000, v3  }
0x157: {  	v16 =	vld.idx.msk [tilespmem:v19+s3+$0x0], $0xffff;
	v19 =	vadd.s32 $0x4C00, v4;
	[tilespmem:s23+$0x15800] =	vst v8  }
0x158: {  	[tilespmem:s30+$0x13980] =	vst v13;
	v8 =	vld.idx.msk [tilespmem:v18+s3+$0x0], $0xffff;
	v13 =	vadd.s32 $0xA400, v1  }
0x159: {  	v18 =	vadd.s32 $0x3000, v5;
	v14 =	vld.idx.msk [tilespmem:v14+s3+$0x0], $0xffff;
	[tilespmem:s25+$0x15080] =	vst v12  }
0x15a: {  	v12 =	vld.idx.msk [tilespmem:v17+s3+$0x0], $0xffff;
	v17 =	vadd.s32 $0x8800, v2;
	[tilespmem:s29+$0x16380] =	vst v10  }
0x15b: {  	v10 =	vadd.s32 $0x1400, v6;
	[tilespmem:s24+$0x14900] =	vst v15;
	v15 =	vld.idx.msk [tilespmem:v11+s3+$0x0], $0xffff  }
0x15c: {  	v11 =	vadd.s32 $0x6C00, v0;
	v19 =	vld.idx.msk [tilespmem:v19+s3+$0x0], $0xffff;
	[tilespmem:s26+$0x16000] =	vst v9  }
0x15d: {  	v9 =	vadd.s32 $0xC400, v3;
	v3 =	vmovc v1;
	v1 =	vmovc v2;
	v2 =	vmov v0;
	v0 =	vmov v4;
	[tilespmem:s28+$0x14180] =	vst v16;
	v20 =	vld.idx.msk [tilespmem:v13+s3+$0x0], $0xffff  }
0x15e: {  	v4 =	vmovc v5;
	v5 =	vmov v6;
	v6 =	vmov v7;
	v21 =	vadd.s32 $0x5000, v0;
	v18 =	vld.idx.msk [tilespmem:v18+s3+$0x0], $0xffff;
	[tilespmem:s23+$0x15880] =	vst v8  }
0x15f: {  	v8 =	vadd.s32 $0xA800, v3;
	[tilespmem:s30+$0x13A00] =	vst v14;
	v17 =	vld.idx.msk [tilespmem:v17+s3+$0x0], $0xffff  }
0x160: {  	v14 =	vadd.s32 $0x3400, v4;
	v13 =	vld.idx.msk [tilespmem:v10+s3+$0x0], $0xffff;
	[tilespmem:s25+$0x15100] =	vst v12  }
.Ltmp0:
0x161: {  	v10 =	vld.idx.msk [tilespmem:v11+s3+$0x0], $0xffff;
	v11 =	vadd.s32 $0x8C00, v1;
	[tilespmem:s29+$0x16800] =	vst v15;
	(pc) =	sbr.rel @p1 .LBB2_3-.Ltmp0, $4  }
0x162: {  	v16 =	vadd.s32 $0x1800, v5;
	[tilespmem:s24+$0x14980] =	vst v19;
	v7 =	vld.idx.msk [tilespmem:v9+s3+$0x0], $0xffff  }
0x163: {  	v9 =	vadd.s32 $0x7000, v2;
	v12 =	vld.idx.msk [tilespmem:v21+s3+$0x0], $0xffff;
	[tilespmem:s26+$0x16080] =	vst v20  }
0x164: {  	[tilespmem:s28+$0x14200] =	vst v18;
	v8 =	vld.idx.msk [tilespmem:v8+s3+$0x0], $0xffff  }
0x165: {  	s8 =	sadd.s32 $0x80, s8;
	s12 =	sadd.s32 $0x10, s12;
	v15 =	vadd.s32 $0x5400, v0;
	v14 =	vld.idx.msk [tilespmem:v14+s3+$0x0], $0xffff;
	[tilespmem:s23+$0x15900] =	vst v17  }
0x166: {  	_ =	sdelay $0x2  }
0x167: {  	[tilespmem:s30+$0x13A80] =	vst v13  }
0x168: {  	v13 =	vld.idx.msk [tilespmem:v16+s3+$0x0], $0xffff;
	v16 =	vadd.s32 $0x3800, v4  }
0x169: {  	[tilespmem:s24+$0x14A00] =	vst v12;
	v12 =	vadd.s32 $0x1C00, v5  }
0x16a: {  	v15 =	vld.idx.msk [tilespmem:v15+s3+$0x0], $0xffff  }
0x16b: {  	v17 =	vadd.s32 $0x5800, v0;
	v18 =	vld.idx.msk [tilespmem:v6+s3+$0x0], $0xffff  }
0x16c: {  	[tilespmem:s28+$0x14280] =	vst v14;
	v14 =	vadd.s32 $0x400, v6  }
0x16d: {  	v16 =	vld.idx.msk [tilespmem:v16+s3+$0x0], $0xffff;
	[tilespmem:s30+$0x13B00] =	vst v13  }
0x16e: {  	v13 =	vadd.s32 $0x3C00, v4;
	v12 =	vld.idx.msk [tilespmem:v12+s3+$0x0], $0xffff  }
0x16f: {  	s31 =	sor.u32 s5, s4;
	[tilespmem:s24+$0x14A80] =	vst v15;
	v15 =	vadd.s32 $0x2000, v5  }
0x170: {  	[tilespmem:s31+$0x13800] =	vst v18;
	v17 =	vld.idx.msk [tilespmem:v17+s3+$0x0], $0xffff  }
0x171: {  	v19 =	vadd.s32 $0x5C00, v0;
	s0 =	sor.u32 s0, s2;
	v14 =	vld.idx.msk [tilespmem:v14+s3+$0x0], $0xffff  }
0x172: {  	s0 =	sor.u32 $0x380, s0;
	[tilespmem:s28+$0x14300] =	vst v16;
	v16 =	vadd.s32 $0x800, v6  }
0x173: {  	v13 =	vld.idx.msk [tilespmem:v13+s3+$0x0], $0xffff;
	[tilespmem:s0+$0x13800] =	vst v12  }
0x174: {  	v12 =	vld.idx.msk [tilespmem:v15+s3+$0x0], $0xffff;
	v15 =	vadd.s32 $0x4000, v4  }
0x175: {  	[tilespmem:s24+$0x14B00] =	vst v17;
	v17 =	vadd.s32 $0x2400, v5  }
0x176: {  	[tilespmem:s31+$0x13880] =	vst v14;
	v18 =	vld.idx.msk [tilespmem:v19+s3+$0x0], $0xffff  }
0x177: {  	v19 =	vadd.s32 $0x6000, v0;
	v14 =	vld.idx.msk [tilespmem:v16+s3+$0x0], $0xffff  }
0x178: {  	[tilespmem:s28+$0x14380] =	vst v13;
	v13 =	vadd.s32 $0xC00, v6  }
0x179: {  	v15 =	vld.idx.msk [tilespmem:v15+s3+$0x0], $0xffff;
	[tilespmem:s30+$0x14000] =	vst v12  }
0x17a: {  	v16 =	vadd.s32 $0x4400, v4;
	v12 =	vld.idx.msk [tilespmem:v17+s3+$0x0], $0xffff  }
0x17b: {  	v17 =	vadd.s32 $0x2800, v5;
	[tilespmem:s24+$0x14B80] =	vst v18  }
0x17c: {  	v18 =	vld.idx.msk [tilespmem:v19+s3+$0x0], $0xffff;
	[tilespmem:s31+$0x13900] =	vst v14  }
0x17d: {  	[tilespmem:s25+$0x15180] =	vst v10;
	v19 =	vadd.s32 $0x6400, v0;
	v10 =	vld.idx.msk [tilespmem:v13+s3+$0x0], $0xffff  }
0x17e: {  	v13 =	vadd.s32 $0x1000, v6;
	[tilespmem:s28+$0x14800] =	vst v15  }
0x17f: {  	v14 =	vld.idx.msk [tilespmem:v16+s3+$0x0], $0xffff;
	[tilespmem:s30+$0x14080] =	vst v12  }
0x180: {  	[tilespmem:s29+$0x16880] =	vst v7;
	v15 =	vadd.s32 $0x4800, v4;
	v12 =	vld.idx.msk [tilespmem:v17+s3+$0x0], $0xffff  }
0x181: {  	v11 =	vld.idx.msk [tilespmem:v11+s3+$0x0], $0xffff;
	v7 =	vadd.s32 $0x2C00, v5;
	[tilespmem:s24+$0x15000] =	vst v18  }
0x182: {  	v16 =	vld.idx.msk [tilespmem:v19+s3+$0x0], $0xffff;
	[tilespmem:s31+$0x13980] =	vst v10;
	v10 =	vadd.s32 $0xAC00, v3  }
0x183: {  	[tilespmem:s26+$0x16100] =	vst v8;
	v17 =	vadd.s32 $0x6800, v0;
	v8 =	vld.idx.msk [tilespmem:v13+s3+$0x0], $0xffff  }
0x184: {  	v9 =	vld.idx.msk [tilespmem:v9+s3+$0x0], $0xffff;
	v13 =	vadd.s32 $0x1400, v6;
	[tilespmem:s28+$0x14880] =	vst v14  }
0x185: {  	v14 =	vadd.s32 $0x7400, v2;
	v15 =	vld.idx.msk [tilespmem:v15+s3+$0x0], $0xffff;
	[tilespmem:s30+$0x14100] =	vst v12  }
0x186: {  	[tilespmem:s23+$0x15980] =	vst v11;
	v12 =	vadd.s32 $0x4C00, v4;
	v7 =	vld.idx.msk [tilespmem:v7+s3+$0x0], $0xffff  }
0x187: {  	v11 =	vadd.s32 $0x3000, v5;
	[tilespmem:s24+$0x15080] =	vst v16;
	v10 =	vld.idx.msk [tilespmem:v10+s3+$0x0], $0xffff  }
0x188: {  	v16 =	vld.idx.msk [tilespmem:v17+s3+$0x0], $0xffff;
	[tilespmem:s31+$0x13A00] =	vst v8;
	v8 =	vadd.s32 $0x9000, v1  }
0x189: {  	[tilespmem:s25+$0x15200] =	vst v9;
	v17 =	vadd.s32 $0x6C00, v0;
	v9 =	vld.idx.msk [tilespmem:v13+s3+$0x0], $0xffff  }
0x18a: {  	v13 =	vld.idx.msk [tilespmem:v14+s3+$0x0], $0xffff;
	v14 =	vadd.s32 $0x1800, v6;
	[tilespmem:s28+$0x14900] =	vst v15  }
0x18b: {  	v15 =	vadd.s32 $0x7800, v2;
	v12 =	vld.idx.msk [tilespmem:v12+s3+$0x0], $0xffff;
	[tilespmem:s30+$0x14180] =	vst v7  }
0x18c: {  	v7 =	vld.idx.msk [tilespmem:v11+s3+$0x0], $0xffff;
	v11 =	vadd.s32 $0x5000, v4;
	[tilespmem:s26+$0x16180] =	vst v10  }
0x18d: {  	v10 =	vadd.s32 $0x3400, v5;
	[tilespmem:s24+$0x15100] =	vst v16;
	v8 =	vld.idx.msk [tilespmem:v8+s3+$0x0], $0xffff  }
0x18e: {  	v16 =	vld.idx.msk [tilespmem:v17+s3+$0x0], $0xffff;
	[tilespmem:s31+$0x13A80] =	vst v9;
	v9 =	vadd.s32 $0xB000, v3  }
0x18f: {  	v17 =	vadd.s32 $0x7000, v0;
	[tilespmem:s25+$0x15280] =	vst v13;
	v13 =	vld.idx.msk [tilespmem:v14+s3+$0x0], $0xffff  }
0x190: {  	v14 =	vld.idx.msk [tilespmem:v15+s3+$0x0], $0xffff;
	[tilespmem:s28+$0x14980] =	vst v12;
	v12 =	vadd.s32 $0x1C00, v6  }
0x191: {  	v15 =	vadd.s32 $0x7C00, v2;
	v11 =	vld.idx.msk [tilespmem:v11+s3+$0x0], $0xffff;
	[tilespmem:s30+$0x14200] =	vst v7  }
0x192: {  	v7 =	vld.idx.msk [tilespmem:v10+s3+$0x0], $0xffff;
	v10 =	vadd.s32 $0x5400, v4;
	[tilespmem:s23+$0x15A00] =	vst v8  }
0x193: {  	v8 =	vadd.s32 $0x3800, v5;
	[tilespmem:s24+$0x15180] =	vst v16;
	v9 =	vld.idx.msk [tilespmem:v9+s3+$0x0], $0xffff  }
0x194: {  	v16 =	vld.idx.msk [tilespmem:v17+s3+$0x0], $0xffff;
	[tilespmem:s31+$0x13B00] =	vst v13;
	v13 =	vadd.s32 $0x9400, v1  }
0x195: {  	v17 =	vadd.s32 $0x7400, v0;
	[tilespmem:s25+$0x15300] =	vst v14;
	v12 =	vld.idx.msk [tilespmem:v12+s3+$0x0], $0xffff  }
0x196: {  	v14 =	vld.idx.msk [tilespmem:v15+s3+$0x0], $0xffff;
	[tilespmem:s28+$0x14A00] =	vst v11;
	v11 =	vadd.s32 $0x2000, v6  }
0x197: {  	v15 =	vadd.s32 $0x8000, v2;
	v10 =	vld.idx.msk [tilespmem:v10+s3+$0x0], $0xffff;
	[tilespmem:s30+$0x14280] =	vst v7  }
0x198: {  	s13 =	sor.u32 s9, s11;
	v7 =	vld.idx.msk [tilespmem:v8+s3+$0x0], $0xffff;
	v8 =	vadd.s32 $0x5800, v4;
	[tilespmem:s26+$0x16200] =	vst v9  }
0x199: {  	s0 =	sor.u32 $0x380, s13;
	v9 =	vadd.s32 $0x3C00, v5;
	[tilespmem:s24+$0x15200] =	vst v16;
	v13 =	vld.idx.msk [tilespmem:v13+s3+$0x0], $0xffff  }
0x19a: {  	v16 =	vld.idx.msk [tilespmem:v17+s3+$0x0], $0xffff;
	[tilespmem:s0+$0x13800] =	vst v12;
	v12 =	vadd.s32 $0xB400, v3  }
0x19b: {  	v17 =	vadd.s32 $0x7800, v0;
	[tilespmem:s25+$0x15380] =	vst v14;
	v11 =	vld.idx.msk [tilespmem:v11+s3+$0x0], $0xffff  }
0x19c: {  	v14 =	vld.idx.msk [tilespmem:v15+s3+$0x0], $0xffff;
	[tilespmem:s28+$0x14A80] =	vst v10;
	v10 =	vadd.s32 $0x2400, v6  }
0x19d: {  	v15 =	vadd.s32 $0x8400, v2;
	v8 =	vld.idx.msk [tilespmem:v8+s3+$0x0], $0xffff;
	[tilespmem:s30+$0x14300] =	vst v7  }
0x19e: {  	v7 =	vld.idx.msk [tilespmem:v9+s3+$0x0], $0xffff;
	v9 =	vadd.s32 $0x5C00, v4;
	[tilespmem:s23+$0x15A80] =	vst v13  }
0x19f: {  	v13 =	vadd.s32 $0x4000, v5;
	[tilespmem:s24+$0x15280] =	vst v16;
	v12 =	vld.idx.msk [tilespmem:v12+s3+$0x0], $0xffff  }
0x1a0: {  	v16 =	vld.idx.msk [tilespmem:v17+s3+$0x0], $0xffff;
	[tilespmem:s31+$0x14000] =	vst v11;
	v11 =	vadd.s32 $0x9800, v1  }
0x1a1: {  	v17 =	vadd.s32 $0x7C00, v0;
	[tilespmem:s25+$0x15800] =	vst v14;
	v10 =	vld.idx.msk [tilespmem:v10+s3+$0x0], $0xffff  }
0x1a2: {  	v14 =	vld.idx.msk [tilespmem:v15+s3+$0x0], $0xffff;
	[tilespmem:s28+$0x14B00] =	vst v8;
	v8 =	vadd.s32 $0x2800, v6  }
0x1a3: {  	v15 =	vadd.s32 $0x8800, v2;
	v9 =	vld.idx.msk [tilespmem:v9+s3+$0x0], $0xffff;
	[tilespmem:s30+$0x14380] =	vst v7  }
0x1a4: {  	v7 =	vld.idx.msk [tilespmem:v13+s3+$0x0], $0xffff;
	v13 =	vadd.s32 $0x6000, v4;
	[tilespmem:s26+$0x16280] =	vst v12  }
0x1a5: {  	v12 =	vadd.s32 $0x4400, v5;
	[tilespmem:s24+$0x15300] =	vst v16;
	v11 =	vld.idx.msk [tilespmem:v11+s3+$0x0], $0xffff  }
0x1a6: {  	v16 =	vld.idx.msk [tilespmem:v17+s3+$0x0], $0xffff;
	[tilespmem:s31+$0x14080] =	vst v10;
	v10 =	vadd.s32 $0xB800, v3  }
0x1a7: {  	v17 =	vadd.s32 $0x8000, v0;
	[tilespmem:s25+$0x15880] =	vst v14;
	v8 =	vld.idx.msk [tilespmem:v8+s3+$0x0], $0xffff  }
0x1a8: {  	v14 =	vld.idx.msk [tilespmem:v15+s3+$0x0], $0xffff;
	[tilespmem:s28+$0x14B80] =	vst v9;
	v9 =	vadd.s32 $0x2C00, v6  }
0x1a9: {  	v15 =	vadd.s32 $0x8C00, v2;
	v13 =	vld.idx.msk [tilespmem:v13+s3+$0x0], $0xffff;
	[tilespmem:s30+$0x14800] =	vst v7  }
0x1aa: {  	v7 =	vld.idx.msk [tilespmem:v12+s3+$0x0], $0xffff;
	v12 =	vadd.s32 $0x6400, v4;
	[tilespmem:s23+$0x15B00] =	vst v11  }
0x1ab: {  	v11 =	vadd.s32 $0x4800, v5;
	[tilespmem:s24+$0x15380] =	vst v16;
	v10 =	vld.idx.msk [tilespmem:v10+s3+$0x0], $0xffff  }
0x1ac: {  	v16 =	vld.idx.msk [tilespmem:v17+s3+$0x0], $0xffff;
	[tilespmem:s31+$0x14100] =	vst v8;
	v8 =	vadd.s32 $0x9C00, v1  }
0x1ad: {  	v17 =	vadd.s32 $0x8400, v0;
	[tilespmem:s25+$0x15900] =	vst v14;
	v9 =	vld.idx.msk [tilespmem:v9+s3+$0x0], $0xffff  }
0x1ae: {  	v14 =	vld.idx.msk [tilespmem:v15+s3+$0x0], $0xffff;
	[tilespmem:s28+$0x15000] =	vst v13;
	v13 =	vadd.s32 $0x3000, v6  }
0x1af: {  	v15 =	vadd.s32 $0x9000, v2;
	v12 =	vld.idx.msk [tilespmem:v12+s3+$0x0], $0xffff;
	[tilespmem:s30+$0x14880] =	vst v7  }
0x1b0: {  	v7 =	vld.idx.msk [tilespmem:v11+s3+$0x0], $0xffff;
	v11 =	vadd.s32 $0x6800, v4;
	[tilespmem:s26+$0x16300] =	vst v10  }
0x1b1: {  	v10 =	vadd.s32 $0x4C00, v5;
	[tilespmem:s24+$0x15800] =	vst v16;
	v8 =	vld.idx.msk [tilespmem:v8+s3+$0x0], $0xffff  }
0x1b2: {  	v16 =	vld.idx.msk [tilespmem:v17+s3+$0x0], $0xffff;
	[tilespmem:s31+$0x14180] =	vst v9;
	v9 =	vadd.s32 $0xBC00, v3  }
0x1b3: {  	v17 =	vadd.s32 $0x8800, v0;
	[tilespmem:s25+$0x15980] =	vst v14;
	v13 =	vld.idx.msk [tilespmem:v13+s3+$0x0], $0xffff  }
0x1b4: {  	v14 =	vld.idx.msk [tilespmem:v15+s3+$0x0], $0xffff;
	[tilespmem:s28+$0x15080] =	vst v12;
	v12 =	vadd.s32 $0x3400, v6  }
0x1b5: {  	v15 =	vadd.s32 $0x9400, v2;
	v11 =	vld.idx.msk [tilespmem:v11+s3+$0x0], $0xffff;
	[tilespmem:s30+$0x14900] =	vst v7  }
0x1b6: {  	v7 =	vld.idx.msk [tilespmem:v10+s3+$0x0], $0xffff;
	v10 =	vadd.s32 $0x6C00, v4;
	[tilespmem:s23+$0x15B80] =	vst v8  }
0x1b7: {  	v8 =	vadd.s32 $0x5000, v5;
	[tilespmem:s24+$0x15880] =	vst v16;
	v9 =	vld.idx.msk [tilespmem:v9+s3+$0x0], $0xffff  }
0x1b8: {  	v16 =	vld.idx.msk [tilespmem:v17+s3+$0x0], $0xffff;
	[tilespmem:s31+$0x14200] =	vst v13;
	v13 =	vadd.s32 $0xA000, v1  }
0x1b9: {  	v17 =	vadd.s32 $0x8C00, v0;
	[tilespmem:s25+$0x15A00] =	vst v14;
	v12 =	vld.idx.msk [tilespmem:v12+s3+$0x0], $0xffff  }
0x1ba: {  	v14 =	vld.idx.msk [tilespmem:v15+s3+$0x0], $0xffff;
	[tilespmem:s28+$0x15100] =	vst v11;
	v11 =	vadd.s32 $0x3800, v6  }
0x1bb: {  	v15 =	vadd.s32 $0x9800, v2;
	v10 =	vld.idx.msk [tilespmem:v10+s3+$0x0], $0xffff;
	[tilespmem:s30+$0x14980] =	vst v7  }
0x1bc: {  	v7 =	vld.idx.msk [tilespmem:v8+s3+$0x0], $0xffff;
	v8 =	vadd.s32 $0x7000, v4;
	[tilespmem:s26+$0x16380] =	vst v9  }
0x1bd: {  	v9 =	vadd.s32 $0x5400, v5;
	[tilespmem:s24+$0x15900] =	vst v16;
	v13 =	vld.idx.msk [tilespmem:v13+s3+$0x0], $0xffff  }
0x1be: {  	v16 =	vld.idx.msk [tilespmem:v17+s3+$0x0], $0xffff;
	[tilespmem:s31+$0x14280] =	vst v12;
	v12 =	vadd.s32 $0xC000, v3  }
0x1bf: {  	v17 =	vadd.s32 $0x9000, v0;
	[tilespmem:s25+$0x15A80] =	vst v14;
	v11 =	vld.idx.msk [tilespmem:v11+s3+$0x0], $0xffff  }
0x1c0: {  	v14 =	vld.idx.msk [tilespmem:v15+s3+$0x0], $0xffff;
	[tilespmem:s28+$0x15180] =	vst v10;
	v10 =	vadd.s32 $0x3C00, v6  }
0x1c1: {  	v15 =	vadd.s32 $0x9C00, v2;
	v8 =	vld.idx.msk [tilespmem:v8+s3+$0x0], $0xffff;
	[tilespmem:s30+$0x14A00] =	vst v7  }
0x1c2: {  	v7 =	vld.idx.msk [tilespmem:v9+s3+$0x0], $0xffff;
	v9 =	vadd.s32 $0x7400, v4;
	[tilespmem:s23+$0x16000] =	vst v13  }
0x1c3: {  	v13 =	vadd.s32 $0x5800, v5;
	[tilespmem:s24+$0x15980] =	vst v16;
	v12 =	vld.idx.msk [tilespmem:v12+s3+$0x0], $0xffff  }
0x1c4: {  	v16 =	vld.idx.msk [tilespmem:v17+s3+$0x0], $0xffff;
	[tilespmem:s31+$0x14300] =	vst v11;
	v11 =	vadd.s32 $0xA400, v1  }
0x1c5: {  	v17 =	vadd.s32 $0x9400, v0;
	[tilespmem:s25+$0x15B00] =	vst v14;
	v10 =	vld.idx.msk [tilespmem:v10+s3+$0x0], $0xffff  }
0x1c6: {  	v14 =	vld.idx.msk [tilespmem:v15+s3+$0x0], $0xffff;
	[tilespmem:s28+$0x15200] =	vst v8;
	v8 =	vadd.s32 $0x4000, v6  }
0x1c7: {  	v15 =	vadd.s32 $0xA000, v2;
	v9 =	vld.idx.msk [tilespmem:v9+s3+$0x0], $0xffff;
	[tilespmem:s30+$0x14A80] =	vst v7  }
0x1c8: {  	v7 =	vld.idx.msk [tilespmem:v13+s3+$0x0], $0xffff;
	v13 =	vadd.s32 $0x7800, v4;
	[tilespmem:s26+$0x16800] =	vst v12  }
0x1c9: {  	v12 =	vadd.s32 $0x5C00, v5;
	[tilespmem:s24+$0x15A00] =	vst v16;
	v11 =	vld.idx.msk [tilespmem:v11+s3+$0x0], $0xffff  }
0x1ca: {  	v3 =	vadd.s32 $0xC400, v3;
	v16 =	vld.idx.msk [tilespmem:v17+s3+$0x0], $0xffff;
	[tilespmem:s31+$0x14380] =	vst v10  }
0x1cb: {  	v17 =	vadd.s32 $0x9800, v0;
	[tilespmem:s25+$0x15B80] =	vst v14;
	v8 =	vld.idx.msk [tilespmem:v8+s3+$0x0], $0xffff  }
0x1cc: {  	v10 =	vld.idx.msk [tilespmem:v15+s3+$0x0], $0xffff;
	[tilespmem:s28+$0x15280] =	vst v9;
	v9 =	vadd.s32 $0x4400, v6  }
0x1cd: {  	v14 =	vadd.s32 $0xA400, v2;
	v13 =	vld.idx.msk [tilespmem:v13+s3+$0x0], $0xffff;
	[tilespmem:s30+$0x14B00] =	vst v7  }
0x1ce: {  	v7 =	vld.idx.msk [tilespmem:v12+s3+$0x0], $0xffff;
	v12 =	vadd.s32 $0x7C00, v4;
	[tilespmem:s23+$0x16080] =	vst v11  }
0x1cf: {  	v3 =	vld.idx.msk [tilespmem:v3+s3+$0x0], $0xffff;
	v11 =	vadd.s32 $0x6000, v5;
	[tilespmem:s24+$0x15A80] =	vst v16  }
0x1d0: {  	v15 =	vld.idx.msk [tilespmem:v17+s3+$0x0], $0xffff;
	[tilespmem:s31+$0x14800] =	vst v8;
	v8 =	vadd.s32 $0xA800, v1  }
0x1d1: {  	v16 =	vadd.s32 $0x9C00, v0;
	[tilespmem:s25+$0x16000] =	vst v10;
	v9 =	vld.idx.msk [tilespmem:v9+s3+$0x0], $0xffff  }
0x1d2: {  	v10 =	vld.idx.msk [tilespmem:v14+s3+$0x0], $0xffff;
	[tilespmem:s28+$0x15300] =	vst v13;
	v13 =	vadd.s32 $0x4800, v6  }
0x1d3: {  	v14 =	vadd.s32 $0xA800, v2;
	v12 =	vld.idx.msk [tilespmem:v12+s3+$0x0], $0xffff;
	[tilespmem:s30+$0x14B80] =	vst v7  }
0x1d4: {  	[tilespmem:s26+$0x16880] =	vst v3;
	v7 =	vld.idx.msk [tilespmem:v11+s3+$0x0], $0xffff;
	v11 =	vadd.s32 $0x8000, v4  }
0x1d5: {  	v3 =	vadd.s32 $0x6400, v5;
	[tilespmem:s24+$0x15B00] =	vst v15;
	v8 =	vld.idx.msk [tilespmem:v8+s3+$0x0], $0xffff  }
0x1d6: {  	v15 =	vld.idx.msk [tilespmem:v16+s3+$0x0], $0xffff;
	[tilespmem:s31+$0x14880] =	vst v9;
	v9 =	vadd.s32 $0xAC00, v1  }
0x1d7: {  	v16 =	vadd.s32 $0xA000, v0;
	[tilespmem:s25+$0x16080] =	vst v10;
	v10 =	vld.idx.msk [tilespmem:v13+s3+$0x0], $0xffff  }
0x1d8: {  	v13 =	vld.idx.msk [tilespmem:v14+s3+$0x0], $0xffff;
	[tilespmem:s28+$0x15380] =	vst v12;
	v12 =	vadd.s32 $0x4C00, v6  }
0x1d9: {  	v14 =	vadd.s32 $0xAC00, v2;
	v11 =	vld.idx.msk [tilespmem:v11+s3+$0x0], $0xffff;
	[tilespmem:s30+$0x15000] =	vst v7  }
0x1da: {  	v7 =	vadd.s32 $0x8400, v4;
	v3 =	vld.idx.msk [tilespmem:v3+s3+$0x0], $0xffff;
	[tilespmem:s23+$0x16100] =	vst v8  }
0x1db: {  	v8 =	vadd.s32 $0x6800, v5;
	[tilespmem:s24+$0x15B80] =	vst v15;
	v9 =	vld.idx.msk [tilespmem:v9+s3+$0x0], $0xffff  }
0x1dc: {  	v15 =	vld.idx.msk [tilespmem:v16+s3+$0x0], $0xffff;
	[tilespmem:s31+$0x14900] =	vst v10;
	v10 =	vadd.s32 $0xB000, v1  }
0x1dd: {  	v16 =	vadd.s32 $0xA400, v0;
	[tilespmem:s25+$0x16100] =	vst v13;
	v12 =	vld.idx.msk [tilespmem:v12+s3+$0x0], $0xffff  }
0x1de: {  	v13 =	vld.idx.msk [tilespmem:v14+s3+$0x0], $0xffff;
	[tilespmem:s28+$0x15800] =	vst v11;
	v11 =	vadd.s32 $0x5000, v6  }
0x1df: {  	v14 =	vadd.s32 $0xB000, v2;
	v7 =	vld.idx.msk [tilespmem:v7+s3+$0x0], $0xffff;
	[tilespmem:s30+$0x15080] =	vst v3  }
0x1e0: {  	v3 =	vld.idx.msk [tilespmem:v8+s3+$0x0], $0xffff;
	v8 =	vadd.s32 $0x8800, v4;
	[tilespmem:s23+$0x16180] =	vst v9  }
0x1e1: {  	v9 =	vadd.s32 $0x6C00, v5;
	[tilespmem:s24+$0x16000] =	vst v15;
	v10 =	vld.idx.msk [tilespmem:v10+s3+$0x0], $0xffff  }
0x1e2: {  	v15 =	vld.idx.msk [tilespmem:v16+s3+$0x0], $0xffff;
	[tilespmem:s31+$0x14980] =	vst v12;
	v12 =	vadd.s32 $0xB400, v1  }
0x1e3: {  	v16 =	vadd.s32 $0xA800, v0;
	[tilespmem:s25+$0x16180] =	vst v13;
	v11 =	vld.idx.msk [tilespmem:v11+s3+$0x0], $0xffff  }
0x1e4: {  	v13 =	vld.idx.msk [tilespmem:v14+s3+$0x0], $0xffff;
	[tilespmem:s28+$0x15880] =	vst v7;
	v7 =	vadd.s32 $0x5400, v6  }
0x1e5: {  	v14 =	vadd.s32 $0xB400, v2;
	v8 =	vld.idx.msk [tilespmem:v8+s3+$0x0], $0xffff;
	[tilespmem:s30+$0x15100] =	vst v3  }
0x1e6: {  	v3 =	vld.idx.msk [tilespmem:v9+s3+$0x0], $0xffff;
	v9 =	vadd.s32 $0x8C00, v4;
	[tilespmem:s23+$0x16200] =	vst v10  }
0x1e7: {  	v10 =	vadd.s32 $0x7000, v5;
	[tilespmem:s24+$0x16080] =	vst v15;
	v12 =	vld.idx.msk [tilespmem:v12+s3+$0x0], $0xffff  }
0x1e8: {  	v15 =	vld.idx.msk [tilespmem:v16+s3+$0x0], $0xffff;
	[tilespmem:s31+$0x14A00] =	vst v11;
	v11 =	vadd.s32 $0xB800, v1  }
0x1e9: {  	v16 =	vadd.s32 $0xAC00, v0;
	[tilespmem:s25+$0x16200] =	vst v13;
	v7 =	vld.idx.msk [tilespmem:v7+s3+$0x0], $0xffff  }
0x1ea: {  	v13 =	vld.idx.msk [tilespmem:v14+s3+$0x0], $0xffff;
	[tilespmem:s28+$0x15900] =	vst v8;
	v8 =	vadd.s32 $0x5800, v6  }
0x1eb: {  	v14 =	vadd.s32 $0xB800, v2;
	v9 =	vld.idx.msk [tilespmem:v9+s3+$0x0], $0xffff;
	[tilespmem:s30+$0x15180] =	vst v3  }
0x1ec: {  	v3 =	vld.idx.msk [tilespmem:v10+s3+$0x0], $0xffff;
	v10 =	vadd.s32 $0x9000, v4;
	[tilespmem:s23+$0x16280] =	vst v12  }
0x1ed: {  	v12 =	vadd.s32 $0x7400, v5;
	[tilespmem:s24+$0x16100] =	vst v15;
	v11 =	vld.idx.msk [tilespmem:v11+s3+$0x0], $0xffff  }
0x1ee: {  	v15 =	vld.idx.msk [tilespmem:v16+s3+$0x0], $0xffff;
	[tilespmem:s31+$0x14A80] =	vst v7;
	v7 =	vadd.s32 $0xBC00, v1  }
0x1ef: {  	v16 =	vadd.s32 $0xB000, v0;
	[tilespmem:s25+$0x16280] =	vst v13;
	v8 =	vld.idx.msk [tilespmem:v8+s3+$0x0], $0xffff  }
0x1f0: {  	v13 =	vld.idx.msk [tilespmem:v14+s3+$0x0], $0xffff;
	[tilespmem:s28+$0x15980] =	vst v9;
	v9 =	vadd.s32 $0x5C00, v6  }
0x1f1: {  	v14 =	vadd.s32 $0xBC00, v2;
	v10 =	vld.idx.msk [tilespmem:v10+s3+$0x0], $0xffff;
	[tilespmem:s30+$0x15200] =	vst v3  }
0x1f2: {  	v3 =	vld.idx.msk [tilespmem:v12+s3+$0x0], $0xffff;
	v12 =	vadd.s32 $0x9400, v4;
	[tilespmem:s23+$0x16300] =	vst v11  }
0x1f3: {  	v11 =	vadd.s32 $0x7800, v5;
	[tilespmem:s24+$0x16180] =	vst v15;
	v7 =	vld.idx.msk [tilespmem:v7+s3+$0x0], $0xffff  }
0x1f4: {  	v15 =	vld.idx.msk [tilespmem:v16+s3+$0x0], $0xffff;
	[tilespmem:s31+$0x14B00] =	vst v8;
	v8 =	vadd.s32 $0xC000, v1  }
0x1f5: {  	v16 =	vadd.s32 $0xB400, v0;
	[tilespmem:s25+$0x16300] =	vst v13;
	v9 =	vld.idx.msk [tilespmem:v9+s3+$0x0], $0xffff  }
0x1f6: {  	v13 =	vld.idx.msk [tilespmem:v14+s3+$0x0], $0xffff;
	[tilespmem:s28+$0x15A00] =	vst v10;
	v10 =	vadd.s32 $0x6000, v6  }
0x1f7: {  	v14 =	vadd.s32 $0xC000, v2;
	v12 =	vld.idx.msk [tilespmem:v12+s3+$0x0], $0xffff;
	[tilespmem:s30+$0x15280] =	vst v3  }
0x1f8: {  	v3 =	vld.idx.msk [tilespmem:v11+s3+$0x0], $0xffff;
	v11 =	vadd.s32 $0x9800, v4;
	[tilespmem:s23+$0x16380] =	vst v7  }
0x1f9: {  	v7 =	vadd.s32 $0x7C00, v5;
	[tilespmem:s24+$0x16200] =	vst v15;
	v8 =	vld.idx.msk [tilespmem:v8+s3+$0x0], $0xffff  }
0x1fa: {  	v1 =	vadd.s32 $0xC400, v1;
	v15 =	vld.idx.msk [tilespmem:v16+s3+$0x0], $0xffff;
	[tilespmem:s31+$0x14B80] =	vst v9  }
0x1fb: {  	v16 =	vadd.s32 $0xB800, v0;
	[tilespmem:s25+$0x16380] =	vst v13;
	v9 =	vld.idx.msk [tilespmem:v10+s3+$0x0], $0xffff  }
0x1fc: {  	v10 =	vld.idx.msk [tilespmem:v14+s3+$0x0], $0xffff;
	[tilespmem:s28+$0x15A80] =	vst v12;
	v12 =	vadd.s32 $0x6400, v6  }
0x1fd: {  	v2 =	vadd.s32 $0xC400, v2;
	v11 =	vld.idx.msk [tilespmem:v11+s3+$0x0], $0xffff;
	[tilespmem:s30+$0x15300] =	vst v3  }
0x1fe: {  	v3 =	vld.idx.msk [tilespmem:v7+s3+$0x0], $0xffff;
	v7 =	vadd.s32 $0x9C00, v4;
	[tilespmem:s23+$0x16800] =	vst v8  }
0x1ff: {  	[tilespmem:s24+$0x16280] =	vst v15;
	v1 =	vld.idx.msk [tilespmem:v1+s3+$0x0], $0xffff  }
0x200: {  	v8 =	vadd.s32 $0x8000, v5;
	v13 =	vld.idx.msk [tilespmem:v16+s3+$0x0], $0xffff;
	[tilespmem:s31+$0x15000] =	vst v9  }
0x201: {  	v14 =	vadd.s32 $0xBC00, v0;
	[tilespmem:s25+$0x16800] =	vst v10;
	v9 =	vld.idx.msk [tilespmem:v12+s3+$0x0], $0xffff  }
0x202: {  	v10 =	vadd.s32 $0x6800, v6;
	v2 =	vld.idx.msk [tilespmem:v2+s3+$0x0], $0xffff;
	[tilespmem:s28+$0x15B00] =	vst v11  }
0x203: {  	v7 =	vld.idx.msk [tilespmem:v7+s3+$0x0], $0xffff;
	[tilespmem:s30+$0x15380] =	vst v3  }
0x204: {  	[tilespmem:s23+$0x16880] =	vst v1  }
0x205: {  	v3 =	vld.idx.msk [tilespmem:v8+s3+$0x0], $0xffff;
	v8 =	vadd.s32 $0xA000, v4;
	[tilespmem:s24+$0x16300] =	vst v13  }
0x206: {  	v1 =	vadd.s32 $0x8400, v5;
	v11 =	vld.idx.msk [tilespmem:v14+s3+$0x0], $0xffff;
	[tilespmem:s31+$0x15080] =	vst v9  }
0x207: {  	v12 =	vadd.s32 $0xC000, v0;
	[tilespmem:s25+$0x16880] =	vst v2;
	v2 =	vld.idx.msk [tilespmem:v10+s3+$0x0], $0xffff  }
0x208: {  	[tilespmem:s28+$0x15B80] =	vst v7;
	v7 =	vadd.s32 $0x6C00, v6;
	_ =	sdelay $0x1  }
0x209: {  	v8 =	vld.idx.msk [tilespmem:v8+s3+$0x0], $0xffff;
	[tilespmem:s30+$0x15800] =	vst v3  }
0x20a: {  	v3 =	vld.idx.msk [tilespmem:v1+s3+$0x0], $0xffff;
	[tilespmem:s24+$0x16380] =	vst v11  }
0x20b: {  	v1 =	vld.idx.msk [tilespmem:v12+s3+$0x0], $0xffff;
	[tilespmem:s31+$0x15100] =	vst v2  }
0x20c: {  	v2 =	vld.idx.msk [tilespmem:v7+s3+$0x0], $0xffff  }
0x20d: {  	v7 =	vadd.s32 $0x7000, v6;
	_ =	sdelay $0x3  }
0x20e: {  	[tilespmem:s31+$0x15180] =	vst v2  }
0x20f: {  	v2 =	vld.idx.msk [tilespmem:v7+s3+$0x0], $0xffff  }
0x210: {  	v7 =	vadd.s32 $0x7400, v6;
	_ =	sdelay $0x3  }
0x211: {  	[tilespmem:s31+$0x15200] =	vst v2  }
0x212: {  	v2 =	vld.idx.msk [tilespmem:v7+s3+$0x0], $0xffff  }
0x213: {  	v7 =	vadd.s32 $0x7800, v6;
	_ =	sdelay $0x3  }
0x214: {  	[tilespmem:s31+$0x15280] =	vst v2  }
0x215: {  	v2 =	vld.idx.msk [tilespmem:v7+s3+$0x0], $0xffff  }
0x216: {  	v7 =	vadd.s32 $0x7C00, v6;
	_ =	sdelay $0x3  }
0x217: {  	[tilespmem:s31+$0x15300] =	vst v2  }
0x218: {  	v2 =	vld.idx.msk [tilespmem:v7+s3+$0x0], $0xffff  }
0x219: {  	v7 =	vadd.s32 $0x8000, v6;
	_ =	sdelay $0x3  }
0x21a: {  	[tilespmem:s31+$0x15380] =	vst v2  }
0x21b: {  	v2 =	vld.idx.msk [tilespmem:v7+s3+$0x0], $0xffff  }
0x21c: {  	v7 =	vadd.s32 $0x8400, v6;
	_ =	sdelay $0x3  }
0x21d: {  	[tilespmem:s31+$0x15800] =	vst v2  }
0x21e: {  	v2 =	vadd.s32 $0x8800, v5;
	v7 =	vld.idx.msk [tilespmem:v7+s3+$0x0], $0xffff  }
0x21f: {  	v9 =	vadd.s32 $0x8800, v6;
	_ =	sdelay $0x2  }
0x220: {  	[tilespmem:s30+$0x15880] =	vst v3  }
0x221: {  	v2 =	vld.idx.msk [tilespmem:v2+s3+$0x0], $0xffff;
	[tilespmem:s31+$0x15880] =	vst v7  }
0x222: {  	v3 =	vadd.s32 $0x8C00, v5;
	v7 =	vld.idx.msk [tilespmem:v9+s3+$0x0], $0xffff  }
0x223: {  	v9 =	vadd.s32 $0x8C00, v6;
	_ =	sdelay $0x2  }
0x224: {  	[tilespmem:s30+$0x15900] =	vst v2  }
0x225: {  	v2 =	vld.idx.msk [tilespmem:v3+s3+$0x0], $0xffff;
	[tilespmem:s31+$0x15900] =	vst v7  }
0x226: {  	v3 =	vadd.s32 $0x9000, v5;
	v7 =	vld.idx.msk [tilespmem:v9+s3+$0x0], $0xffff  }
0x227: {  	v9 =	vadd.s32 $0x9000, v6;
	_ =	sdelay $0x2  }
0x228: {  	[tilespmem:s30+$0x15980] =	vst v2  }
0x229: {  	v2 =	vld.idx.msk [tilespmem:v3+s3+$0x0], $0xffff;
	[tilespmem:s31+$0x15980] =	vst v7  }
0x22a: {  	v3 =	vadd.s32 $0x9400, v5;
	v7 =	vld.idx.msk [tilespmem:v9+s3+$0x0], $0xffff  }
0x22b: {  	v9 =	vadd.s32 $0x9400, v6;
	_ =	sdelay $0x2  }
0x22c: {  	[tilespmem:s30+$0x15A00] =	vst v2  }
0x22d: {  	v2 =	vld.idx.msk [tilespmem:v3+s3+$0x0], $0xffff;
	[tilespmem:s31+$0x15A00] =	vst v7  }
0x22e: {  	v3 =	vadd.s32 $0x9800, v5;
	v7 =	vld.idx.msk [tilespmem:v9+s3+$0x0], $0xffff  }
0x22f: {  	v9 =	vadd.s32 $0x9800, v6;
	_ =	sdelay $0x2  }
0x230: {  	[tilespmem:s30+$0x15A80] =	vst v2  }
0x231: {  	v2 =	vld.idx.msk [tilespmem:v3+s3+$0x0], $0xffff;
	[tilespmem:s31+$0x15A80] =	vst v7  }
0x232: {  	v3 =	vadd.s32 $0x9C00, v5;
	v7 =	vld.idx.msk [tilespmem:v9+s3+$0x0], $0xffff  }
0x233: {  	v9 =	vadd.s32 $0x9C00, v6;
	_ =	sdelay $0x2  }
0x234: {  	[tilespmem:s30+$0x15B00] =	vst v2  }
0x235: {  	v2 =	vld.idx.msk [tilespmem:v3+s3+$0x0], $0xffff;
	[tilespmem:s31+$0x15B00] =	vst v7  }
0x236: {  	v3 =	vadd.s32 $0xA000, v5;
	v7 =	vld.idx.msk [tilespmem:v9+s3+$0x0], $0xffff  }
0x237: {  	v9 =	vadd.s32 $0xA000, v6;
	_ =	sdelay $0x2  }
0x238: {  	[tilespmem:s30+$0x15B80] =	vst v2  }
0x239: {  	v2 =	vadd.s32 $0xA400, v4;
	v3 =	vld.idx.msk [tilespmem:v3+s3+$0x0], $0xffff;
	[tilespmem:s31+$0x15B80] =	vst v7  }
0x23a: {  	v7 =	vadd.s32 $0xA400, v5;
	v9 =	vld.idx.msk [tilespmem:v9+s3+$0x0], $0xffff  }
0x23b: {  	v10 =	vadd.s32 $0xA400, v6;
	_ =	sdelay $0x1  }
0x23c: {  	[tilespmem:s28+$0x16000] =	vst v8  }
0x23d: {  	v2 =	vld.idx.msk [tilespmem:v2+s3+$0x0], $0xffff;
	[tilespmem:s30+$0x16000] =	vst v3  }
0x23e: {  	v3 =	vadd.s32 $0xA800, v4;
	v7 =	vld.idx.msk [tilespmem:v7+s3+$0x0], $0xffff;
	[tilespmem:s31+$0x16000] =	vst v9  }
0x23f: {  	v8 =	vadd.s32 $0xA800, v5;
	v9 =	vld.idx.msk [tilespmem:v10+s3+$0x0], $0xffff  }
0x240: {  	v10 =	vadd.s32 $0xA800, v6;
	_ =	sdelay $0x1  }
0x241: {  	[tilespmem:s28+$0x16080] =	vst v2  }
0x242: {  	v2 =	vld.idx.msk [tilespmem:v3+s3+$0x0], $0xffff;
	[tilespmem:s30+$0x16080] =	vst v7  }
0x243: {  	v3 =	vadd.s32 $0xAC00, v4;
	v7 =	vld.idx.msk [tilespmem:v8+s3+$0x0], $0xffff;
	[tilespmem:s31+$0x16080] =	vst v9  }
0x244: {  	v8 =	vadd.s32 $0xAC00, v5;
	v9 =	vld.idx.msk [tilespmem:v10+s3+$0x0], $0xffff  }
0x245: {  	v10 =	vadd.s32 $0xAC00, v6;
	_ =	sdelay $0x1  }
0x246: {  	[tilespmem:s28+$0x16100] =	vst v2  }
0x247: {  	v2 =	vld.idx.msk [tilespmem:v3+s3+$0x0], $0xffff;
	[tilespmem:s30+$0x16100] =	vst v7  }
0x248: {  	v3 =	vadd.s32 $0xB000, v4;
	v7 =	vld.idx.msk [tilespmem:v8+s3+$0x0], $0xffff;
	[tilespmem:s31+$0x16100] =	vst v9  }
0x249: {  	v8 =	vadd.s32 $0xB000, v5;
	v9 =	vld.idx.msk [tilespmem:v10+s3+$0x0], $0xffff  }
0x24a: {  	v10 =	vadd.s32 $0xB000, v6;
	_ =	sdelay $0x1  }
0x24b: {  	[tilespmem:s28+$0x16180] =	vst v2  }
0x24c: {  	v2 =	vld.idx.msk [tilespmem:v3+s3+$0x0], $0xffff;
	[tilespmem:s30+$0x16180] =	vst v7  }
0x24d: {  	v3 =	vadd.s32 $0xB400, v4;
	v7 =	vld.idx.msk [tilespmem:v8+s3+$0x0], $0xffff;
	[tilespmem:s31+$0x16180] =	vst v9  }
0x24e: {  	v8 =	vadd.s32 $0xB400, v5;
	v9 =	vld.idx.msk [tilespmem:v10+s3+$0x0], $0xffff  }
0x24f: {  	v10 =	vadd.s32 $0xB400, v6;
	_ =	sdelay $0x1  }
0x250: {  	[tilespmem:s28+$0x16200] =	vst v2  }
0x251: {  	v2 =	vld.idx.msk [tilespmem:v3+s3+$0x0], $0xffff;
	[tilespmem:s30+$0x16200] =	vst v7  }
0x252: {  	v3 =	vadd.s32 $0xB800, v4;
	v7 =	vld.idx.msk [tilespmem:v8+s3+$0x0], $0xffff;
	[tilespmem:s31+$0x16200] =	vst v9  }
0x253: {  	v8 =	vadd.s32 $0xB800, v5;
	v9 =	vld.idx.msk [tilespmem:v10+s3+$0x0], $0xffff  }
0x254: {  	v10 =	vadd.s32 $0xB800, v6;
	_ =	sdelay $0x1  }
0x255: {  	[tilespmem:s28+$0x16280] =	vst v2  }
0x256: {  	v2 =	vld.idx.msk [tilespmem:v3+s3+$0x0], $0xffff;
	[tilespmem:s30+$0x16280] =	vst v7  }
0x257: {  	v3 =	vadd.s32 $0xBC00, v4;
	v7 =	vld.idx.msk [tilespmem:v8+s3+$0x0], $0xffff;
	[tilespmem:s31+$0x16280] =	vst v9  }
0x258: {  	v8 =	vadd.s32 $0xBC00, v5;
	v9 =	vld.idx.msk [tilespmem:v10+s3+$0x0], $0xffff  }
0x259: {  	v10 =	vadd.s32 $0xBC00, v6;
	_ =	sdelay $0x1  }
0x25a: {  	[tilespmem:s28+$0x16300] =	vst v2  }
0x25b: {  	v2 =	vld.idx.msk [tilespmem:v3+s3+$0x0], $0xffff;
	[tilespmem:s30+$0x16300] =	vst v7  }
0x25c: {  	v3 =	vadd.s32 $0xC000, v4;
	v7 =	vld.idx.msk [tilespmem:v8+s3+$0x0], $0xffff;
	[tilespmem:s31+$0x16300] =	vst v9  }
0x25d: {  	v8 =	vadd.s32 $0xC000, v5;
	v9 =	vld.idx.msk [tilespmem:v10+s3+$0x0], $0xffff  }
0x25e: {  	v10 =	vadd.s32 $0xC000, v6;
	_ =	sdelay $0x1  }
0x25f: {  	[tilespmem:s28+$0x16380] =	vst v2  }
0x260: {  	v0 =	vadd.s32 $0xC400, v0;
	v2 =	vld.idx.msk [tilespmem:v3+s3+$0x0], $0xffff;
	[tilespmem:s30+$0x16380] =	vst v7  }
0x261: {  	v3 =	vadd.s32 $0xC400, v4;
	v4 =	vld.idx.msk [tilespmem:v8+s3+$0x0], $0xffff;
	[tilespmem:s31+$0x16380] =	vst v9  }
0x262: {  	v5 =	vadd.s32 $0xC400, v5;
	v7 =	vld.idx.msk [tilespmem:v10+s3+$0x0], $0xffff  }
0x263: {  	v6 =	vadd.s32 $0xC400, v6  }
0x264: {  	[tilespmem:s24+$0x16800] =	vst v1  }
0x265: {  	v0 =	vld.idx.msk [tilespmem:v0+s3+$0x0], $0xffff;
	[tilespmem:s28+$0x16800] =	vst v2  }
0x266: {  	v1 =	vld.idx.msk [tilespmem:v3+s3+$0x0], $0xffff;
	[tilespmem:s30+$0x16800] =	vst v4  }
0x267: {  	v2 =	vld.idx.msk [tilespmem:v5+s3+$0x0], $0xffff;
	[tilespmem:s31+$0x16800] =	vst v7  }
0x268: {  	v3 =	vld.idx.msk [tilespmem:v6+s3+$0x0], $0xffff;
	_ =	sdelay $0x1  }
0x269: {  	s23 =	smul.u32 $0xE0000, s20;
	[tilespmem:s24+$0x16880] =	vst v0  }
0x26a: {  	[tilespmem:s28+$0x16880] =	vst v1  }
0x26b: {  	s17 =	sshrl.u32 s23, $0x3;
	[tilespmem:s30+$0x16880] =	vst v2  }
0x26c: {  	s18 =	simm.s32 $0x0;
	s0 =	sadd.s32 s17, s6;
	[tilespmem:s31+$0x16880] =	vst v3  }
0x26d: {  	[hbm4b:s0+s14] =	stream.strided.scatter [tilespmem:s15], [sflag:$0x2], $0x3800, s10, s14, $0x38;
	[tilespmem:$0x1A800] =	vst v63  }
0x26e: {  	s24 =	sand.u32 $0x400, s18;
	s0 =	simm.s32 @!p0 $0x3  }
0x26f: {  	s25 =	sadd.s32 s24, s22;
	_ =	swait.ge @!p0 [sflag:s0], $0x3800  }
0x270: {  	s8 =	sand.u32 $0x70, s18;
	s5 =	sadd.s32 s21, s25;
	[sflag:s0] =	ssyncset.done @!p0 $0x0  }
0x271: {  	s26 =	sadd.s32 s8, s5;
	[sflag:s0] =	ssyncadd.s32 @!p0 $0xFFFFC800  }
0x272: {  	v7 =	vld [tilespmem:s26+$0x800];
	_ =	sdelay $0x7  }
0x273: {  	v0 =	vld.idx.msk [tilespmem:v7+s3+$0x0], $0xffff  }
0x274: {  	v1 =	vadd.s32 $0x400, v7;
	_ =	sdelay $0x2  }
0x275: {  	s29 =	sor.u32 s8, s24  }
0x276: {  	[tilespmem:s29+$0x17000] =	vst v0  }
0x277: {  	v0 =	vld.idx.msk [tilespmem:v1+s3+$0x0], $0xffff  }
0x278: {  	v1 =	vadd.s32 $0x800, v7;
	_ =	sdelay $0x3  }
0x279: {  	[tilespmem:s29+$0x17080] =	vst v0  }
0x27a: {  	v0 =	vld.idx.msk [tilespmem:v1+s3+$0x0], $0xffff  }
0x27b: {  	v1 =	vadd.s32 $0xC00, v7;
	_ =	sdelay $0x3  }
0x27c: {  	[tilespmem:s29+$0x17100] =	vst v0  }
0x27d: {  	v0 =	vld.idx.msk [tilespmem:v1+s3+$0x0], $0xffff  }
0x27e: {  	v1 =	vadd.s32 $0x1000, v7;
	_ =	sdelay $0x3  }
0x27f: {  	[tilespmem:s29+$0x17180] =	vst v0  }
0x280: {  	v0 =	vld.idx.msk [tilespmem:v1+s3+$0x0], $0xffff  }
0x281: {  	v1 =	vadd.s32 $0x1400, v7;
	_ =	sdelay $0x3  }
0x282: {  	[tilespmem:s29+$0x17200] =	vst v0  }
0x283: {  	s2 =	simm.s32 $0x80;
	v0 =	vld.idx.msk [tilespmem:v1+s3+$0x0], $0xffff  }
0x284: {  	s11 =	sand.u32 $0x400, s2;
	v1 =	vadd.s32 $0x1800, v7  }
0x285: {  	s12 =	simm.s32 $0x10;
	s25 =	sadd.s32 s11, s22  }
0x286: {  	s8 =	sadd.s32 s21, s25;
	s26 =	sand.u32 $0x70, s12  }
0x287: {  	s8 =	sadd.s32 s26, s8  }
0x288: {  	v2 =	vld [tilespmem:s8+$0x800];
	[tilespmem:s29+$0x17280] =	vst v0  }
0x289: {  	v0 =	vld.idx.msk [tilespmem:v1+s3+$0x0], $0xffff  }
0x28a: {  	v1 =	vadd.s32 $0x1C00, v7;
	_ =	sdelay $0x3  }
0x28b: {  	[tilespmem:s29+$0x17300] =	vst v0  }
0x28c: {  	v0 =	vld.idx.msk [tilespmem:v1+s3+$0x0], $0xffff  }
0x28d: {  	v3 =	vld.idx.msk [tilespmem:v2+s3+$0x0], $0xffff;
	v1 =	vadd.s32 $0x2000, v7  }
0x28e: {  	v4 =	vadd.s32 $0x400, v2  }
0x28f: {  	s4 =	sor.u32 s18, s18  }
0x290: {  	s4 =	sor.u32 $0x380, s4  }
0x291: {  	s26 =	sor.u32 s26, s11;
	[tilespmem:s4+$0x17000] =	vst v0  }
0x292: {  	[tilespmem:s26+$0x17000] =	vst v3;
	v0 =	vld.idx.msk [tilespmem:v1+s3+$0x0], $0xffff  }
0x293: {  	v3 =	vld.idx.msk [tilespmem:v4+s3+$0x0], $0xffff;
	v1 =	vadd.s32 $0x2400, v7  }
0x294: {  	v4 =	vadd.s32 $0x800, v2;
	_ =	sdelay $0x2  }
0x295: {  	[tilespmem:s29+$0x17800] =	vst v0  }
0x296: {  	[tilespmem:s26+$0x17080] =	vst v3;
	v0 =	vld.idx.msk [tilespmem:v1+s3+$0x0], $0xffff  }
0x297: {  	v3 =	vld.idx.msk [tilespmem:v4+s3+$0x0], $0xffff;
	v1 =	vadd.s32 $0x2800, v7  }
0x298: {  	v4 =	vadd.s32 $0xC00, v2;
	_ =	sdelay $0x2  }
0x299: {  	[tilespmem:s29+$0x17880] =	vst v0  }
0x29a: {  	[tilespmem:s26+$0x17100] =	vst v3;
	v0 =	vld.idx.msk [tilespmem:v1+s3+$0x0], $0xffff  }
0x29b: {  	v3 =	vld.idx.msk [tilespmem:v4+s3+$0x0], $0xffff;
	v1 =	vadd.s32 $0x2C00, v7  }
0x29c: {  	v4 =	vadd.s32 $0x1000, v2;
	_ =	sdelay $0x2  }
0x29d: {  	[tilespmem:s29+$0x17900] =	vst v0  }
0x29e: {  	[tilespmem:s26+$0x17180] =	vst v3;
	v0 =	vld.idx.msk [tilespmem:v1+s3+$0x0], $0xffff  }
0x29f: {  	v3 =	vld.idx.msk [tilespmem:v4+s3+$0x0], $0xffff;
	v1 =	vadd.s32 $0x3000, v7  }
0x2a0: {  	v4 =	vadd.s32 $0x1400, v2;
	_ =	sdelay $0x2  }
0x2a1: {  	[tilespmem:s29+$0x17980] =	vst v0  }
0x2a2: {  	[tilespmem:s26+$0x17200] =	vst v3;
	v0 =	vld.idx.msk [tilespmem:v1+s3+$0x0], $0xffff  }
0x2a3: {  	v3 =	vld.idx.msk [tilespmem:v4+s3+$0x0], $0xffff;
	v1 =	vadd.s32 $0x3400, v7  }
0x2a4: {  	v4 =	vadd.s32 $0x1800, v2  }
0x2a5: {  	s5 =	simm.s32 $0x100  }
0x2a6: {  	s13 =	sand.u32 $0x400, s5  }
0x2a7: {  	s17 =	simm.s32 $0x20;
	s18 =	sadd.s32 s13, s22;
	[tilespmem:s29+$0x17A00] =	vst v0  }
0x2a8: {  	s24 =	sand.u32 $0x70, s17;
	s9 =	sadd.s32 s21, s18;
	[tilespmem:s26+$0x17280] =	vst v3;
	v1 =	vld.idx.msk [tilespmem:v1+s3+$0x0], $0xffff  }
0x2a9: {  	s9 =	sadd.s32 s24, s9;
	v3 =	vadd.s32 $0x3800, v7;
	v4 =	vld.idx.msk [tilespmem:v4+s3+$0x0], $0xffff  }
0x2aa: {  	v0 =	vld [tilespmem:s9+$0x800]  }
0x2ab: {  	v5 =	vadd.s32 $0x1C00, v2;
	_ =	sdelay $0x1  }
0x2ac: {  	[tilespmem:s29+$0x17A80] =	vst v1  }
0x2ad: {  	v1 =	vld.idx.msk [tilespmem:v3+s3+$0x0], $0xffff  }
0x2ae: {  	[tilespmem:s26+$0x17300] =	vst v4;
	v3 =	vadd.s32 $0x3C00, v7  }
0x2af: {  	v4 =	vld.idx.msk [tilespmem:v5+s3+$0x0], $0xffff  }
0x2b0: {  	v5 =	vadd.s32 $0x2000, v2  }
0x2b1: {  	v6 =	vld.idx.msk [tilespmem:v0+s3+$0x0], $0xffff  }
0x2b2: {  	s0 =	sor.u32 s2, s12;
	v8 =	vadd.s32 $0x400, v0;
	[tilespmem:s29+$0x17B00] =	vst v1  }
0x2b3: {  	s0 =	sor.u32 $0x380, s0;
	v1 =	vld.idx.msk [tilespmem:v3+s3+$0x0], $0xffff  }
0x2b4: {  	[tilespmem:s0+$0x17000] =	vst v4;
	v3 =	vadd.s32 $0x4000, v7  }
0x2b5: {  	s24 =	sor.u32 s24, s13;
	v4 =	vld.idx.msk [tilespmem:v5+s3+$0x0], $0xffff  }
0x2b6: {  	v5 =	vadd.s32 $0x2400, v2;
	[tilespmem:s24+$0x17000] =	vst v6  }
0x2b7: {  	v6 =	vld.idx.msk [tilespmem:v8+s3+$0x0], $0xffff  }
0x2b8: {  	v8 =	vadd.s32 $0x800, v0;
	[tilespmem:s29+$0x17B80] =	vst v1  }
0x2b9: {  	v1 =	vld.idx.msk [tilespmem:v3+s3+$0x0], $0xffff  }
0x2ba: {  	[tilespmem:s26+$0x17800] =	vst v4;
	v3 =	vadd.s32 $0x4400, v7  }
0x2bb: {  	v4 =	vld.idx.msk [tilespmem:v5+s3+$0x0], $0xffff  }
0x2bc: {  	v5 =	vadd.s32 $0x2800, v2;
	[tilespmem:s24+$0x17080] =	vst v6  }
0x2bd: {  	v6 =	vld.idx.msk [tilespmem:v8+s3+$0x0], $0xffff  }
0x2be: {  	v8 =	vadd.s32 $0xC00, v0;
	[tilespmem:s29+$0x18000] =	vst v1  }
0x2bf: {  	v1 =	vld.idx.msk [tilespmem:v3+s3+$0x0], $0xffff  }
0x2c0: {  	[tilespmem:s26+$0x17880] =	vst v4;
	v3 =	vadd.s32 $0x4800, v7  }
0x2c1: {  	v4 =	vld.idx.msk [tilespmem:v5+s3+$0x0], $0xffff  }
0x2c2: {  	v5 =	vadd.s32 $0x2C00, v2;
	[tilespmem:s24+$0x17100] =	vst v6  }
0x2c3: {  	v6 =	vld.idx.msk [tilespmem:v8+s3+$0x0], $0xffff  }
0x2c4: {  	v8 =	vadd.s32 $0x1000, v0;
	[tilespmem:s29+$0x18080] =	vst v1  }
0x2c5: {  	v1 =	vld.idx.msk [tilespmem:v3+s3+$0x0], $0xffff  }
0x2c6: {  	[tilespmem:s26+$0x17900] =	vst v4;
	v3 =	vadd.s32 $0x4C00, v7  }
0x2c7: {  	v4 =	vld.idx.msk [tilespmem:v5+s3+$0x0], $0xffff  }
0x2c8: {  	v5 =	vadd.s32 $0x3000, v2;
	[tilespmem:s24+$0x17180] =	vst v6  }
0x2c9: {  	v6 =	vld.idx.msk [tilespmem:v8+s3+$0x0], $0xffff  }
0x2ca: {  	v8 =	vadd.s32 $0x1400, v0;
	[tilespmem:s29+$0x18100] =	vst v1  }
0x2cb: {  	v1 =	vld.idx.msk [tilespmem:v3+s3+$0x0], $0xffff  }
0x2cc: {  	[tilespmem:s26+$0x17980] =	vst v4;
	v3 =	vadd.s32 $0x5000, v7  }
0x2cd: {  	v4 =	vld.idx.msk [tilespmem:v5+s3+$0x0], $0xffff  }
0x2ce: {  	v5 =	vadd.s32 $0x3400, v2;
	[tilespmem:s24+$0x17200] =	vst v6  }
0x2cf: {  	s0 =	simm.s32 $0x180;
	v6 =	vld.idx.msk [tilespmem:v8+s3+$0x0], $0xffff  }
0x2d0: {  	s25 =	sand.u32 $0x400, s0;
	v8 =	vadd.s32 $0x1800, v0;
	[tilespmem:s29+$0x18180] =	vst v1  }
0x2d1: {  	s2 =	simm.s32 $0x30;
	s11 =	sadd.s32 s25, s22;
	v3 =	vld.idx.msk [tilespmem:v3+s3+$0x0], $0xffff  }
0x2d2: {  	s12 =	sand.u32 $0x70, s2;
	s9 =	sadd.s32 s21, s11;
	[tilespmem:s26+$0x17A00] =	vst v4;
	v4 =	vadd.s32 $0x5400, v7  }
0x2d3: {  	s9 =	sadd.s32 s12, s9;
	v5 =	vld.idx.msk [tilespmem:v5+s3+$0x0], $0xffff  }
0x2d4: {  	v1 =	vld [tilespmem:s9+$0x800];
	[tilespmem:s24+$0x17280] =	vst v6;
	v6 =	vadd.s32 $0x3800, v2  }
0x2d5: {  	v8 =	vld.idx.msk [tilespmem:v8+s3+$0x0], $0xffff  }
0x2d6: {  	v9 =	vadd.s32 $0x1C00, v0;
	[tilespmem:s29+$0x18200] =	vst v3  }
0x2d7: {  	v3 =	vld.idx.msk [tilespmem:v4+s3+$0x0], $0xffff  }
0x2d8: {  	[tilespmem:s26+$0x17A80] =	vst v5;
	v4 =	vadd.s32 $0x5800, v7  }
0x2d9: {  	v5 =	vld.idx.msk [tilespmem:v6+s3+$0x0], $0xffff  }
0x2da: {  	v6 =	vadd.s32 $0x3C00, v2;
	[tilespmem:s24+$0x17300] =	vst v8  }
0x2db: {  	v8 =	vld.idx.msk [tilespmem:v9+s3+$0x0], $0xffff  }
0x2dc: {  	v10 =	vadd.s32 $0x2000, v0;
	v9 =	vld.idx.msk [tilespmem:v1+s3+$0x0], $0xffff;
	[tilespmem:s29+$0x18280] =	vst v3  }
0x2dd: {  	v3 =	vld.idx.msk [tilespmem:v4+s3+$0x0], $0xffff;
	v4 =	vadd.s32 $0x400, v1  }
0x2de: {  	s4 =	sor.u32 s5, s17;
	[tilespmem:s26+$0x17B00] =	vst v5;
	v5 =	vadd.s32 $0x5C00, v7  }
0x2df: {  	s4 =	sor.u32 $0x380, s4;
	v6 =	vld.idx.msk [tilespmem:v6+s3+$0x0], $0xffff  }
0x2e0: {  	s25 =	sor.u32 s12, s25;
	[tilespmem:s4+$0x17000] =	vst v8;
	v8 =	vadd.s32 $0x4000, v2  }
0x2e1: {  	[tilespmem:s25+$0x17000] =	vst v9;
	v10 =	vld.idx.msk [tilespmem:v10+s3+$0x0], $0xffff  }
0x2e2: {  	v9 =	vadd.s32 $0x2400, v0;
	v4 =	vld.idx.msk [tilespmem:v4+s3+$0x0], $0xffff;
	[tilespmem:s29+$0x18300] =	vst v3  }
0x2e3: {  	v3 =	vld.idx.msk [tilespmem:v5+s3+$0x0], $0xffff;
	v5 =	vadd.s32 $0x800, v1  }
0x2e4: {  	[tilespmem:s26+$0x17B80] =	vst v6;
	v6 =	vadd.s32 $0x6000, v7  }
0x2e5: {  	v8 =	vld.idx.msk [tilespmem:v8+s3+$0x0], $0xffff  }
0x2e6: {  	[tilespmem:s24+$0x17800] =	vst v10;
	v10 =	vadd.s32 $0x4400, v2  }
0x2e7: {  	v9 =	vld.idx.msk [tilespmem:v9+s3+$0x0], $0xffff;
	[tilespmem:s25+$0x17080] =	vst v4  }
0x2e8: {  	v4 =	vld.idx.msk [tilespmem:v5+s3+$0x0], $0xffff;
	v5 =	vadd.s32 $0x2800, v0;
	[tilespmem:s29+$0x18380] =	vst v3  }
0x2e9: {  	v3 =	vld.idx.msk [tilespmem:v6+s3+$0x0], $0xffff;
	v6 =	vadd.s32 $0xC00, v1  }
0x2ea: {  	[tilespmem:s26+$0x18000] =	vst v8;
	v8 =	vadd.s32 $0x6400, v7  }
0x2eb: {  	v10 =	vld.idx.msk [tilespmem:v10+s3+$0x0], $0xffff  }
0x2ec: {  	[tilespmem:s24+$0x17880] =	vst v9;
	v9 =	vadd.s32 $0x4800, v2  }
0x2ed: {  	v5 =	vld.idx.msk [tilespmem:v5+s3+$0x0], $0xffff;
	[tilespmem:s25+$0x17100] =	vst v4  }
0x2ee: {  	v4 =	vld.idx.msk [tilespmem:v6+s3+$0x0], $0xffff;
	v6 =	vadd.s32 $0x2C00, v0;
	[tilespmem:s29+$0x18800] =	vst v3  }
0x2ef: {  	v3 =	vld.idx.msk [tilespmem:v8+s3+$0x0], $0xffff;
	v8 =	vadd.s32 $0x1000, v1  }
0x2f0: {  	[tilespmem:s26+$0x18080] =	vst v10;
	v10 =	vadd.s32 $0x6800, v7  }
0x2f1: {  	v9 =	vld.idx.msk [tilespmem:v9+s3+$0x0], $0xffff  }
0x2f2: {  	[tilespmem:s24+$0x17900] =	vst v5;
	v5 =	vadd.s32 $0x4C00, v2  }
0x2f3: {  	v6 =	vld.idx.msk [tilespmem:v6+s3+$0x0], $0xffff;
	[tilespmem:s25+$0x17180] =	vst v4  }
0x2f4: {  	v4 =	vld.idx.msk [tilespmem:v8+s3+$0x0], $0xffff;
	v8 =	vadd.s32 $0x3000, v0;
	[tilespmem:s29+$0x18880] =	vst v3  }
0x2f5: {  	v3 =	vld.idx.msk [tilespmem:v10+s3+$0x0], $0xffff;
	v10 =	vadd.s32 $0x1400, v1  }
0x2f6: {  	[tilespmem:s26+$0x18100] =	vst v9;
	v9 =	vadd.s32 $0x6C00, v7  }
0x2f7: {  	s4 =	simm.s32 $0x200;
	v5 =	vld.idx.msk [tilespmem:v5+s3+$0x0], $0xffff  }
0x2f8: {  	s13 =	sand.u32 $0x400, s4;
	[tilespmem:s24+$0x17980] =	vst v6;
	v6 =	vadd.s32 $0x5000, v2  }
0x2f9: {  	s5 =	simm.s32 $0x40;
	s17 =	sadd.s32 s13, s22;
	v8 =	vld.idx.msk [tilespmem:v8+s3+$0x0], $0xffff;
	[tilespmem:s25+$0x17200] =	vst v4  }
0x2fa: {  	s18 =	sand.u32 $0x70, s5;
	s9 =	sadd.s32 s21, s17;
	v4 =	vld.idx.msk [tilespmem:v10+s3+$0x0], $0xffff;
	v10 =	vadd.s32 $0x3400, v0;
	[tilespmem:s29+$0x18900] =	vst v3  }
0x2fb: {  	v11 =	vadd.s32 $0x1800, v1;
	s9 =	sadd.s32 s18, s9;
	v9 =	vld.idx.msk [tilespmem:v9+s3+$0x0], $0xffff  }
0x2fc: {  	v3 =	vld [tilespmem:s9+$0x800];
	[tilespmem:s26+$0x18180] =	vst v5;
	v5 =	vadd.s32 $0x7000, v7  }
0x2fd: {  	v6 =	vld.idx.msk [tilespmem:v6+s3+$0x0], $0xffff  }
0x2fe: {  	[tilespmem:s24+$0x17A00] =	vst v8;
	v8 =	vadd.s32 $0x5400, v2  }
0x2ff: {  	v10 =	vld.idx.msk [tilespmem:v10+s3+$0x0], $0xffff;
	[tilespmem:s25+$0x17280] =	vst v4  }
0x300: {  	v4 =	vld.idx.msk [tilespmem:v11+s3+$0x0], $0xffff;
	v11 =	vadd.s32 $0x3800, v0;
	[tilespmem:s29+$0x18980] =	vst v9  }
0x301: {  	v9 =	vadd.s32 $0x1C00, v1;
	v5 =	vld.idx.msk [tilespmem:v5+s3+$0x0], $0xffff  }
0x302: {  	[tilespmem:s26+$0x18200] =	vst v6;
	v6 =	vadd.s32 $0x7400, v7  }
0x303: {  	v8 =	vld.idx.msk [tilespmem:v8+s3+$0x0], $0xffff  }
0x304: {  	v12 =	vld.idx.msk [tilespmem:v3+s3+$0x0], $0xffff;
	[tilespmem:s24+$0x17A80] =	vst v10;
	v10 =	vadd.s32 $0x5800, v2  }
0x305: {  	v13 =	vadd.s32 $0x400, v3;
	v11 =	vld.idx.msk [tilespmem:v11+s3+$0x0], $0xffff;
	[tilespmem:s25+$0x17300] =	vst v4  }
0x306: {  	v4 =	vld.idx.msk [tilespmem:v9+s3+$0x0], $0xffff;
	v9 =	vadd.s32 $0x3C00, v0;
	[tilespmem:s29+$0x18A00] =	vst v5  }
0x307: {  	v5 =	vld.idx.msk [tilespmem:v6+s3+$0x0], $0xffff;
	v6 =	vadd.s32 $0x2000, v1  }
0x308: {  	s28 =	sor.u32 s18, s13;
	[tilespmem:s26+$0x18280] =	vst v8;
	v8 =	vadd.s32 $0x7800, v7  }
0x309: {  	s0 =	sor.u32 s0, s2;
	[tilespmem:s28+$0x17000] =	vst v12;
	v10 =	vld.idx.msk [tilespmem:v10+s3+$0x0], $0xffff  }
0x30a: {  	s0 =	sor.u32 $0x380, s0;
	v12 =	vld.idx.msk [tilespmem:v13+s3+$0x0], $0xffff;
	[tilespmem:s24+$0x17B00] =	vst v11;
	v11 =	vadd.s32 $0x5C00, v2  }
0x30b: {  	v13 =	vadd.s32 $0x800, v3;
	v9 =	vld.idx.msk [tilespmem:v9+s3+$0x0], $0xffff;
	[tilespmem:s0+$0x17000] =	vst v4  }
0x30c: {  	v4 =	vld.idx.msk [tilespmem:v6+s3+$0x0], $0xffff;
	v6 =	vadd.s32 $0x4000, v0;
	[tilespmem:s29+$0x18A80] =	vst v5  }
0x30d: {  	v5 =	vld.idx.msk [tilespmem:v8+s3+$0x0], $0xffff;
	v8 =	vadd.s32 $0x2400, v1  }
0x30e: {  	[tilespmem:s26+$0x18300] =	vst v10;
	v10 =	vadd.s32 $0x7C00, v7  }
0x30f: {  	[tilespmem:s28+$0x17080] =	vst v12;
	v11 =	vld.idx.msk [tilespmem:v11+s3+$0x0], $0xffff  }
0x310: {  	v12 =	vld.idx.msk [tilespmem:v13+s3+$0x0], $0xffff;
	[tilespmem:s24+$0x17B80] =	vst v9;
	v9 =	vadd.s32 $0x6000, v2  }
0x311: {  	v13 =	vadd.s32 $0xC00, v3;
	v6 =	vld.idx.msk [tilespmem:v6+s3+$0x0], $0xffff;
	[tilespmem:s25+$0x17800] =	vst v4  }
0x312: {  	v4 =	vld.idx.msk [tilespmem:v8+s3+$0x0], $0xffff;
	v8 =	vadd.s32 $0x4400, v0;
	[tilespmem:s29+$0x18B00] =	vst v5  }
0x313: {  	v5 =	vld.idx.msk [tilespmem:v10+s3+$0x0], $0xffff;
	v10 =	vadd.s32 $0x2800, v1  }
0x314: {  	[tilespmem:s26+$0x18380] =	vst v11;
	v11 =	vadd.s32 $0x8000, v7  }
0x315: {  	[tilespmem:s28+$0x17100] =	vst v12;
	v9 =	vld.idx.msk [tilespmem:v9+s3+$0x0], $0xffff  }
0x316: {  	v12 =	vld.idx.msk [tilespmem:v13+s3+$0x0], $0xffff;
	[tilespmem:s24+$0x18000] =	vst v6;
	v6 =	vadd.s32 $0x6400, v2  }
0x317: {  	v13 =	vadd.s32 $0x1000, v3;
	v8 =	vld.idx.msk [tilespmem:v8+s3+$0x0], $0xffff;
	[tilespmem:s25+$0x17880] =	vst v4  }
0x318: {  	v4 =	vld.idx.msk [tilespmem:v10+s3+$0x0], $0xffff;
	v10 =	vadd.s32 $0x4800, v0;
	[tilespmem:s29+$0x18B80] =	vst v5  }
0x319: {  	v5 =	vld.idx.msk [tilespmem:v11+s3+$0x0], $0xffff;
	v11 =	vadd.s32 $0x2C00, v1  }
0x31a: {  	[tilespmem:s26+$0x18800] =	vst v9;
	v9 =	vadd.s32 $0x8400, v7  }
0x31b: {  	[tilespmem:s28+$0x17180] =	vst v12;
	v6 =	vld.idx.msk [tilespmem:v6+s3+$0x0], $0xffff  }
0x31c: {  	v12 =	vld.idx.msk [tilespmem:v13+s3+$0x0], $0xffff;
	[tilespmem:s24+$0x18080] =	vst v8;
	v8 =	vadd.s32 $0x6800, v2  }
0x31d: {  	v13 =	vadd.s32 $0x1400, v3;
	v10 =	vld.idx.msk [tilespmem:v10+s3+$0x0], $0xffff;
	[tilespmem:s25+$0x17900] =	vst v4  }
0x31e: {  	v4 =	vld.idx.msk [tilespmem:v11+s3+$0x0], $0xffff;
	v11 =	vadd.s32 $0x4C00, v0;
	[tilespmem:s29+$0x19000] =	vst v5  }
0x31f: {  	v5 =	vld.idx.msk [tilespmem:v9+s3+$0x0], $0xffff;
	v9 =	vadd.s32 $0x3000, v1  }
0x320: {  	[tilespmem:s26+$0x18880] =	vst v6;
	v6 =	vadd.s32 $0x8800, v7  }
0x321: {  	s8 =	simm.s32 $0x280;
	[tilespmem:s28+$0x17200] =	vst v12;
	v8 =	vld.idx.msk [tilespmem:v8+s3+$0x0], $0xffff  }
0x322: {  	s11 =	sand.u32 $0x400, s8;
	v12 =	vld.idx.msk [tilespmem:v13+s3+$0x0], $0xffff;
	[tilespmem:s24+$0x18100] =	vst v10;
	v10 =	vadd.s32 $0x6C00, v2  }
0x323: {  	s12 =	simm.s32 $0x50;
	s17 =	sadd.s32 s11, s22;
	v11 =	vld.idx.msk [tilespmem:v11+s3+$0x0], $0xffff;
	[tilespmem:s25+$0x17980] =	vst v4  }
0x324: {  	v14 =	vadd.s32 $0x5000, v0;
	s18 =	sand.u32 $0x70, s12;
	s0 =	sadd.s32 s21, s17;
	v9 =	vld.idx.msk [tilespmem:v9+s3+$0x0], $0xffff;
	[tilespmem:s29+$0x19080] =	vst v5  }
0x325: {  	s0 =	sadd.s32 s18, s0;
	v5 =	vld.idx.msk [tilespmem:v6+s3+$0x0], $0xffff;
	v6 =	vadd.s32 $0x3400, v1  }
0x326: {  	v4 =	vld [tilespmem:s0+$0x800];
	[tilespmem:s26+$0x18900] =	vst v8;
	v8 =	vadd.s32 $0x8C00, v7  }
0x327: {  	v13 =	vadd.s32 $0x1800, v3;
	v10 =	vld.idx.msk [tilespmem:v10+s3+$0x0], $0xffff  }
0x328: {  	[tilespmem:s24+$0x18180] =	vst v11;
	v11 =	vadd.s32 $0x7000, v2  }
0x329: {  	v14 =	vld.idx.msk [tilespmem:v14+s3+$0x0], $0xffff;
	[tilespmem:s25+$0x17A00] =	vst v9  }
0x32a: {  	v9 =	vadd.s32 $0x5400, v0;
	v6 =	vld.idx.msk [tilespmem:v6+s3+$0x0], $0xffff;
	[tilespmem:s29+$0x19100] =	vst v5  }
0x32b: {  	[tilespmem:s28+$0x17280] =	vst v12;
	v12 =	vadd.s32 $0x3800, v1;
	v8 =	vld.idx.msk [tilespmem:v8+s3+$0x0], $0xffff  }
0x32c: {  	v13 =	vld.idx.msk [tilespmem:v13+s3+$0x0], $0xffff;
	[tilespmem:s26+$0x18980] =	vst v10;
	v10 =	vadd.s32 $0x9000, v7  }
0x32d: {  	v15 =	vadd.s32 $0x1C00, v3;
	v11 =	vld.idx.msk [tilespmem:v11+s3+$0x0], $0xffff  }
0x32e: {  	v16 =	vld.idx.msk [tilespmem:v4+s3+$0x0], $0xffff;
	[tilespmem:s24+$0x18200] =	vst v14;
	v14 =	vadd.s32 $0x7400, v2  }
0x32f: {  	v17 =	vadd.s32 $0x400, v4;
	v9 =	vld.idx.msk [tilespmem:v9+s3+$0x0], $0xffff;
	[tilespmem:s25+$0x17A80] =	vst v6  }
0x330: {  	v6 =	vld.idx.msk [tilespmem:v12+s3+$0x0], $0xffff;
	v12 =	vadd.s32 $0x5800, v0;
	[tilespmem:s29+$0x19180] =	vst v8  }
0x331: {  	[tilespmem:s28+$0x17300] =	vst v13;
	v8 =	vld.idx.msk [tilespmem:v10+s3+$0x0], $0xffff;
	v10 =	vadd.s32 $0x3C00, v1  }
0x332: {  	s30 =	sor.u32 s18, s11;
	v13 =	vld.idx.msk [tilespmem:v15+s3+$0x0], $0xffff;
	[tilespmem:s26+$0x18A00] =	vst v11;
	v11 =	vadd.s32 $0x9400, v7  }
0x333: {  	v15 =	vadd.s32 $0x2000, v3;
	[tilespmem:s30+$0x17000] =	vst v16;
	v14 =	vld.idx.msk [tilespmem:v14+s3+$0x0], $0xffff  }
0x334: {  	v16 =	vld.idx.msk [tilespmem:v17+s3+$0x0], $0xffff;
	[tilespmem:s24+$0x18280] =	vst v9;
	v9 =	vadd.s32 $0x7800, v2  }
0x335: {  	s4 =	sor.u32 s4, s5;
	v17 =	vadd.s32 $0x800, v4;
	v12 =	vld.idx.msk [tilespmem:v12+s3+$0x0], $0xffff;
	[tilespmem:s25+$0x17B00] =	vst v6  }
0x336: {  	s4 =	sor.u32 $0x380, s4;
	v6 =	vld.idx.msk [tilespmem:v10+s3+$0x0], $0xffff;
	v10 =	vadd.s32 $0x5C00, v0;
	[tilespmem:s29+$0x19200] =	vst v8  }
0x337: {  	[tilespmem:s4+$0x17000] =	vst v13;
	v8 =	vld.idx.msk [tilespmem:v11+s3+$0x0], $0xffff;
	v11 =	vadd.s32 $0x4000, v1  }
0x338: {  	v13 =	vld.idx.msk [tilespmem:v15+s3+$0x0], $0xffff;
	[tilespmem:s26+$0x18A80] =	vst v14;
	v14 =	vadd.s32 $0x9800, v7  }
0x339: {  	v15 =	vadd.s32 $0x2400, v3;
	[tilespmem:s30+$0x17080] =	vst v16;
	v9 =	vld.idx.msk [tilespmem:v9+s3+$0x0], $0xffff  }
0x33a: {  	v16 =	vld.idx.msk [tilespmem:v17+s3+$0x0], $0xffff;
	[tilespmem:s24+$0x18300] =	vst v12;
	v12 =	vadd.s32 $0x7C00, v2  }
0x33b: {  	v17 =	vadd.s32 $0xC00, v4;
	v10 =	vld.idx.msk [tilespmem:v10+s3+$0x0], $0xffff;
	[tilespmem:s25+$0x17B80] =	vst v6  }
0x33c: {  	v6 =	vld.idx.msk [tilespmem:v11+s3+$0x0], $0xffff;
	v11 =	vadd.s32 $0x6000, v0;
	[tilespmem:s29+$0x19280] =	vst v8  }
0x33d: {  	[tilespmem:s28+$0x17800] =	vst v13;
	v13 =	vadd.s32 $0x4400, v1;
	v8 =	vld.idx.msk [tilespmem:v14+s3+$0x0], $0xffff  }
0x33e: {  	v14 =	vld.idx.msk [tilespmem:v15+s3+$0x0], $0xffff;
	[tilespmem:s26+$0x18B00] =	vst v9;
	v9 =	vadd.s32 $0x9C00, v7  }
0x33f: {  	[tilespmem:s30+$0x17100] =	vst v16;
	v15 =	vadd.s32 $0x2800, v3;
	v12 =	vld.idx.msk [tilespmem:v12+s3+$0x0], $0xffff  }
0x340: {  	v16 =	vld.idx.msk [tilespmem:v17+s3+$0x0], $0xffff;
	[tilespmem:s24+$0x18380] =	vst v10;
	v10 =	vadd.s32 $0x8000, v2  }
0x341: {  	v17 =	vadd.s32 $0x1000, v4;
	v11 =	vld.idx.msk [tilespmem:v11+s3+$0x0], $0xffff;
	[tilespmem:s25+$0x18000] =	vst v6  }
0x342: {  	v6 =	vld.idx.msk [tilespmem:v13+s3+$0x0], $0xffff;
	v13 =	vadd.s32 $0x6400, v0;
	[tilespmem:s29+$0x19300] =	vst v8  }
0x343: {  	[tilespmem:s28+$0x17880] =	vst v14;
	v8 =	vld.idx.msk [tilespmem:v9+s3+$0x0], $0xffff;
	v9 =	vadd.s32 $0x4800, v1  }
0x344: {  	v14 =	vld.idx.msk [tilespmem:v15+s3+$0x0], $0xffff;
	[tilespmem:s26+$0x18B80] =	vst v12;
	v12 =	vadd.s32 $0xA000, v7  }
0x345: {  	[tilespmem:s30+$0x17180] =	vst v16;
	v15 =	vadd.s32 $0x2C00, v3;
	v10 =	vld.idx.msk [tilespmem:v10+s3+$0x0], $0xffff  }
0x346: {  	v16 =	vld.idx.msk [tilespmem:v17+s3+$0x0], $0xffff;
	[tilespmem:s24+$0x18800] =	vst v11;
	v11 =	vadd.s32 $0x8400, v2  }
0x347: {  	v17 =	vadd.s32 $0x1400, v4;
	v13 =	vld.idx.msk [tilespmem:v13+s3+$0x0], $0xffff;
	[tilespmem:s25+$0x18080] =	vst v6  }
0x348: {  	v6 =	vld.idx.msk [tilespmem:v9+s3+$0x0], $0xffff;
	v9 =	vadd.s32 $0x6800, v0;
	[tilespmem:s29+$0x19380] =	vst v8  }
0x349: {  	[tilespmem:s28+$0x17900] =	vst v14;
	v8 =	vld.idx.msk [tilespmem:v12+s3+$0x0], $0xffff;
	v12 =	vadd.s32 $0x4C00, v1  }
0x34a: {  	v14 =	vld.idx.msk [tilespmem:v15+s3+$0x0], $0xffff;
	[tilespmem:s26+$0x19000] =	vst v10;
	v10 =	vadd.s32 $0xA400, v7  }
0x34b: {  	[tilespmem:s30+$0x17200] =	vst v16;
	v15 =	vadd.s32 $0x3000, v3;
	v11 =	vld.idx.msk [tilespmem:v11+s3+$0x0], $0xffff  }
0x34c: {  	v16 =	vld.idx.msk [tilespmem:v17+s3+$0x0], $0xffff;
	[tilespmem:s24+$0x18880] =	vst v13;
	v13 =	vadd.s32 $0x8800, v2  }
0x34d: {  	s0 =	simm.s32 $0x300;
	v9 =	vld.idx.msk [tilespmem:v9+s3+$0x0], $0xffff;
	[tilespmem:s25+$0x18100] =	vst v6  }
0x34e: {  	s31 =	sand.u32 $0x400, s0;
	v6 =	vld.idx.msk [tilespmem:v12+s3+$0x0], $0xffff;
	v12 =	vadd.s32 $0x6C00, v0;
	[tilespmem:s29+$0x19800] =	vst v8  }
0x34f: {  	s2 =	simm.s32 $0x60;
	s17 =	sadd.s32 s31, s22;
	[tilespmem:s28+$0x17980] =	vst v14;
	v8 =	vld.idx.msk [tilespmem:v10+s3+$0x0], $0xffff;
	v10 =	vadd.s32 $0x5000, v1  }
0x350: {  	s13 =	sand.u32 $0x70, s2;
	s17 =	sadd.s32 s21, s17;
	v14 =	vld.idx.msk [tilespmem:v15+s3+$0x0], $0xffff;
	[tilespmem:s26+$0x19080] =	vst v11;
	v11 =	vadd.s32 $0xA800, v7  }
0x351: {  	s17 =	sadd.s32 s13, s17;
	[tilespmem:s30+$0x17280] =	vst v16;
	v15 =	vadd.s32 $0x3400, v3;
	v13 =	vld.idx.msk [tilespmem:v13+s3+$0x0], $0xffff  }
0x352: {  	v5 =	vld [tilespmem:s17+$0x800];
	v17 =	vadd.s32 $0x1800, v4;
	[tilespmem:s24+$0x18900] =	vst v9  }
0x353: {  	v9 =	vadd.s32 $0x8C00, v2;
	v12 =	vld.idx.msk [tilespmem:v12+s3+$0x0], $0xffff;
	[tilespmem:s25+$0x18180] =	vst v6  }
0x354: {  	v6 =	vadd.s32 $0x7000, v0;
	v10 =	vld.idx.msk [tilespmem:v10+s3+$0x0], $0xffff;
	[tilespmem:s29+$0x19880] =	vst v8  }
0x355: {  	[tilespmem:s28+$0x17A00] =	vst v14;
	v14 =	vadd.s32 $0x5400, v1;
	v8 =	vld.idx.msk [tilespmem:v11+s3+$0x0], $0xffff  }
0x356: {  	v11 =	vld.idx.msk [tilespmem:v15+s3+$0x0], $0xffff;
	[tilespmem:s26+$0x19100] =	vst v13;
	v13 =	vadd.s32 $0xAC00, v7  }
0x357: {  	v16 =	vadd.s32 $0x3800, v3;
	v15 =	vld.idx.msk [tilespmem:v17+s3+$0x0], $0xffff  }
0x358: {  	v18 =	vadd.s32 $0x1C00, v4;
	v9 =	vld.idx.msk [tilespmem:v9+s3+$0x0], $0xffff;
	[tilespmem:s24+$0x18980] =	vst v12  }
0x359: {  	v12 =	vld.idx.msk [tilespmem:v6+s3+$0x0], $0xffff;
	[tilespmem:s25+$0x18200] =	vst v10  }
0x35a: {  	v17 =	vadd.s32 $0x9000, v2;
	v10 =	vld.idx.msk [tilespmem:v14+s3+$0x0], $0xffff;
	[tilespmem:s29+$0x19900] =	vst v8  }
0x35b: {  	v14 =	vadd.s32 $0x7400, v0;
	[tilespmem:s28+$0x17A80] =	vst v11;
	v8 =	vld.idx.msk [tilespmem:v13+s3+$0x0], $0xffff  }
0x35c: {  	[tilespmem:s30+$0x17300] =	vst v15;
	v11 =	vld.idx.msk [tilespmem:v16+s3+$0x0], $0xffff;
	v13 =	vadd.s32 $0x5800, v1  }
0x35d: {  	v15 =	vadd.s32 $0xB000, v7;
	v16 =	vld.idx.msk [tilespmem:v18+s3+$0x0], $0xffff;
	[tilespmem:s26+$0x19180] =	vst v9  }
0x35e: {  	v19 =	vadd.s32 $0x2000, v4;
	v18 =	vld.idx.msk [tilespmem:v5+s3+$0x0], $0xffff;
	[tilespmem:s24+$0x18A00] =	vst v12  }
0x35f: {  	v9 =	vld.idx.msk [tilespmem:v17+s3+$0x0], $0xffff;
	v17 =	vadd.s32 $0x3C00, v3;
	[tilespmem:s25+$0x18280] =	vst v10  }
0x360: {  	s8 =	sor.u32 s8, s12;
	s9 =	simm.s32 $0x380;
	v12 =	vld.idx.msk [tilespmem:v14+s3+$0x0], $0xffff;
	[tilespmem:s29+$0x19980] =	vst v8  }
0x361: {  	s8 =	sor.u32 $0x380, s8;
	s4 =	sand.u32 $0x400, s9;
	v14 =	vadd.s32 $0x9400, v2;
	v10 =	vld.idx.msk [tilespmem:v13+s3+$0x0], $0xffff;
	[tilespmem:s28+$0x17B00] =	vst v11  }
0x362: {  	s11 =	simm.s32 $0x70;
	s18 =	sadd.s32 s4, s22;
	v13 =	vadd.s32 $0x7800, v0;
	[tilespmem:s8+$0x17000] =	vst v16;
	v11 =	vld.idx.msk [tilespmem:v15+s3+$0x0], $0xffff  }
0x363: {  	s5 =	sand.u32 $0x70, s11;
	s31 =	sor.u32 s13, s31;
	s17 =	sadd.s32 s21, s18;
	v8 =	vadd.s32 $0x400, v5;
	v16 =	vld.idx.msk [tilespmem:v19+s3+$0x0], $0xffff  }
0x364: {  	s17 =	sadd.s32 s5, s17;
	[tilespmem:s31+$0x17000] =	vst v18;
	v15 =	vld.idx.msk [tilespmem:v17+s3+$0x0], $0xffff;
	v17 =	vadd.s32 $0x5C00, v1  }
0x365: {  	v6 =	vld [tilespmem:s17+$0x800];
	v18 =	vadd.s32 $0x2400, v4;
	[tilespmem:s26+$0x19200] =	vst v9  }
0x366: {  	v19 =	vadd.s32 $0x4000, v3;
	v9 =	vld.idx.msk [tilespmem:v14+s3+$0x0], $0xffff;
	[tilespmem:s24+$0x18A80] =	vst v12  }
0x367: {  	v14 =	vadd.s32 $0xB400, v7;
	v12 =	vld.idx.msk [tilespmem:v13+s3+$0x0], $0xffff;
	[tilespmem:s25+$0x18300] =	vst v10  }
0x368: {  	v13 =	vadd.s32 $0x9800, v2;
	v8 =	vld.idx.msk [tilespmem:v8+s3+$0x0], $0xffff;
	[tilespmem:s29+$0x19A00] =	vst v11  }
0x369: {  	v11 =	vadd.s32 $0x800, v5;
	[tilespmem:s30+$0x17800] =	vst v16;
	v10 =	vld.idx.msk [tilespmem:v17+s3+$0x0], $0xffff  }
0x36a: {  	v17 =	vadd.s32 $0x7C00, v0;
	[tilespmem:s28+$0x17B80] =	vst v15;
	v16 =	vld.idx.msk [tilespmem:v18+s3+$0x0], $0xffff  }
0x36b: {  	v15 =	vld.idx.msk [tilespmem:v19+s3+$0x0], $0xffff;
	v19 =	vadd.s32 $0x6000, v1;
	[tilespmem:s26+$0x19280] =	vst v9  }
0x36c: {  	v18 =	vadd.s32 $0x4400, v3;
	v14 =	vld.idx.msk [tilespmem:v14+s3+$0x0], $0xffff;
	[tilespmem:s24+$0x18B00] =	vst v12  }
0x36d: {  	v9 =	vld.idx.msk [tilespmem:v13+s3+$0x0], $0xffff;
	v13 =	vadd.s32 $0xB800, v7;
	[tilespmem:s31+$0x17080] =	vst v8  }
0x36e: {  	v12 =	vadd.s32 $0x9C00, v2;
	v11 =	vld.idx.msk [tilespmem:v11+s3+$0x0], $0xffff;
	[tilespmem:s25+$0x18380] =	vst v10  }
0x36f: {  	v8 =	vld.idx.msk [tilespmem:v17+s3+$0x0], $0xffff;
	v17 =	vadd.s32 $0x2800, v4;
	[tilespmem:s30+$0x17880] =	vst v16  }
0x370: {  	v10 =	vld.idx.msk [tilespmem:v19+s3+$0x0], $0xffff;
	v19 =	vadd.s32 $0x8000, v0;
	[tilespmem:s28+$0x18000] =	vst v15  }
0x371: {  	[tilespmem:s29+$0x19A80] =	vst v14;
	v14 =	vadd.s32 $0xC00, v5;
	v15 =	vld.idx.msk [tilespmem:v18+s3+$0x0], $0xffff  }
0x372: {  	v18 =	vadd.s32 $0x6400, v1;
	v13 =	vld.idx.msk [tilespmem:v13+s3+$0x0], $0xffff;
	[tilespmem:s26+$0x19300] =	vst v9  }
0x373: {  	v9 =	vld.idx.msk [tilespmem:v12+s3+$0x0], $0xffff;
	v12 =	vadd.s32 $0xBC00, v7;
	[tilespmem:s31+$0x17100] =	vst v11  }
0x374: {  	v16 =	vld.idx.msk [tilespmem:v17+s3+$0x0], $0xffff;
	v17 =	vadd.s32 $0x4800, v3;
	[tilespmem:s24+$0x18B80] =	vst v8  }
0x375: {  	v11 =	vadd.s32 $0xA000, v2;
	v8 =	vld.idx.msk [tilespmem:v19+s3+$0x0], $0xffff;
	[tilespmem:s25+$0x18800] =	vst v10  }
0x376: {  	v19 =	vadd.s32 $0x2C00, v4;
	v14 =	vld.idx.msk [tilespmem:v14+s3+$0x0], $0xffff;
	[tilespmem:s28+$0x18080] =	vst v15  }
0x377: {  	v10 =	vld.idx.msk [tilespmem:v18+s3+$0x0], $0xffff;
	v18 =	vadd.s32 $0x8400, v0;
	[tilespmem:s29+$0x19B00] =	vst v13  }
0x378: {  	v13 =	vadd.s32 $0x1000, v5;
	v12 =	vld.idx.msk [tilespmem:v12+s3+$0x0], $0xffff;
	[tilespmem:s26+$0x19380] =	vst v9  }
0x379: {  	v15 =	vld.idx.msk [tilespmem:v17+s3+$0x0], $0xffff;
	v17 =	vadd.s32 $0x6800, v1;
	[tilespmem:s30+$0x17900] =	vst v16  }
0x37a: {  	v9 =	vld.idx.msk [tilespmem:v11+s3+$0x0], $0xffff;
	v11 =	vadd.s32 $0xC000, v7;
	[tilespmem:s24+$0x19000] =	vst v8  }
0x37b: {  	v16 =	vld.idx.msk [tilespmem:v19+s3+$0x0], $0xffff;
	v19 =	vadd.s32 $0x4C00, v3;
	[tilespmem:s31+$0x17180] =	vst v14  }
0x37c: {  	v8 =	vld.idx.msk [tilespmem:v18+s3+$0x0], $0xffff;
	v14 =	vadd.s32 $0xA400, v2;
	[tilespmem:s25+$0x18880] =	vst v10  }
0x37d: {  	v18 =	vadd.s32 $0x3000, v4;
	v13 =	vld.idx.msk [tilespmem:v13+s3+$0x0], $0xffff;
	[tilespmem:s29+$0x19B80] =	vst v12  }
0x37e: {  	v20 =	vadd.s32 $0x1400, v5;
	v10 =	vld.idx.msk [tilespmem:v17+s3+$0x0], $0xffff;
	[tilespmem:s28+$0x18100] =	vst v15  }
0x37f: {  	v17 =	vadd.s32 $0x8800, v0;
	v11 =	vld.idx.msk [tilespmem:v11+s3+$0x0], $0xffff;
	[tilespmem:s26+$0x19800] =	vst v9  }
0x380: {  	v21 =	vadd.s32 $0x6C00, v1;
	v19 =	vld.idx.msk [tilespmem:v19+s3+$0x0], $0xffff;
	[tilespmem:s30+$0x17980] =	vst v16  }
0x381: {  	v16 =	vadd.s32 $0x5000, v3;
	v9 =	vld.idx.msk [tilespmem:v14+s3+$0x0], $0xffff;
	[tilespmem:s24+$0x19080] =	vst v8  }
0x382: {  	v7 =	vadd.s32 $0xC400, v7;
	v18 =	vld.idx.msk [tilespmem:v18+s3+$0x0], $0xffff;
	[tilespmem:s31+$0x17200] =	vst v13  }
0x383: {  	v8 =	vadd.s32 $0xA800, v2;
	v15 =	vld.idx.msk [tilespmem:v20+s3+$0x0], $0xffff;
	[tilespmem:s25+$0x18900] =	vst v10  }
0x384: {  	v14 =	vadd.s32 $0x3400, v4;
	v12 =	vld.idx.msk [tilespmem:v17+s3+$0x0], $0xffff;
	[tilespmem:s29+$0x1A000] =	vst v11  }
0x385: {  	v11 =	vadd.s32 $0x8C00, v0;
	v10 =	vld.idx.msk [tilespmem:v21+s3+$0x0], $0xffff;
	[tilespmem:s28+$0x18180] =	vst v19  }
0x386: {  	v13 =	vld.idx.msk [tilespmem:v16+s3+$0x0], $0xffff;
	v16 =	vadd.s32 $0x1800, v5  }
0x387: {  	v7 =	vld.idx.msk [tilespmem:v7+s3+$0x0], $0xffff;
	[tilespmem:s26+$0x19880] =	vst v9;
	v9 =	vadd.s32 $0x7000, v1  }
0x388: {  	s12 =	simm.s32 $0x80;
	s8 =	simm.s32 $0x400;
	[tilespmem:s30+$0x17A00] =	vst v18;
	v8 =	vld.idx.msk [tilespmem:v8+s3+$0x0], $0xffff  }
.LBB2_5:
0x389: {  	s13 =	sand.u32 $0x400, s8;
	p0 =	sne.s32 s12, $0xF0;
	v14 =	vld.idx.msk [tilespmem:v14+s3+$0x0], $0xffff;
	v17 =	vadd.s32 $0x5400, v3;
	[tilespmem:s24+$0x19100] =	vst v12  }
0x38a: {  	v12 =	vadd.s32 $0xAC00, v2;
	s18 =	sadd.s32 s13, s22;
	[tilespmem:s31+$0x17280] =	vst v15;
	v11 =	vld.idx.msk [tilespmem:v11+s3+$0x0], $0xffff  }
0x38b: {  	s17 =	sand.u32 $0x70, s12;
	s18 =	sadd.s32 s21, s18;
	v15 =	vld.idx.msk [tilespmem:v16+s3+$0x0], $0xffff;
	v16 =	vadd.s32 $0x3800, v4;
	[tilespmem:s25+$0x18980] =	vst v10  }
0x38c: {  	v10 =	vadd.s32 $0x9000, v0;
	s18 =	sadd.s32 s17, s18;
	v9 =	vld.idx.msk [tilespmem:v9+s3+$0x0], $0xffff;
	[tilespmem:s29+$0x1A080] =	vst v7;
	s29 =	smov.u32 s26;
	s26 =	smov.u32 s24  }
0x38d: {  	v18 =	vadd.s32 $0x1C00, v5;
	s24 =	smov.u32 s25;
	s25 =	smov.u32 s28;
	v7 =	vld [tilespmem:s18+$0x800];
	[tilespmem:s28+$0x18200] =	vst v13;
	s28 =	smov.u32 s30  }
0x38e: {  	s30 =	smov.u32 s31;
	v13 =	vld.idx.msk [tilespmem:v17+s3+$0x0], $0xffff;
	v17 =	vadd.s32 $0x7400, v1;
	[tilespmem:s29+$0x19900] =	vst v8  }
0x38f: {  	[tilespmem:s28+$0x17A80] =	vst v14;
	v8 =	vld.idx.msk [tilespmem:v12+s3+$0x0], $0xffff  }
0x390: {  	v14 =	vadd.s32 $0x5800, v3;
	v12 =	vld.idx.msk [tilespmem:v16+s3+$0x0], $0xffff;
	[tilespmem:s26+$0x19180] =	vst v11  }
0x391: {  	v11 =	vadd.s32 $0xB000, v2;
	[tilespmem:s30+$0x17300] =	vst v15;
	v10 =	vld.idx.msk [tilespmem:v10+s3+$0x0], $0xffff  }
0x392: {  	v16 =	vadd.s32 $0x3C00, v4;
	v15 =	vld.idx.msk [tilespmem:v18+s3+$0x0], $0xffff;
	[tilespmem:s24+$0x18A00] =	vst v9  }
0x393: {  	v9 =	vld.idx.msk [tilespmem:v17+s3+$0x0], $0xffff;
	v17 =	vadd.s32 $0x9400, v0  }
0x394: {  	v19 =	vadd.s32 $0x2000, v5;
	v18 =	vld.idx.msk [tilespmem:v6+s3+$0x0], $0xffff;
	[tilespmem:s25+$0x18280] =	vst v13  }
0x395: {  	v13 =	vld.idx.msk [tilespmem:v14+s3+$0x0], $0xffff;
	v14 =	vadd.s32 $0x7800, v1;
	[tilespmem:s29+$0x19980] =	vst v8  }
0x396: {  	s2 =	sor.u32 s0, s2;
	s0 =	smov.u32 s9;
	s9 =	smov.u32 s8;
	v8 =	vadd.s32 $0x400, v6;
	[tilespmem:s28+$0x17B00] =	vst v12;
	v11 =	vld.idx.msk [tilespmem:v11+s3+$0x0], $0xffff  }
0x397: {  	s18 =	sor.u32 $0x380, s2;
	s2 =	smov.u32 s11;
	s11 =	smov.u32 s12;
	v12 =	vld.idx.msk [tilespmem:v16+s3+$0x0], $0xffff;
	v16 =	vadd.s32 $0x5C00, v3;
	[tilespmem:s26+$0x19200] =	vst v10  }
0x398: {  	[tilespmem:s18+$0x17000] =	vst v15;
	v10 =	vld.idx.msk [tilespmem:v17+s3+$0x0], $0xffff;
	v15 =	vadd.s32 $0xB400, v2  }
0x399: {  	s31 =	sor.u32 s5, s4;
	s4 =	smov.u32 s13;
	s5 =	smov.u32 s17;
	v17 =	vld.idx.msk [tilespmem:v19+s3+$0x0], $0xffff;
	v19 =	vadd.s32 $0x4000, v4;
	[tilespmem:s24+$0x18A80] =	vst v9  }
0x39a: {  	[tilespmem:s31+$0x17000] =	vst v18;
	v9 =	vld.idx.msk [tilespmem:v14+s3+$0x0], $0xffff;
	v14 =	vadd.s32 $0x9800, v0  }
0x39b: {  	v18 =	vadd.s32 $0x2400, v5;
	v8 =	vld.idx.msk [tilespmem:v8+s3+$0x0], $0xffff;
	[tilespmem:s25+$0x18300] =	vst v13  }
0x39c: {  	v13 =	vld.idx.msk [tilespmem:v16+s3+$0x0], $0xffff;
	v16 =	vadd.s32 $0x7C00, v1;
	[tilespmem:s29+$0x19A00] =	vst v11  }
0x39d: {  	v11 =	vadd.s32 $0x800, v6;
	[tilespmem:s28+$0x17B80] =	vst v12;
	v12 =	vld.idx.msk [tilespmem:v15+s3+$0x0], $0xffff  }
0x39e: {  	v15 =	vld.idx.msk [tilespmem:v19+s3+$0x0], $0xffff;
	v19 =	vadd.s32 $0x6000, v3;
	[tilespmem:s26+$0x19280] =	vst v10  }
0x39f: {  	[tilespmem:s30+$0x17800] =	vst v17;
	v10 =	vld.idx.msk [tilespmem:v14+s3+$0x0], $0xffff;
	v14 =	vadd.s32 $0xB800, v2  }
0x3a0: {  	v17 =	vld.idx.msk [tilespmem:v18+s3+$0x0], $0xffff;
	v18 =	vadd.s32 $0x4400, v4;
	[tilespmem:s24+$0x18B00] =	vst v9  }
0x3a1: {  	v9 =	vadd.s32 $0x9C00, v0;
	[tilespmem:s31+$0x17080] =	vst v8;
	v8 =	vld.idx.msk [tilespmem:v16+s3+$0x0], $0xffff  }
0x3a2: {  	v16 =	vadd.s32 $0x2800, v5;
	v11 =	vld.idx.msk [tilespmem:v11+s3+$0x0], $0xffff;
	[tilespmem:s25+$0x18380] =	vst v13  }
0x3a3: {  	v13 =	vld.idx.msk [tilespmem:v19+s3+$0x0], $0xffff;
	v19 =	vadd.s32 $0x8000, v1;
	[tilespmem:s29+$0x19A80] =	vst v12  }
0x3a4: {  	v12 =	vadd.s32 $0xC00, v6;
	[tilespmem:s28+$0x18000] =	vst v15;
	v14 =	vld.idx.msk [tilespmem:v14+s3+$0x0], $0xffff  }
0x3a5: {  	v15 =	vld.idx.msk [tilespmem:v18+s3+$0x0], $0xffff;
	v18 =	vadd.s32 $0x6400, v3;
	[tilespmem:s26+$0x19300] =	vst v10  }
0x3a6: {  	v10 =	vadd.s32 $0xBC00, v2;
	[tilespmem:s30+$0x17880] =	vst v17;
	v9 =	vld.idx.msk [tilespmem:v9+s3+$0x0], $0xffff  }
0x3a7: {  	v17 =	vadd.s32 $0x4800, v4;
	v16 =	vld.idx.msk [tilespmem:v16+s3+$0x0], $0xffff;
	[tilespmem:s24+$0x18B80] =	vst v8  }
0x3a8: {  	[tilespmem:s31+$0x17100] =	vst v11;
	v8 =	vld.idx.msk [tilespmem:v19+s3+$0x0], $0xffff;
	v11 =	vadd.s32 $0xA000, v0  }
0x3a9: {  	v19 =	vadd.s32 $0x2C00, v5;
	v12 =	vld.idx.msk [tilespmem:v12+s3+$0x0], $0xffff;
	[tilespmem:s25+$0x18800] =	vst v13  }
0x3aa: {  	v13 =	vld.idx.msk [tilespmem:v18+s3+$0x0], $0xffff;
	v18 =	vadd.s32 $0x8400, v1;
	[tilespmem:s29+$0x19B00] =	vst v14  }
0x3ab: {  	v14 =	vadd.s32 $0x1000, v6;
	[tilespmem:s28+$0x18080] =	vst v15;
	v10 =	vld.idx.msk [tilespmem:v10+s3+$0x0], $0xffff  }
0x3ac: {  	v15 =	vld.idx.msk [tilespmem:v17+s3+$0x0], $0xffff;
	v17 =	vadd.s32 $0x6800, v3;
	[tilespmem:s26+$0x19380] =	vst v9  }
0x3ad: {  	[tilespmem:s30+$0x17900] =	vst v16;
	v9 =	vld.idx.msk [tilespmem:v11+s3+$0x0], $0xffff;
	v11 =	vadd.s32 $0xC000, v2  }
0x3ae: {  	v16 =	vld.idx.msk [tilespmem:v19+s3+$0x0], $0xffff;
	v19 =	vadd.s32 $0x4C00, v4;
	[tilespmem:s24+$0x19000] =	vst v8  }
0x3af: {  	[tilespmem:s31+$0x17180] =	vst v12;
	v8 =	vld.idx.msk [tilespmem:v18+s3+$0x0], $0xffff;
	v12 =	vadd.s32 $0xA400, v0  }
0x3b0: {  	v18 =	vadd.s32 $0x3000, v5;
	v14 =	vld.idx.msk [tilespmem:v14+s3+$0x0], $0xffff;
	[tilespmem:s25+$0x18880] =	vst v13  }
0x3b1: {  	v13 =	vld.idx.msk [tilespmem:v17+s3+$0x0], $0xffff;
	v17 =	vadd.s32 $0x8800, v1;
	[tilespmem:s29+$0x19B80] =	vst v10  }
0x3b2: {  	v10 =	vadd.s32 $0x1400, v6;
	[tilespmem:s28+$0x18100] =	vst v15;
	v20 =	vld.idx.msk [tilespmem:v11+s3+$0x0], $0xffff  }
0x3b3: {  	v11 =	vadd.s32 $0x6C00, v3;
	v19 =	vld.idx.msk [tilespmem:v19+s3+$0x0], $0xffff;
	[tilespmem:s26+$0x19800] =	vst v9  }
0x3b4: {  	v9 =	vadd.s32 $0xC400, v2;
	v2 =	vmovc v0;
	v0 =	vmovc v1;
	v1 =	vmov v3;
	v3 =	vmov v4;
	[tilespmem:s30+$0x17980] =	vst v16;
	v21 =	vld.idx.msk [tilespmem:v12+s3+$0x0], $0xffff  }
0x3b5: {  	v4 =	vmovc v5;
	v5 =	vmov v6;
	v6 =	vmov v7;
	v22 =	vadd.s32 $0x5000, v3;
	v18 =	vld.idx.msk [tilespmem:v18+s3+$0x0], $0xffff;
	[tilespmem:s24+$0x19080] =	vst v8  }
0x3b6: {  	v8 =	vadd.s32 $0xA800, v2;
	[tilespmem:s31+$0x17200] =	vst v14;
	v12 =	vld.idx.msk [tilespmem:v17+s3+$0x0], $0xffff  }
.Ltmp1:
0x3b7: {  	v14 =	vadd.s32 $0x3400, v4;
	v15 =	vld.idx.msk [tilespmem:v10+s3+$0x0], $0xffff;
	[tilespmem:s25+$0x18900] =	vst v13;
	(pc) =	sbr.rel @p0 .LBB2_5-.Ltmp1, $4  }
0x3b8: {  	v10 =	vld.idx.msk [tilespmem:v11+s3+$0x0], $0xffff;
	v11 =	vadd.s32 $0x8C00, v0;
	[tilespmem:s29+$0x1A000] =	vst v20  }
0x3b9: {  	v16 =	vadd.s32 $0x1800, v5;
	[tilespmem:s28+$0x18180] =	vst v19;
	v7 =	vld.idx.msk [tilespmem:v9+s3+$0x0], $0xffff  }
0x3ba: {  	v9 =	vadd.s32 $0x7000, v1;
	v13 =	vld.idx.msk [tilespmem:v22+s3+$0x0], $0xffff;
	[tilespmem:s26+$0x19880] =	vst v21  }
0x3bb: {  	s8 =	sadd.s32 $0x80, s8;
	s12 =	sadd.s32 $0x10, s12;
	[tilespmem:s30+$0x17A00] =	vst v18;
	v8 =	vld.idx.msk [tilespmem:v8+s3+$0x0], $0xffff  }
0x3bc: {  	_ =	sdelay $0x3  }
0x3bd: {  	v17 =	vld.idx.msk [tilespmem:v6+s3+$0x0], $0xffff  }
0x3be: {  	v18 =	vadd.s32 $0x400, v6;
	_ =	sdelay $0x2  }
0x3bf: {  	s21 =	sor.u32 s5, s4  }
0x3c0: {  	[tilespmem:s21+$0x17000] =	vst v17  }
0x3c1: {  	v17 =	vld.idx.msk [tilespmem:v18+s3+$0x0], $0xffff  }
0x3c2: {  	v62 =	vadd.s32 $0x800, v6;
	_ =	sdelay $0x3  }
0x3c3: {  	[tilespmem:s21+$0x17080] =	vst v17  }
0x3c4: {  	v17 =	vld.idx.msk [tilespmem:v62+s3+$0x0], $0xffff  }
0x3c5: {  	v63 =	vadd.s32 $0xC00, v6;
	_ =	sdelay $0x3  }
0x3c6: {  	[tilespmem:s21+$0x17100] =	vst v17  }
0x3c7: {  	v17 =	vld.idx.msk [tilespmem:v63+s3+$0x0], $0xffff  }
0x3c8: {  	v21 =	vadd.s32 $0x1000, v6;
	_ =	sdelay $0x3  }
0x3c9: {  	[tilespmem:s21+$0x17180] =	vst v17  }
0x3ca: {  	v17 =	vld.idx.msk [tilespmem:v21+s3+$0x0], $0xffff  }
0x3cb: {  	v22 =	vadd.s32 $0x1400, v6;
	_ =	sdelay $0x3  }
0x3cc: {  	[tilespmem:s21+$0x17200] =	vst v17  }
0x3cd: {  	v17 =	vld.idx.msk [tilespmem:v22+s3+$0x0], $0xffff  }
0x3ce: {  	v23 =	vadd.s32 $0x1800, v6;
	_ =	sdelay $0x2  }
0x3cf: {  	[tilespmem:s31+$0x17280] =	vst v15  }
0x3d0: {  	v15 =	vld.idx.msk [tilespmem:v16+s3+$0x0], $0xffff;
	[tilespmem:s21+$0x17280] =	vst v17  }
0x3d1: {  	v24 =	vadd.s32 $0x1C00, v5;
	v17 =	vld.idx.msk [tilespmem:v23+s3+$0x0], $0xffff  }
0x3d2: {  	v25 =	vadd.s32 $0x1C00, v6;
	_ =	sdelay $0x2  }
0x3d3: {  	[tilespmem:s31+$0x17300] =	vst v15  }
0x3d4: {  	v15 =	vld.idx.msk [tilespmem:v24+s3+$0x0], $0xffff;
	[tilespmem:s21+$0x17300] =	vst v17  }
0x3d5: {  	v26 =	vadd.s32 $0x2000, v5;
	v17 =	vld.idx.msk [tilespmem:v25+s3+$0x0], $0xffff  }
0x3d6: {  	v27 =	vadd.s32 $0x2000, v6  }
0x3d7: {  	s0 =	sor.u32 s0, s2  }
0x3d8: {  	s18 =	sor.u32 s9, s11;
	s0 =	sor.u32 $0x380, s0  }
0x3d9: {  	s22 =	sor.u32 $0x380, s18;
	[tilespmem:s0+$0x17000] =	vst v15  }
0x3da: {  	v15 =	vld.idx.msk [tilespmem:v26+s3+$0x0], $0xffff;
	[tilespmem:s22+$0x17000] =	vst v17  }
0x3db: {  	v28 =	vadd.s32 $0x2400, v5;
	v17 =	vld.idx.msk [tilespmem:v27+s3+$0x0], $0xffff  }
0x3dc: {  	v29 =	vadd.s32 $0x2400, v6;
	_ =	sdelay $0x2  }
0x3dd: {  	[tilespmem:s31+$0x17800] =	vst v15  }
0x3de: {  	v15 =	vld.idx.msk [tilespmem:v28+s3+$0x0], $0xffff;
	[tilespmem:s21+$0x17800] =	vst v17  }
0x3df: {  	v30 =	vadd.s32 $0x2800, v5;
	v17 =	vld.idx.msk [tilespmem:v29+s3+$0x0], $0xffff  }
0x3e0: {  	v31 =	vadd.s32 $0x2800, v6;
	_ =	sdelay $0x2  }
0x3e1: {  	[tilespmem:s31+$0x17880] =	vst v15  }
0x3e2: {  	v15 =	vld.idx.msk [tilespmem:v30+s3+$0x0], $0xffff;
	[tilespmem:s21+$0x17880] =	vst v17  }
0x3e3: {  	v32 =	vadd.s32 $0x2C00, v5;
	v17 =	vld.idx.msk [tilespmem:v31+s3+$0x0], $0xffff  }
0x3e4: {  	v33 =	vadd.s32 $0x2C00, v6;
	_ =	sdelay $0x2  }
0x3e5: {  	[tilespmem:s31+$0x17900] =	vst v15  }
0x3e6: {  	v15 =	vld.idx.msk [tilespmem:v32+s3+$0x0], $0xffff;
	[tilespmem:s21+$0x17900] =	vst v17  }
0x3e7: {  	v34 =	vadd.s32 $0x3000, v5;
	v17 =	vld.idx.msk [tilespmem:v33+s3+$0x0], $0xffff  }
0x3e8: {  	v35 =	vadd.s32 $0x3000, v6;
	_ =	sdelay $0x2  }
0x3e9: {  	[tilespmem:s31+$0x17980] =	vst v15  }
0x3ea: {  	v15 =	vld.idx.msk [tilespmem:v34+s3+$0x0], $0xffff;
	[tilespmem:s21+$0x17980] =	vst v17  }
0x3eb: {  	v36 =	vadd.s32 $0x3400, v5;
	v17 =	vld.idx.msk [tilespmem:v35+s3+$0x0], $0xffff  }
0x3ec: {  	v37 =	vadd.s32 $0x3400, v6;
	_ =	sdelay $0x2  }
0x3ed: {  	v14 =	vld.idx.msk [tilespmem:v14+s3+$0x0], $0xffff;
	[tilespmem:s31+$0x17A00] =	vst v15  }
0x3ee: {  	v38 =	vadd.s32 $0x3800, v4;
	v16 =	vld.idx.msk [tilespmem:v36+s3+$0x0], $0xffff;
	[tilespmem:s21+$0x17A00] =	vst v17  }
0x3ef: {  	v39 =	vadd.s32 $0x3800, v5;
	v18 =	vld.idx.msk [tilespmem:v37+s3+$0x0], $0xffff  }
0x3f0: {  	v19 =	vadd.s32 $0x3800, v6;
	_ =	sdelay $0x1  }
0x3f1: {  	[tilespmem:s30+$0x17A80] =	vst v14  }
0x3f2: {  	v14 =	vld.idx.msk [tilespmem:v38+s3+$0x0], $0xffff;
	[tilespmem:s31+$0x17A80] =	vst v16  }
0x3f3: {  	v40 =	vadd.s32 $0x3C00, v4;
	v16 =	vld.idx.msk [tilespmem:v39+s3+$0x0], $0xffff;
	[tilespmem:s21+$0x17A80] =	vst v18  }
0x3f4: {  	v41 =	vadd.s32 $0x3C00, v5;
	v18 =	vld.idx.msk [tilespmem:v19+s3+$0x0], $0xffff  }
0x3f5: {  	v42 =	vadd.s32 $0x3C00, v6;
	_ =	sdelay $0x1  }
0x3f6: {  	[tilespmem:s30+$0x17B00] =	vst v14  }
0x3f7: {  	v14 =	vld.idx.msk [tilespmem:v40+s3+$0x0], $0xffff;
	[tilespmem:s31+$0x17B00] =	vst v16  }
0x3f8: {  	v43 =	vadd.s32 $0x4000, v4;
	v16 =	vld.idx.msk [tilespmem:v41+s3+$0x0], $0xffff;
	[tilespmem:s21+$0x17B00] =	vst v18  }
0x3f9: {  	v44 =	vadd.s32 $0x4000, v5;
	v18 =	vld.idx.msk [tilespmem:v42+s3+$0x0], $0xffff  }
0x3fa: {  	v45 =	vadd.s32 $0x4000, v6;
	_ =	sdelay $0x1  }
0x3fb: {  	[tilespmem:s30+$0x17B80] =	vst v14  }
0x3fc: {  	v14 =	vld.idx.msk [tilespmem:v43+s3+$0x0], $0xffff;
	[tilespmem:s31+$0x17B80] =	vst v16  }
0x3fd: {  	v46 =	vadd.s32 $0x4400, v4;
	v16 =	vld.idx.msk [tilespmem:v44+s3+$0x0], $0xffff;
	[tilespmem:s21+$0x17B80] =	vst v18  }
0x3fe: {  	v47 =	vadd.s32 $0x4400, v5;
	v18 =	vld.idx.msk [tilespmem:v45+s3+$0x0], $0xffff  }
0x3ff: {  	v48 =	vadd.s32 $0x4400, v6;
	_ =	sdelay $0x1  }
0x400: {  	[tilespmem:s30+$0x18000] =	vst v14  }
0x401: {  	v14 =	vld.idx.msk [tilespmem:v46+s3+$0x0], $0xffff;
	[tilespmem:s31+$0x18000] =	vst v16  }
0x402: {  	v49 =	vadd.s32 $0x4800, v4;
	v16 =	vld.idx.msk [tilespmem:v47+s3+$0x0], $0xffff;
	[tilespmem:s21+$0x18000] =	vst v18  }
0x403: {  	v50 =	vadd.s32 $0x4800, v5;
	v18 =	vld.idx.msk [tilespmem:v48+s3+$0x0], $0xffff  }
0x404: {  	v51 =	vadd.s32 $0x4800, v6;
	_ =	sdelay $0x1  }
0x405: {  	[tilespmem:s30+$0x18080] =	vst v14  }
0x406: {  	v14 =	vld.idx.msk [tilespmem:v49+s3+$0x0], $0xffff;
	[tilespmem:s31+$0x18080] =	vst v16  }
0x407: {  	v52 =	vadd.s32 $0x4C00, v4;
	v16 =	vld.idx.msk [tilespmem:v50+s3+$0x0], $0xffff;
	[tilespmem:s21+$0x18080] =	vst v18  }
0x408: {  	v53 =	vadd.s32 $0x4C00, v5;
	v18 =	vld.idx.msk [tilespmem:v51+s3+$0x0], $0xffff  }
0x409: {  	v54 =	vadd.s32 $0x4C00, v6;
	_ =	sdelay $0x1  }
0x40a: {  	[tilespmem:s30+$0x18100] =	vst v14  }
0x40b: {  	v14 =	vld.idx.msk [tilespmem:v52+s3+$0x0], $0xffff;
	[tilespmem:s31+$0x18100] =	vst v16  }
0x40c: {  	v55 =	vadd.s32 $0x5000, v4;
	v16 =	vld.idx.msk [tilespmem:v53+s3+$0x0], $0xffff;
	[tilespmem:s21+$0x18100] =	vst v18  }
0x40d: {  	v56 =	vadd.s32 $0x5000, v5;
	v18 =	vld.idx.msk [tilespmem:v54+s3+$0x0], $0xffff  }
0x40e: {  	v57 =	vadd.s32 $0x5000, v6;
	_ =	sdelay $0x1  }
0x40f: {  	[tilespmem:s30+$0x18180] =	vst v14  }
0x410: {  	v58 =	vadd.s32 $0x5400, v3;
	v15 =	vld.idx.msk [tilespmem:v55+s3+$0x0], $0xffff;
	[tilespmem:s31+$0x18180] =	vst v16  }
0x411: {  	v59 =	vadd.s32 $0x5400, v4;
	v17 =	vld.idx.msk [tilespmem:v56+s3+$0x0], $0xffff;
	[tilespmem:s21+$0x18180] =	vst v18  }
0x412: {  	v60 =	vadd.s32 $0x5400, v5;
	v19 =	vld.idx.msk [tilespmem:v57+s3+$0x0], $0xffff  }
0x413: {  	v20 =	vadd.s32 $0x5400, v6  }
0x414: {  	[tilespmem:s28+$0x18200] =	vst v13  }
0x415: {  	v13 =	vld.idx.msk [tilespmem:v58+s3+$0x0], $0xffff;
	[tilespmem:s30+$0x18200] =	vst v15  }
0x416: {  	v61 =	vadd.s32 $0x5800, v3;
	v15 =	vld.idx.msk [tilespmem:v59+s3+$0x0], $0xffff;
	[tilespmem:s31+$0x18200] =	vst v17  }
0x417: {  	v62 =	vadd.s32 $0x5800, v4;
	v17 =	vld.idx.msk [tilespmem:v60+s3+$0x0], $0xffff;
	[tilespmem:s21+$0x18200] =	vst v19  }
0x418: {  	v63 =	vadd.s32 $0x5800, v5;
	v19 =	vld.idx.msk [tilespmem:v20+s3+$0x0], $0xffff  }
0x419: {  	v24 =	vadd.s32 $0x5800, v6  }
0x41a: {  	[tilespmem:s28+$0x18280] =	vst v13  }
0x41b: {  	v13 =	vld.idx.msk [tilespmem:v61+s3+$0x0], $0xffff;
	[tilespmem:s30+$0x18280] =	vst v15  }
0x41c: {  	v25 =	vadd.s32 $0x5C00, v3;
	v15 =	vld.idx.msk [tilespmem:v62+s3+$0x0], $0xffff;
	[tilespmem:s31+$0x18280] =	vst v17  }
0x41d: {  	v26 =	vadd.s32 $0x5C00, v4;
	v17 =	vld.idx.msk [tilespmem:v63+s3+$0x0], $0xffff;
	[tilespmem:s21+$0x18280] =	vst v19  }
0x41e: {  	v27 =	vadd.s32 $0x5C00, v5;
	v19 =	vld.idx.msk [tilespmem:v24+s3+$0x0], $0xffff  }
0x41f: {  	v28 =	vadd.s32 $0x5C00, v6  }
0x420: {  	[tilespmem:s28+$0x18300] =	vst v13  }
0x421: {  	v13 =	vld.idx.msk [tilespmem:v25+s3+$0x0], $0xffff;
	[tilespmem:s30+$0x18300] =	vst v15  }
0x422: {  	v29 =	vadd.s32 $0x6000, v3;
	v15 =	vld.idx.msk [tilespmem:v26+s3+$0x0], $0xffff;
	[tilespmem:s31+$0x18300] =	vst v17  }
0x423: {  	v30 =	vadd.s32 $0x6000, v4;
	v17 =	vld.idx.msk [tilespmem:v27+s3+$0x0], $0xffff;
	[tilespmem:s21+$0x18300] =	vst v19  }
0x424: {  	v31 =	vadd.s32 $0x6000, v5;
	v19 =	vld.idx.msk [tilespmem:v28+s3+$0x0], $0xffff  }
0x425: {  	v32 =	vadd.s32 $0x6000, v6  }
0x426: {  	[tilespmem:s28+$0x18380] =	vst v13  }
0x427: {  	v13 =	vld.idx.msk [tilespmem:v29+s3+$0x0], $0xffff;
	[tilespmem:s30+$0x18380] =	vst v15  }
0x428: {  	v33 =	vadd.s32 $0x6400, v3;
	v15 =	vld.idx.msk [tilespmem:v30+s3+$0x0], $0xffff;
	[tilespmem:s31+$0x18380] =	vst v17  }
0x429: {  	v34 =	vadd.s32 $0x6400, v4;
	v17 =	vld.idx.msk [tilespmem:v31+s3+$0x0], $0xffff;
	[tilespmem:s21+$0x18380] =	vst v19  }
0x42a: {  	v35 =	vadd.s32 $0x6400, v5;
	v19 =	vld.idx.msk [tilespmem:v32+s3+$0x0], $0xffff  }
0x42b: {  	v36 =	vadd.s32 $0x6400, v6  }
0x42c: {  	[tilespmem:s28+$0x18800] =	vst v13  }
0x42d: {  	v13 =	vld.idx.msk [tilespmem:v33+s3+$0x0], $0xffff;
	[tilespmem:s30+$0x18800] =	vst v15  }
0x42e: {  	v15 =	vld.idx.msk [tilespmem:v34+s3+$0x0], $0xffff;
	v37 =	vadd.s32 $0x6800, v3;
	[tilespmem:s31+$0x18800] =	vst v17  }
0x42f: {  	v38 =	vadd.s32 $0x6800, v4;
	v17 =	vld.idx.msk [tilespmem:v35+s3+$0x0], $0xffff;
	[tilespmem:s21+$0x18800] =	vst v19  }
0x430: {  	v39 =	vadd.s32 $0x6800, v5;
	v19 =	vld.idx.msk [tilespmem:v36+s3+$0x0], $0xffff  }
0x431: {  	v40 =	vadd.s32 $0x6800, v6  }
0x432: {  	[tilespmem:s28+$0x18880] =	vst v13  }
0x433: {  	[tilespmem:s30+$0x18880] =	vst v15;
	v13 =	vld.idx.msk [tilespmem:v37+s3+$0x0], $0xffff  }
0x434: {  	v41 =	vadd.s32 $0x6C00, v3;
	v15 =	vld.idx.msk [tilespmem:v38+s3+$0x0], $0xffff;
	[tilespmem:s31+$0x18880] =	vst v17  }
0x435: {  	v42 =	vadd.s32 $0x6C00, v4;
	v17 =	vld.idx.msk [tilespmem:v39+s3+$0x0], $0xffff;
	[tilespmem:s21+$0x18880] =	vst v19  }
0x436: {  	[tilespmem:s24+$0x19100] =	vst v12;
	v43 =	vadd.s32 $0x6C00, v5;
	v44 =	vld.idx.msk [tilespmem:v40+s3+$0x0], $0xffff  }
0x437: {  	[tilespmem:s25+$0x18980] =	vst v10;
	v45 =	vadd.s32 $0x6C00, v6  }
0x438: {  	v9 =	vld.idx.msk [tilespmem:v9+s3+$0x0], $0xffff;
	[tilespmem:s28+$0x18900] =	vst v13  }
0x439: {  	[tilespmem:s30+$0x18900] =	vst v15;
	v13 =	vld.idx.msk [tilespmem:v41+s3+$0x0], $0xffff;
	v51 =	vadd.s32 $0x7400, v1  }
0x43a: {  	v46 =	vadd.s32 $0x7000, v3;
	v15 =	vld.idx.msk [tilespmem:v42+s3+$0x0], $0xffff;
	[tilespmem:s31+$0x18900] =	vst v17  }
0x43b: {  	v47 =	vadd.s32 $0x7000, v4;
	v12 =	vld.idx.msk [tilespmem:v43+s3+$0x0], $0xffff;
	[tilespmem:s21+$0x18900] =	vst v44  }
0x43c: {  	[tilespmem:s29+$0x1A080] =	vst v7;
	v48 =	vadd.s32 $0x7000, v5;
	v10 =	vld.idx.msk [tilespmem:v45+s3+$0x0], $0xffff  }
0x43d: {  	[tilespmem:s25+$0x18A00] =	vst v9;
	v49 =	vadd.s32 $0x7000, v6  }
0x43e: {  	[tilespmem:s28+$0x18980] =	vst v13;
	v13 =	vld.idx.msk [tilespmem:v51+s3+$0x0], $0xffff  }
0x43f: {  	v58 =	vadd.s32 $0x7800, v1;
	v14 =	vld.idx.msk [tilespmem:v46+s3+$0x0], $0xffff;
	[tilespmem:s30+$0x18980] =	vst v15  }
0x440: {  	v52 =	vadd.s32 $0x7400, v3;
	v16 =	vld.idx.msk [tilespmem:v47+s3+$0x0], $0xffff;
	[tilespmem:s31+$0x18980] =	vst v12  }
0x441: {  	v53 =	vadd.s32 $0x7400, v4;
	v7 =	vld.idx.msk [tilespmem:v48+s3+$0x0], $0xffff;
	[tilespmem:s21+$0x18980] =	vst v10  }
0x442: {  	[tilespmem:s26+$0x19900] =	vst v8;
	v54 =	vadd.s32 $0x7400, v5;
	v8 =	vld.idx.msk [tilespmem:v49+s3+$0x0], $0xffff  }
0x443: {  	v11 =	vld.idx.msk [tilespmem:v11+s3+$0x0], $0xffff;
	v56 =	vadd.s32 $0x7400, v6;
	[tilespmem:s25+$0x18A80] =	vst v13  }
0x444: {  	v50 =	vadd.s32 $0xAC00, v2;
	[tilespmem:s28+$0x18A00] =	vst v14;
	v14 =	vld.idx.msk [tilespmem:v58+s3+$0x0], $0xffff  }
0x445: {  	v21 =	vadd.s32 $0x7C00, v1;
	v15 =	vld.idx.msk [tilespmem:v52+s3+$0x0], $0xffff;
	[tilespmem:s30+$0x18A00] =	vst v16  }
0x446: {  	v59 =	vadd.s32 $0x7800, v3;
	v12 =	vld.idx.msk [tilespmem:v53+s3+$0x0], $0xffff;
	[tilespmem:s31+$0x18A00] =	vst v7  }
0x447: {  	v60 =	vadd.s32 $0x7800, v4;
	v10 =	vld.idx.msk [tilespmem:v54+s3+$0x0], $0xffff;
	[tilespmem:s21+$0x18A00] =	vst v8  }
0x448: {  	[tilespmem:s24+$0x19180] =	vst v11;
	v61 =	vadd.s32 $0x7800, v5;
	v9 =	vld.idx.msk [tilespmem:v56+s3+$0x0], $0xffff  }
0x449: {  	v55 =	vld.idx.msk [tilespmem:v50+s3+$0x0], $0xffff;
	v63 =	vadd.s32 $0x7800, v6;
	[tilespmem:s25+$0x18B00] =	vst v14  }
0x44a: {  	[tilespmem:s28+$0x18A80] =	vst v15;
	v57 =	vadd.s32 $0x9000, v0;
	v15 =	vld.idx.msk [tilespmem:v21+s3+$0x0], $0xffff  }
0x44b: {  	v29 =	vadd.s32 $0x8000, v1;
	v16 =	vld.idx.msk [tilespmem:v59+s3+$0x0], $0xffff;
	[tilespmem:s30+$0x18A80] =	vst v12  }
0x44c: {  	v22 =	vadd.s32 $0x7C00, v3;
	v7 =	vld.idx.msk [tilespmem:v60+s3+$0x0], $0xffff;
	[tilespmem:s31+$0x18A80] =	vst v10  }
0x44d: {  	v23 =	vadd.s32 $0x7C00, v4;
	v8 =	vld.idx.msk [tilespmem:v61+s3+$0x0], $0xffff;
	[tilespmem:s21+$0x18A80] =	vst v9  }
0x44e: {  	[tilespmem:s26+$0x19980] =	vst v55;
	v24 =	vadd.s32 $0x7C00, v5;
	v25 =	vld.idx.msk [tilespmem:v63+s3+$0x0], $0xffff  }
0x44f: {  	v27 =	vadd.s32 $0x7C00, v6;
	v62 =	vld.idx.msk [tilespmem:v57+s3+$0x0], $0xffff;
	[tilespmem:s25+$0x18B80] =	vst v15  }
0x450: {  	[tilespmem:s28+$0x18B00] =	vst v16;
	v20 =	vadd.s32 $0xB000, v2;
	v16 =	vld.idx.msk [tilespmem:v29+s3+$0x0], $0xffff  }
0x451: {  	v37 =	vadd.s32 $0x8400, v1;
	v12 =	vld.idx.msk [tilespmem:v22+s3+$0x0], $0xffff;
	[tilespmem:s30+$0x18B00] =	vst v7  }
0x452: {  	v30 =	vadd.s32 $0x8000, v3;
	v10 =	vld.idx.msk [tilespmem:v23+s3+$0x0], $0xffff;
	[tilespmem:s31+$0x18B00] =	vst v8  }
0x453: {  	v31 =	vadd.s32 $0x8000, v4;
	v9 =	vld.idx.msk [tilespmem:v24+s3+$0x0], $0xffff;
	[tilespmem:s21+$0x18B00] =	vst v25  }
0x454: {  	[tilespmem:s24+$0x19200] =	vst v62;
	v32 =	vadd.s32 $0x8000, v5;
	v33 =	vld.idx.msk [tilespmem:v27+s3+$0x0], $0xffff  }
0x455: {  	v35 =	vadd.s32 $0x8000, v6;
	v26 =	vld.idx.msk [tilespmem:v20+s3+$0x0], $0xffff;
	[tilespmem:s25+$0x19000] =	vst v16  }
0x456: {  	[tilespmem:s28+$0x18B80] =	vst v12;
	v12 =	vld.idx.msk [tilespmem:v37+s3+$0x0], $0xffff;
	v36 =	vadd.s32 $0xB400, v2  }
0x457: {  	v28 =	vadd.s32 $0x9400, v0;
	v7 =	vld.idx.msk [tilespmem:v30+s3+$0x0], $0xffff;
	[tilespmem:s30+$0x18B80] =	vst v10  }
0x458: {  	v38 =	vadd.s32 $0x8400, v3;
	v8 =	vld.idx.msk [tilespmem:v31+s3+$0x0], $0xffff;
	[tilespmem:s31+$0x18B80] =	vst v9  }
0x459: {  	v39 =	vadd.s32 $0x8400, v4;
	v11 =	vld.idx.msk [tilespmem:v32+s3+$0x0], $0xffff;
	[tilespmem:s21+$0x18B80] =	vst v33  }
0x45a: {  	[tilespmem:s26+$0x19A00] =	vst v26;
	v40 =	vadd.s32 $0x8400, v5;
	v41 =	vld.idx.msk [tilespmem:v35+s3+$0x0], $0xffff  }
0x45b: {  	v43 =	vadd.s32 $0x8400, v6;
	[tilespmem:s25+$0x19080] =	vst v12;
	v42 =	vld.idx.msk [tilespmem:v36+s3+$0x0], $0xffff  }
0x45c: {  	v52 =	vadd.s32 $0xB800, v2;
	v34 =	vld.idx.msk [tilespmem:v28+s3+$0x0], $0xffff;
	[tilespmem:s28+$0x19000] =	vst v7  }
0x45d: {  	v45 =	vadd.s32 $0x8800, v1;
	v10 =	vld.idx.msk [tilespmem:v38+s3+$0x0], $0xffff;
	[tilespmem:s30+$0x19000] =	vst v8  }
0x45e: {  	v46 =	vadd.s32 $0x8800, v3;
	v9 =	vld.idx.msk [tilespmem:v39+s3+$0x0], $0xffff;
	[tilespmem:s31+$0x19000] =	vst v11  }
0x45f: {  	v47 =	vadd.s32 $0x8800, v4;
	v13 =	vld.idx.msk [tilespmem:v40+s3+$0x0], $0xffff;
	[tilespmem:s21+$0x19000] =	vst v41  }
0x460: {  	v48 =	vadd.s32 $0x8800, v5;
	[tilespmem:s26+$0x19A80] =	vst v42;
	v49 =	vld.idx.msk [tilespmem:v43+s3+$0x0], $0xffff  }
0x461: {  	v51 =	vadd.s32 $0x8800, v6;
	[tilespmem:s24+$0x19280] =	vst v34;
	v57 =	vld.idx.msk [tilespmem:v52+s3+$0x0], $0xffff  }
0x462: {  	v44 =	vadd.s32 $0x9800, v0;
	v7 =	vld.idx.msk [tilespmem:v45+s3+$0x0], $0xffff;
	[tilespmem:s28+$0x19080] =	vst v10  }
0x463: {  	v53 =	vadd.s32 $0x8C00, v1;
	v8 =	vld.idx.msk [tilespmem:v46+s3+$0x0], $0xffff;
	[tilespmem:s30+$0x19080] =	vst v9  }
0x464: {  	v54 =	vadd.s32 $0x8C00, v3;
	v11 =	vld.idx.msk [tilespmem:v47+s3+$0x0], $0xffff;
	[tilespmem:s31+$0x19080] =	vst v13  }
0x465: {  	v55 =	vadd.s32 $0x8C00, v4;
	v14 =	vld.idx.msk [tilespmem:v48+s3+$0x0], $0xffff;
	[tilespmem:s21+$0x19080] =	vst v49  }
0x466: {  	[tilespmem:s26+$0x19B00] =	vst v57;
	v56 =	vadd.s32 $0x8C00, v5;
	v12 =	vld.idx.msk [tilespmem:v51+s3+$0x0], $0xffff  }
0x467: {  	v58 =	vadd.s32 $0x8C00, v6;
	v50 =	vld.idx.msk [tilespmem:v44+s3+$0x0], $0xffff;
	[tilespmem:s25+$0x19100] =	vst v7  }
0x468: {  	v59 =	vadd.s32 $0x9C00, v0;
	v10 =	vld.idx.msk [tilespmem:v53+s3+$0x0], $0xffff;
	[tilespmem:s28+$0x19100] =	vst v8  }
0x469: {  	v60 =	vadd.s32 $0x9000, v1;
	v9 =	vld.idx.msk [tilespmem:v54+s3+$0x0], $0xffff;
	[tilespmem:s30+$0x19100] =	vst v11  }
0x46a: {  	v61 =	vadd.s32 $0x9000, v3;
	v13 =	vld.idx.msk [tilespmem:v55+s3+$0x0], $0xffff;
	[tilespmem:s31+$0x19100] =	vst v14  }
0x46b: {  	v62 =	vadd.s32 $0x9000, v4;
	v15 =	vld.idx.msk [tilespmem:v56+s3+$0x0], $0xffff;
	[tilespmem:s21+$0x19100] =	vst v12  }
0x46c: {  	[tilespmem:s24+$0x19300] =	vst v50;
	v63 =	vadd.s32 $0x9000, v5;
	v7 =	vld.idx.msk [tilespmem:v58+s3+$0x0], $0xffff  }
0x46d: {  	v21 =	vadd.s32 $0x9000, v6;
	v20 =	vld.idx.msk [tilespmem:v59+s3+$0x0], $0xffff;
	[tilespmem:s25+$0x19180] =	vst v10  }
0x46e: {  	v29 =	vadd.s32 $0xA000, v0;
	v8 =	vld.idx.msk [tilespmem:v60+s3+$0x0], $0xffff;
	[tilespmem:s28+$0x19180] =	vst v9  }
0x46f: {  	v23 =	vadd.s32 $0x9400, v1;
	v11 =	vld.idx.msk [tilespmem:v61+s3+$0x0], $0xffff;
	[tilespmem:s30+$0x19180] =	vst v13  }
0x470: {  	v24 =	vadd.s32 $0x9400, v3;
	v14 =	vld.idx.msk [tilespmem:v62+s3+$0x0], $0xffff;
	[tilespmem:s31+$0x19180] =	vst v15  }
0x471: {  	v25 =	vadd.s32 $0x9400, v4;
	v12 =	vld.idx.msk [tilespmem:v63+s3+$0x0], $0xffff;
	[tilespmem:s21+$0x19180] =	vst v7  }
0x472: {  	v26 =	vadd.s32 $0x9400, v5;
	[tilespmem:s24+$0x19380] =	vst v20;
	v10 =	vld.idx.msk [tilespmem:v21+s3+$0x0], $0xffff  }
0x473: {  	v28 =	vadd.s32 $0x9400, v6;
	v34 =	vld.idx.msk [tilespmem:v29+s3+$0x0], $0xffff;
	[tilespmem:s25+$0x19200] =	vst v8  }
0x474: {  	v22 =	vadd.s32 $0xBC00, v2;
	v9 =	vld.idx.msk [tilespmem:v23+s3+$0x0], $0xffff;
	[tilespmem:s28+$0x19200] =	vst v11  }
0x475: {  	v30 =	vadd.s32 $0x9800, v1;
	v13 =	vld.idx.msk [tilespmem:v24+s3+$0x0], $0xffff;
	[tilespmem:s30+$0x19200] =	vst v14  }
0x476: {  	v31 =	vadd.s32 $0x9800, v3;
	v15 =	vld.idx.msk [tilespmem:v25+s3+$0x0], $0xffff;
	[tilespmem:s31+$0x19200] =	vst v12  }
0x477: {  	v32 =	vadd.s32 $0x9800, v4;
	v7 =	vld.idx.msk [tilespmem:v26+s3+$0x0], $0xffff;
	[tilespmem:s21+$0x19200] =	vst v10  }
0x478: {  	[tilespmem:s24+$0x19800] =	vst v34;
	v33 =	vadd.s32 $0x9800, v5;
	v8 =	vld.idx.msk [tilespmem:v28+s3+$0x0], $0xffff  }
0x479: {  	v27 =	vld.idx.msk [tilespmem:v22+s3+$0x0], $0xffff;
	v35 =	vadd.s32 $0x9800, v6;
	[tilespmem:s25+$0x19280] =	vst v9  }
0x47a: {  	v36 =	vadd.s32 $0xC000, v2;
	v11 =	vld.idx.msk [tilespmem:v30+s3+$0x0], $0xffff;
	[tilespmem:s28+$0x19280] =	vst v13  }
0x47b: {  	v37 =	vadd.s32 $0x9C00, v1;
	v14 =	vld.idx.msk [tilespmem:v31+s3+$0x0], $0xffff;
	[tilespmem:s30+$0x19280] =	vst v15  }
0x47c: {  	v38 =	vadd.s32 $0x9C00, v3;
	v12 =	vld.idx.msk [tilespmem:v32+s3+$0x0], $0xffff;
	[tilespmem:s31+$0x19280] =	vst v7  }
0x47d: {  	v39 =	vadd.s32 $0x9C00, v4;
	v10 =	vld.idx.msk [tilespmem:v33+s3+$0x0], $0xffff;
	[tilespmem:s21+$0x19280] =	vst v8  }
0x47e: {  	[tilespmem:s26+$0x19B80] =	vst v27;
	v40 =	vadd.s32 $0x9C00, v5;
	v9 =	vld.idx.msk [tilespmem:v35+s3+$0x0], $0xffff  }
0x47f: {  	v42 =	vadd.s32 $0x9C00, v6;
	v41 =	vld.idx.msk [tilespmem:v36+s3+$0x0], $0xffff;
	[tilespmem:s25+$0x19300] =	vst v11  }
0x480: {  	v43 =	vadd.s32 $0xA400, v0;
	v13 =	vld.idx.msk [tilespmem:v37+s3+$0x0], $0xffff;
	[tilespmem:s28+$0x19300] =	vst v14  }
0x481: {  	v44 =	vadd.s32 $0xA000, v1;
	v15 =	vld.idx.msk [tilespmem:v38+s3+$0x0], $0xffff;
	[tilespmem:s30+$0x19300] =	vst v12  }
0x482: {  	v45 =	vadd.s32 $0xA000, v3;
	v7 =	vld.idx.msk [tilespmem:v39+s3+$0x0], $0xffff;
	[tilespmem:s31+$0x19300] =	vst v10  }
0x483: {  	v46 =	vadd.s32 $0xA000, v4;
	v8 =	vld.idx.msk [tilespmem:v40+s3+$0x0], $0xffff;
	[tilespmem:s21+$0x19300] =	vst v9  }
0x484: {  	v47 =	vadd.s32 $0xA000, v5;
	[tilespmem:s26+$0x1A000] =	vst v41;
	v11 =	vld.idx.msk [tilespmem:v42+s3+$0x0], $0xffff  }
0x485: {  	v48 =	vld.idx.msk [tilespmem:v43+s3+$0x0], $0xffff;
	v49 =	vadd.s32 $0xA000, v6;
	[tilespmem:s25+$0x19380] =	vst v13  }
0x486: {  	v50 =	vadd.s32 $0xC400, v2;
	v14 =	vld.idx.msk [tilespmem:v44+s3+$0x0], $0xffff;
	[tilespmem:s28+$0x19380] =	vst v15  }
0x487: {  	v51 =	vadd.s32 $0xA400, v1;
	v12 =	vld.idx.msk [tilespmem:v45+s3+$0x0], $0xffff;
	[tilespmem:s30+$0x19380] =	vst v7  }
0x488: {  	v52 =	vadd.s32 $0xA400, v3;
	v10 =	vld.idx.msk [tilespmem:v46+s3+$0x0], $0xffff;
	[tilespmem:s31+$0x19380] =	vst v8  }
0x489: {  	v53 =	vadd.s32 $0xA400, v4;
	v9 =	vld.idx.msk [tilespmem:v47+s3+$0x0], $0xffff;
	[tilespmem:s21+$0x19380] =	vst v11  }
0x48a: {  	v54 =	vadd.s32 $0xA400, v5;
	[tilespmem:s24+$0x19880] =	vst v48;
	v13 =	vld.idx.msk [tilespmem:v49+s3+$0x0], $0xffff  }
0x48b: {  	v55 =	vadd.s32 $0xA400, v6;
	v2 =	vld.idx.msk [tilespmem:v50+s3+$0x0], $0xffff;
	[tilespmem:s25+$0x19800] =	vst v14  }
0x48c: {  	v56 =	vadd.s32 $0xA800, v0;
	v15 =	vld.idx.msk [tilespmem:v51+s3+$0x0], $0xffff;
	[tilespmem:s28+$0x19800] =	vst v12  }
0x48d: {  	v57 =	vadd.s32 $0xA800, v1;
	v7 =	vld.idx.msk [tilespmem:v52+s3+$0x0], $0xffff;
	[tilespmem:s30+$0x19800] =	vst v10  }
0x48e: {  	v58 =	vadd.s32 $0xA800, v3;
	v8 =	vld.idx.msk [tilespmem:v53+s3+$0x0], $0xffff;
	[tilespmem:s31+$0x19800] =	vst v9  }
0x48f: {  	v59 =	vadd.s32 $0xA800, v4;
	v11 =	vld.idx.msk [tilespmem:v54+s3+$0x0], $0xffff;
	[tilespmem:s21+$0x19800] =	vst v13  }
0x490: {  	v60 =	vadd.s32 $0xA800, v5;
	[tilespmem:s26+$0x1A080] =	vst v2;
	v13 =	vld.idx.msk [tilespmem:v55+s3+$0x0], $0xffff  }
0x491: {  	v62 =	vadd.s32 $0xA800, v6;
	v61 =	vld.idx.msk [tilespmem:v56+s3+$0x0], $0xffff;
	[tilespmem:s25+$0x19880] =	vst v15  }
0x492: {  	v63 =	vadd.s32 $0xAC00, v0;
	v12 =	vld.idx.msk [tilespmem:v57+s3+$0x0], $0xffff;
	[tilespmem:s28+$0x19880] =	vst v7  }
0x493: {  	v20 =	vadd.s32 $0xAC00, v1;
	v10 =	vld.idx.msk [tilespmem:v58+s3+$0x0], $0xffff;
	[tilespmem:s30+$0x19880] =	vst v8  }
0x494: {  	v21 =	vadd.s32 $0xAC00, v3;
	v9 =	vld.idx.msk [tilespmem:v59+s3+$0x0], $0xffff;
	[tilespmem:s31+$0x19880] =	vst v11  }
0x495: {  	v22 =	vadd.s32 $0xAC00, v4;
	v2 =	vld.idx.msk [tilespmem:v60+s3+$0x0], $0xffff;
	[tilespmem:s21+$0x19880] =	vst v13  }
0x496: {  	v23 =	vadd.s32 $0xAC00, v5;
	[tilespmem:s24+$0x19900] =	vst v61;
	v24 =	vld.idx.msk [tilespmem:v62+s3+$0x0], $0xffff  }
0x497: {  	v25 =	vld.idx.msk [tilespmem:v63+s3+$0x0], $0xffff;
	v26 =	vadd.s32 $0xAC00, v6;
	[tilespmem:s25+$0x19900] =	vst v12  }
0x498: {  	v27 =	vadd.s32 $0xB000, v0;
	v7 =	vld.idx.msk [tilespmem:v20+s3+$0x0], $0xffff;
	[tilespmem:s28+$0x19900] =	vst v10  }
0x499: {  	v28 =	vadd.s32 $0xB000, v1;
	v8 =	vld.idx.msk [tilespmem:v21+s3+$0x0], $0xffff;
	[tilespmem:s30+$0x19900] =	vst v9  }
0x49a: {  	v29 =	vadd.s32 $0xB000, v3;
	v11 =	vld.idx.msk [tilespmem:v22+s3+$0x0], $0xffff;
	[tilespmem:s31+$0x19900] =	vst v2  }
0x49b: {  	v30 =	vadd.s32 $0xB000, v4;
	v13 =	vld.idx.msk [tilespmem:v23+s3+$0x0], $0xffff;
	[tilespmem:s21+$0x19900] =	vst v24  }
0x49c: {  	v31 =	vadd.s32 $0xB000, v5;
	[tilespmem:s24+$0x19980] =	vst v25;
	v12 =	vld.idx.msk [tilespmem:v26+s3+$0x0], $0xffff  }
0x49d: {  	v32 =	vadd.s32 $0xB000, v6;
	v15 =	vld.idx.msk [tilespmem:v27+s3+$0x0], $0xffff;
	[tilespmem:s25+$0x19980] =	vst v7  }
0x49e: {  	v33 =	vadd.s32 $0xB400, v0;
	v10 =	vld.idx.msk [tilespmem:v28+s3+$0x0], $0xffff;
	[tilespmem:s28+$0x19980] =	vst v8  }
0x49f: {  	v34 =	vadd.s32 $0xB400, v1;
	v9 =	vld.idx.msk [tilespmem:v29+s3+$0x0], $0xffff;
	[tilespmem:s30+$0x19980] =	vst v11  }
0x4a0: {  	v35 =	vadd.s32 $0xB400, v3;
	v2 =	vld.idx.msk [tilespmem:v30+s3+$0x0], $0xffff;
	[tilespmem:s31+$0x19980] =	vst v13  }
0x4a1: {  	v36 =	vadd.s32 $0xB400, v4;
	v14 =	vld.idx.msk [tilespmem:v31+s3+$0x0], $0xffff;
	[tilespmem:s21+$0x19980] =	vst v12  }
0x4a2: {  	v37 =	vadd.s32 $0xB400, v5;
	[tilespmem:s24+$0x19A00] =	vst v15;
	v7 =	vld.idx.msk [tilespmem:v32+s3+$0x0], $0xffff  }
0x4a3: {  	v38 =	vadd.s32 $0xB400, v6;
	v15 =	vld.idx.msk [tilespmem:v33+s3+$0x0], $0xffff;
	[tilespmem:s25+$0x19A00] =	vst v10  }
0x4a4: {  	v39 =	vadd.s32 $0xB800, v0;
	v8 =	vld.idx.msk [tilespmem:v34+s3+$0x0], $0xffff;
	[tilespmem:s28+$0x19A00] =	vst v9  }
0x4a5: {  	v40 =	vadd.s32 $0xB800, v1;
	v11 =	vld.idx.msk [tilespmem:v35+s3+$0x0], $0xffff;
	[tilespmem:s30+$0x19A00] =	vst v2  }
0x4a6: {  	v41 =	vadd.s32 $0xB800, v3;
	v13 =	vld.idx.msk [tilespmem:v36+s3+$0x0], $0xffff;
	[tilespmem:s31+$0x19A00] =	vst v14  }
0x4a7: {  	v42 =	vadd.s32 $0xB800, v4;
	v12 =	vld.idx.msk [tilespmem:v37+s3+$0x0], $0xffff;
	[tilespmem:s21+$0x19A00] =	vst v7  }
0x4a8: {  	v43 =	vadd.s32 $0xB800, v5;
	[tilespmem:s24+$0x19A80] =	vst v15;
	v10 =	vld.idx.msk [tilespmem:v38+s3+$0x0], $0xffff  }
0x4a9: {  	v44 =	vadd.s32 $0xB800, v6;
	v15 =	vld.idx.msk [tilespmem:v39+s3+$0x0], $0xffff;
	[tilespmem:s25+$0x19A80] =	vst v8  }
0x4aa: {  	v45 =	vadd.s32 $0xBC00, v0;
	v9 =	vld.idx.msk [tilespmem:v40+s3+$0x0], $0xffff;
	[tilespmem:s28+$0x19A80] =	vst v11  }
0x4ab: {  	v46 =	vadd.s32 $0xBC00, v1;
	v2 =	vld.idx.msk [tilespmem:v41+s3+$0x0], $0xffff;
	[tilespmem:s30+$0x19A80] =	vst v13  }
0x4ac: {  	v47 =	vadd.s32 $0xBC00, v3;
	v14 =	vld.idx.msk [tilespmem:v42+s3+$0x0], $0xffff;
	[tilespmem:s31+$0x19A80] =	vst v12  }
0x4ad: {  	v48 =	vadd.s32 $0xBC00, v4;
	v7 =	vld.idx.msk [tilespmem:v43+s3+$0x0], $0xffff;
	[tilespmem:s21+$0x19A80] =	vst v10  }
0x4ae: {  	[tilespmem:s24+$0x19B00] =	vst v15;
	v49 =	vadd.s32 $0xBC00, v5;
	v8 =	vld.idx.msk [tilespmem:v44+s3+$0x0], $0xffff  }
0x4af: {  	v50 =	vadd.s32 $0xBC00, v6;
	v15 =	vld.idx.msk [tilespmem:v45+s3+$0x0], $0xffff;
	[tilespmem:s25+$0x19B00] =	vst v9  }
0x4b0: {  	v51 =	vadd.s32 $0xC000, v0;
	v11 =	vld.idx.msk [tilespmem:v46+s3+$0x0], $0xffff;
	[tilespmem:s28+$0x19B00] =	vst v2  }
0x4b1: {  	v52 =	vadd.s32 $0xC000, v1;
	v13 =	vld.idx.msk [tilespmem:v47+s3+$0x0], $0xffff;
	[tilespmem:s30+$0x19B00] =	vst v14  }
0x4b2: {  	v53 =	vadd.s32 $0xC000, v3;
	v12 =	vld.idx.msk [tilespmem:v48+s3+$0x0], $0xffff;
	[tilespmem:s31+$0x19B00] =	vst v7  }
0x4b3: {  	v54 =	vadd.s32 $0xC000, v4;
	v10 =	vld.idx.msk [tilespmem:v49+s3+$0x0], $0xffff;
	[tilespmem:s21+$0x19B00] =	vst v8  }
0x4b4: {  	[tilespmem:s24+$0x19B80] =	vst v15;
	v55 =	vadd.s32 $0xC000, v5;
	v9 =	vld.idx.msk [tilespmem:v50+s3+$0x0], $0xffff  }
0x4b5: {  	v56 =	vadd.s32 $0xC000, v6;
	v15 =	vld.idx.msk [tilespmem:v51+s3+$0x0], $0xffff;
	[tilespmem:s25+$0x19B80] =	vst v11  }
0x4b6: {  	v57 =	vadd.s32 $0xC400, v0;
	v2 =	vld.idx.msk [tilespmem:v52+s3+$0x0], $0xffff;
	[tilespmem:s28+$0x19B80] =	vst v13  }
0x4b7: {  	v58 =	vadd.s32 $0xC400, v1;
	v13 =	vld.idx.msk [tilespmem:v53+s3+$0x0], $0xffff;
	[tilespmem:s30+$0x19B80] =	vst v12  }
0x4b8: {  	v59 =	vadd.s32 $0xC400, v3;
	v7 =	vld.idx.msk [tilespmem:v54+s3+$0x0], $0xffff;
	[tilespmem:s31+$0x19B80] =	vst v10  }
0x4b9: {  	v60 =	vadd.s32 $0xC400, v4;
	v8 =	vld.idx.msk [tilespmem:v55+s3+$0x0], $0xffff;
	[tilespmem:s21+$0x19B80] =	vst v9  }
0x4ba: {  	v61 =	vadd.s32 $0xC400, v5;
	[tilespmem:s24+$0x1A000] =	vst v15;
	v9 =	vld.idx.msk [tilespmem:v56+s3+$0x0], $0xffff  }
0x4bb: {  	v62 =	vadd.s32 $0xC400, v6;
	v0 =	vld.idx.msk [tilespmem:v57+s3+$0x0], $0xffff;
	[tilespmem:s25+$0x1A000] =	vst v2  }
0x4bc: {  	v1 =	vld.idx.msk [tilespmem:v58+s3+$0x0], $0xffff;
	[tilespmem:s28+$0x1A000] =	vst v13  }
0x4bd: {  	v3 =	vld.idx.msk [tilespmem:v59+s3+$0x0], $0xffff;
	[tilespmem:s30+$0x1A000] =	vst v7  }
0x4be: {  	v4 =	vld.idx.msk [tilespmem:v60+s3+$0x0], $0xffff;
	[tilespmem:s31+$0x1A000] =	vst v8  }
0x4bf: {  	v5 =	vld.idx.msk [tilespmem:v61+s3+$0x0], $0xffff;
	[tilespmem:s21+$0x1A000] =	vst v9  }
0x4c0: {  	s20 =	sadd.s32 $0x1, s20;
	[tilespmem:s24+$0x1A080] =	vst v0;
	v63 =	vld.idx.msk [tilespmem:v62+s3+$0x0], $0xffff  }
0x4c1: {  	p0 =	sne.s32 s20, $0x32;
	[tilespmem:s25+$0x1A080] =	vst v1  }
.Ltmp2:
0x4c2: {  	[tilespmem:s28+$0x1A080] =	vst v3;
	(pc) =	sbr.rel @p0 .LBB2_2-.Ltmp2, $4  }
0x4c3: {  	[tilespmem:s30+$0x1A080] =	vst v4;
	s30 =	sor.u32 s7, s23  }
0x4c4: {  	s0 =	sshrl.u32 s30, $0x3;
	[tilespmem:s31+$0x1A080] =	vst v5  }
0x4c5: {  	s0 =	sadd.s32 s1, s0;
	[tilespmem:s21+$0x1A080] =	vst v63  }
0x4c6: {  	[hbm4b:s0+s14] =	stream.strided.scatter [tilespmem:s16], [sflag:$0x3], $0x3800, s10, s14, $0x38;
	[tilespmem:$0x1A800] =	vst v63  }
0x4c7: {  	s0 =	simm.s32 $0x2  }
0x4c8: {  	_ =	swait.ge [sflag:s0], $0x3800  }
0x4c9: {  	[sflag:s0] =	ssyncset.done $0x0  }
0x4ca: {  	s2 =	simm.s32 $0x3;
	[sflag:s0] =	ssyncadd.s32 $0xFFFFC800  }
0x4cb: {  	_ =	swait.ge [sflag:s2], $0x3800  }
0x4cc: {  	s19 =	sadd.s32 $0x1, s19;
	s31 =	rddreg [dreg:$0x6]  }
0x4cd: {  	p0 =	sne.s32 s19, s31  }
.Ltmp3:
0x4ce: {  	_ = 	snop;
	(pc) =	sbr.rel @p0 .LBB2_1-.Ltmp3, $3  }
0x4cf: {  	_ =	sdelay $0x1  }
0x4d0: {  	[sflag:s2] =	ssyncset.done $0x0  }
0x4d1: {  	[sflag:s2] =	ssyncadd.s32 $0xFFFFC800  }
0x4d2: {  	_ =	sfence.sel $0x180000  }
0x4d3: {  	[bflag:$0x0] =	sbarrier.arrive $0xFFFF  }
0x4d4: {  	_ =	strace $0x90000047  }
0x4d5: {  	s0 =	stileid.u32;
	[bflag:$0x2] =	sbarrier.arrive $0xFFFF  }
0x4d6: {  	p0 =	sne.s32 s0, $0x0;
	s0 =	rddreg [dreg:$0x3]  }
0x4d7: {  	s0 =	sadd.s32 @!p0 $0x100000, s0  }
0x4d8: {  	[sflag:s0] =	ssyncadd.tile.s32 @!p0 $0x1;
	_ =	shalt  }
.Lfunc_end2:
_tile_overlayer_lowered:
.L_overlay_start_2:
0x4d9: {  	(tag) =	ssettag $0x2  }
0x4da: {  	s0 =	rddreg [dreg:$0x0];
	s2 =	stileid.u32  }
0x4db: {  	s1 =	rddreg [dreg:$0x1];
	p0 =	sne.s32 s2, $0x0  }
0x4dc: {  	s3 =	rddreg [dreg:$0x2];
	[bflag:$0x3] =	sbarrier.arrive $0xFFFF;
	s2 =	simm.s32 @!p0 $0x1C04  }
0x4dd: {  	[timem:s3], [sflag:s2] =	dma.local @!p0 [hbm:s0], s1  }
0x4de: {  	s0 =	simm.s32 @!p0 $0x4  }
0x4df: {  	_ =	swait.ge @!p0 [sflag:s0], s1  }
0x4e0: {  	s1 =	ssub.s32 @!p0 $0x0, s1;
	[sflag:s0] =	ssyncset.done @!p0 $0x0  }
0x4e1: {  	[sflag:s0] =	ssyncadd.s32 @!p0 s1  }
0x4e2: {  	[bflag:$0x3] =	sbarrier.arrive $0xFFFF  }
0x4e3: {  	_ =	shalt  }

</sc_bundles>
